<compile_context>
chip_gen: v7x
topology: tpu7x:2x2x1
jax: 0.10.2.dev20260603
libtpu: 0.0.44.dev20260713+nightly
codegen_flags: <defaults>
</compile_context>

<pallas_src>
import functools

import numpy as np

import jax
import jax.numpy as jnp
from jax import lax
from jax.experimental import pallas as pl
from jax.experimental.pallas import tpu as pltpu
from jax.experimental.pallas import tpu_sc as plsc

N = 10000
E = 320000
D = 128
H = 64
HH = H // 2
C = 2

NC = 2
NS = 16
NP = 10240
EPT = 20480
EP = EPT * NS
K = 128
NCH = EPT // K
NSL = NP // NS
HSL = N // NS

_PERM = np.stack([np.arange(16), np.arange(16, 32)], axis=1).reshape(32)


def _sc_gat_aggregate(hbf, asv, adv, srcr, dstr):
    mesh = plsc.VectorSubcoreMesh(core_axis_name="c", subcore_axis_name="s")

    @functools.partial(
        pl.kernel,
        out_type=(
            jax.ShapeDtypeStruct((NC, N, HH), jnp.float32),
            jax.ShapeDtypeStruct((NC, NP), jnp.float32),
        ),
        mesh=mesh,
        compiler_params=pltpu.CompilerParams(
            needs_layout_passes=False, use_tc_tiling_on_sc=False),
        scratch_types=[
            pltpu.VMEM((NCH, K), jnp.int32),
            pltpu.VMEM((NCH, K), jnp.int32),
            pltpu.VMEM((N,), jnp.float32),
            pltpu.VMEM((N,), jnp.float32),
            pltpu.VMEM((NCH, K), jnp.float32),
            pltpu.VMEM((2, K, HH), jnp.bfloat16),
            pltpu.VMEM((2, K, HH), jnp.float32),
            pltpu.VMEM((NSL,), jnp.float32),
            pltpu.VMEM_SHARED((N, HH), jnp.bfloat16),
            pltpu.VMEM_SHARED((N, HH), jnp.float32),
            pltpu.VMEM_SHARED((NP,), jnp.float32),
            pltpu.SemaphoreType.DMA,
            pltpu.SemaphoreType.DMA,
            pltpu.SemaphoreType.DMA,
        ],
    )
    def k(h_hbm, as_hbm, ad_hbm, src_hbm, dst_hbm,
          out_hbm, den_hbm,
          src_v, dst_v, as_v, ad_v, ex_v, rowsb_v, rows_v, zden_v, h_s,
          acc_s, den_s, gsem, ssem, dsem):
        core = lax.axis_index("c")
        sid = lax.axis_index("s")

        pltpu.sync_copy(src_hbm.at[sid], src_v)
        pltpu.sync_copy(dst_hbm.at[sid], dst_v)
        pltpu.sync_copy(as_hbm, as_v)
        pltpu.sync_copy(ad_hbm, ad_v)
        pltpu.sync_copy(h_hbm.at[core, pl.ds(sid * HSL, HSL)],
                        h_s.at[pl.ds(sid * HSL, HSL)])

        z16 = jnp.zeros((16,), jnp.float32)

        def zrow(kk, carry):
            for j in range(HH // 16):
                rows_v[0, kk, pl.ds(j * 16, 16)] = z16
            return carry
        lax.fori_loop(0, K, zrow, 0)

        for q in range(5):
            pltpu.sync_copy(rows_v.at[0, pl.ds(0, 125)],
                            acc_s.at[pl.ds(sid * HSL + q * 125, 125)])

        def zden(i, carry):
            zden_v[pl.ds(i * 16, 16)] = z16
            return carry
        lax.fori_loop(0, NSL // 16, zden, 0)
        pltpu.sync_copy(zden_v, den_s.at[pl.ds(sid * NSL, NSL)])

        base = sid * EPT
        iota = lax.iota(jnp.int32, 16)

        def ex_chunk(c):
            for j in range(K // 16):
                s16 = src_v[c, pl.ds(j * 16, 16)]
                d16 = dst_v[c, pl.ds(j * 16, 16)]
                av = plsc.load_gather(as_v, [s16])
                bv = plsc.load_gather(ad_v, [d16])
                e = av + bv
                e = jnp.maximum(e, e * 0.2)
                ex = jnp.exp(e)
                gid = base + c * K + j * 16 + iota
                ex = jnp.where(gid < E, ex, 0.0)
                ex_v[c, pl.ds(j * 16, 16)] = ex

        plsc.subcore_barrier()

        pltpu.async_copy(h_s.at[src_v.at[0]], rowsb_v.at[0], gsem)
        mask_hi = jnp.full((16,), -65536, jnp.int32)

        def chunk(c, carry):
            p = lax.rem(c, 2)
            ex_chunk(c)
            pltpu.make_async_copy(h_s.at[src_v.at[c]], rowsb_v.at[p], gsem).wait()

            @pl.when(c >= 1)
            def _():
                pltpu.make_async_copy(
                    rows_v.at[0], acc_s.at[dst_v.at[0]], ssem).wait()

            @pl.when(c < NCH - 1)
            def _():
                pltpu.async_copy(
                    h_s.at[src_v.at[c + 1]], rowsb_v.at[lax.rem(c + 1, 2)], gsem)

            def scale(kk, carry2):
                exb = plsc.load_gather(
                    ex_v, [jnp.full((16,), c, jnp.int32),
                           jnp.full((16,), kk, jnp.int32)])
                rb = rowsb_v[p, kk, :]
                w32 = plsc.bitcast(rb, jnp.int32)
                ev = plsc.bitcast(lax.shift_left(w32, 16), jnp.float32)
                od = plsc.bitcast(jnp.bitwise_and(w32, mask_hi), jnp.float32)
                rows_v[p, kk, pl.ds(0, 16)] = ev * exb
                rows_v[p, kk, pl.ds(16, 16)] = od * exb
                return carry2
            lax.fori_loop(0, K, scale, 0)

            pltpu.make_async_copy(
                rows_v.at[p], acc_s.at[dst_v.at[c]], ssem).start(add=True)

            do_den = jnp.where(core == 0, c < NCH // 2, c >= NCH // 2)

            @pl.when(do_den)
            def _():
                pltpu.make_async_copy(
                    ex_v.at[c], den_s.at[dst_v.at[c]], dsem).start(add=True)
            return carry
        lax.fori_loop(0, NCH, chunk, 0)

        pltpu.make_async_copy(
            rows_v.at[0], acc_s.at[dst_v.at[0]], ssem).wait()

        def drain(c, carry):
            pltpu.make_async_copy(
                ex_v.at[0], den_s.at[dst_v.at[0]], dsem).wait()
            return carry
        lax.fori_loop(0, NCH // 2, drain, 0)

        plsc.subcore_barrier()

        pltpu.sync_copy(acc_s.at[pl.ds(sid * HSL, HSL)],
                        out_hbm.at[core, pl.ds(sid * HSL, HSL)])

        pltpu.sync_copy(den_s.at[pl.ds(sid * NSL, NSL)],
                        den_hbm.at[core, pl.ds(sid * NSL, NSL)])

    return k(hbf, asv, adv, srcr, dstr)


def _tc_pre(x, W1, a_s, a_d):
    def body(x_ref, w_ref, as_ref, ad_ref, h_ref, s_ref, d_ref):
        h = jnp.dot(x_ref[...], w_ref[...], preferred_element_type=jnp.float32)
        h_ref[0, :, :] = h[:, :HH]
        h_ref[1, :, :] = h[:, HH:]
        s_ref[...] = jnp.dot(h, as_ref[...], preferred_element_type=jnp.float32)
        d_ref[...] = jnp.dot(h, ad_ref[...], preferred_element_type=jnp.float32)

    return pl.pallas_call(
        body,
        out_shape=(
            jax.ShapeDtypeStruct((2, N, HH), jnp.float32),
            jax.ShapeDtypeStruct((N, 1), jnp.float32),
            jax.ShapeDtypeStruct((N, 1), jnp.float32),
        ),
        compiler_params=pltpu.CompilerParams(vmem_limit_bytes=100 * 1024 * 1024),
    )(x, W1, a_s, a_d)


def _tc_mid(outp, denp, s1, d1, hsp, b1r, W2, as2, ad2):
    def body(op_ref, dp_ref, s_ref, d_ref, h_ref, b_ref, w_ref, as_ref, ad_ref,
             h2_ref, s2_ref, d2_ref):
        sd = s_ref[...] + d_ref[...]
        exs = jnp.exp(jnp.maximum(sd, sd * 0.2))
        den = dp_ref[0, :, :] + dp_ref[1, :, :] + exs + 1e-16
        hmid0 = jnp.maximum(
            (op_ref[0, :, :] + exs * h_ref[0, :, :]) / den + b_ref[:, :HH], 0.0)
        hmid1 = jnp.maximum(
            (op_ref[1, :, :] + exs * h_ref[1, :, :]) / den + b_ref[:, HH:], 0.0)
        h2 = (jnp.dot(hmid0, w_ref[:HH, :], preferred_element_type=jnp.float32)
              + jnp.dot(hmid1, w_ref[HH:, :], preferred_element_type=jnp.float32))
        h2_ref[0, :, :] = h2[:, :HH]
        h2_ref[1, :, :] = h2[:, HH:]
        s2_ref[...] = jnp.dot(h2, as_ref[...], preferred_element_type=jnp.float32)
        d2_ref[...] = jnp.dot(h2, ad_ref[...], preferred_element_type=jnp.float32)

    NB = 2000
    row3 = pl.BlockSpec((2, NB, HH), lambda i: (0, i, 0))
    col1 = pl.BlockSpec((NB, 1), lambda i: (i, 0))
    den3 = pl.BlockSpec((2, NB, 1), lambda i: (0, i, 0))
    full = lambda a: pl.BlockSpec(a.shape, lambda i: tuple(0 for _ in a.shape))
    return pl.pallas_call(
        body,
        grid=(N // NB,),
        in_specs=[row3, den3, col1, col1, row3,
                  full(b1r), full(W2), full(as2), full(ad2)],
        out_specs=(row3, col1, col1),
        out_shape=(
            jax.ShapeDtypeStruct((2, N, HH), jnp.float32),
            jax.ShapeDtypeStruct((N, 1), jnp.float32),
            jax.ShapeDtypeStruct((N, 1), jnp.float32),
        ),
        compiler_params=pltpu.CompilerParams(vmem_limit_bytes=100 * 1024 * 1024),
    )(outp, denp, s1, d1, hsp, b1r, W2, as2, ad2)


def _tc_fin(outp, denp, s2, d2, hsp, b2r, Wr, brr, Wc, bcr):
    def body(op_ref, dp_ref, s_ref, d_ref, h_ref, b_ref, wr_ref, br_ref,
             wc_ref, bc_ref, y_ref):
        sd = s_ref[...] + d_ref[...]
        exs = jnp.exp(jnp.maximum(sd, sd * 0.2))
        den = dp_ref[0, :, :] + dp_ref[1, :, :] + exs + 1e-16
        hmid0 = jnp.maximum(
            (op_ref[0, :, :] + exs * h_ref[0, :, :]) / den + b_ref[:, :HH], 0.0)
        hmid1 = jnp.maximum(
            (op_ref[1, :, :] + exs * h_ref[1, :, :]) / den + b_ref[:, HH:], 0.0)
        t = (jnp.dot(hmid0, wr_ref[:HH, :], preferred_element_type=jnp.float32)
             + jnp.dot(hmid1, wr_ref[HH:, :], preferred_element_type=jnp.float32))
        t = t + br_ref[...]
        part = jnp.sum(t * wc_ref[...], axis=0, keepdims=True)
        i = pl.program_id(0)

        @pl.when(i == 0)
        def _():
            y_ref[...] = part + bc_ref[...]

        @pl.when(i > 0)
        def _():
            y_ref[...] = y_ref[...] + part

    NB = 2000
    row3 = pl.BlockSpec((2, NB, HH), lambda i: (0, i, 0))
    col1 = pl.BlockSpec((NB, 1), lambda i: (i, 0))
    colC = pl.BlockSpec((NB, C), lambda i: (i, 0))
    den3 = pl.BlockSpec((2, NB, 1), lambda i: (0, i, 0))
    full = lambda a: pl.BlockSpec(a.shape, lambda i: tuple(0 for _ in a.shape))
    return pl.pallas_call(
        body,
        grid=(N // NB,),
        in_specs=[row3, den3, col1, col1, row3,
                  full(b2r), full(Wr), full(brr), colC, full(bcr)],
        out_specs=pl.BlockSpec((1, C), lambda i: (0, 0)),
        out_shape=jax.ShapeDtypeStruct((1, C), jnp.float32),
        compiler_params=pltpu.CompilerParams(vmem_limit_bytes=100 * 1024 * 1024),
    )(outp, denp, s2, d2, hsp, b2r, Wr, brr, Wc, bcr)


def kernel(x, edge_index, W1, a_src1, a_dst1, b1, W2, a_src2, a_dst2, b2,
           Wr, br, Wc, bc):
    src = edge_index[0]
    dst = edge_index[1]
    srcr = jnp.pad(src, (0, EP - E)).reshape(NS, NCH, K)
    dstr = jnp.pad(dst, (0, EP - E)).reshape(NS, NCH, K)

    hs1, s1, d1 = _tc_pre(x, W1, a_src1.reshape(H, 1), a_dst1.reshape(H, 1))
    hb1 = hs1[:, :, _PERM].astype(jnp.bfloat16)
    outp1, den1 = _sc_gat_aggregate(hb1, s1.reshape(N), d1.reshape(N),
                                    srcr, dstr)
    hs2, s2, d2 = _tc_mid(outp1, den1[:, :N].reshape(NC, N, 1), s1, d1, hs1,
                          b1.reshape(1, H), W2,
                          a_src2.reshape(H, 1), a_dst2.reshape(H, 1))
    hb2 = hs2[:, :, _PERM].astype(jnp.bfloat16)
    outp2, den2 = _sc_gat_aggregate(hb2, s2.reshape(N), d2.reshape(N),
                                    srcr, dstr)
    return _tc_fin(outp2, den2[:, :N].reshape(NC, N, 1), s2, d2, hs2,
                   b2.reshape(1, H), Wr, br.reshape(1, 1), Wc, bc.reshape(1, C))

# --- scband reference (transcript-rebuilt; emitter-appended) ---
"""Pipeline reference for scband-pathway-gat2-38465727103847 (READ-ONLY COPY).

The authoritative reference and input builder live on the scoring server;
editing this copy changes nothing except your own understanding.
"""

import jax, jax.numpy as jnp
import numpy as np

N = 10000
E = 320000
D = 128
H = 64
C = 2


def adjacency_to_edge_index(edge_index):
    # Input is already in COO edge_index format [2, E]; pass through.
    return edge_index


def gat_layer(x, src, dst, W, a_src, a_dst, b):
    h = x @ W  # [N, H]
    alpha_src = h @ a_src  # [N]
    alpha_dst = h @ a_dst  # [N]
    e = alpha_src[src] + alpha_dst[dst]  # [E']
    e = jax.nn.leaky_relu(e, 0.2)
    # segment softmax over destination nodes
    m = jax.ops.segment_max(e, dst, num_segments=N)
    m = jax.lax.stop_gradient(m)
    ex = jnp.exp(e - m[dst])
    denom = jax.ops.segment_sum(ex, dst, num_segments=N)
    alpha = ex / (denom[dst] + 1e-16)
    out = jax.ops.segment_sum(h[src] * alpha[:, None], dst, num_segments=N)
    return out + b


def setup_inputs(seed: int = 0):
    key = jax.random.key(seed)
    ks = jax.random.split(key, 16)
    x = jax.random.normal(ks[0], (N, D), dtype=jnp.float32)
    edge_index = jax.random.randint(ks[1], (2, E), 0, N, dtype=jnp.int32)
    s = 0.1
    W1 = jax.random.normal(ks[2], (D, H), dtype=jnp.float32) * s
    a_src1 = jax.random.normal(ks[3], (H,), dtype=jnp.float32) * s
    a_dst1 = jax.random.normal(ks[4], (H,), dtype=jnp.float32) * s
    b1 = jnp.zeros((H,), dtype=jnp.float32)
    W2 = jax.random.normal(ks[5], (H, H), dtype=jnp.float32) * s
    a_src2 = jax.random.normal(ks[6], (H,), dtype=jnp.float32) * s
    a_dst2 = jax.random.normal(ks[7], (H,), dtype=jnp.float32) * s
    b2 = jnp.zeros((H,), dtype=jnp.float32)
    Wr = jax.random.normal(ks[8], (H, 1), dtype=jnp.float32) * s
    br = jnp.zeros((1,), dtype=jnp.float32)
    Wc = jax.random.normal(ks[9], (N, C), dtype=jnp.float32) * 0.01
    bc = jnp.zeros((C,), dtype=jnp.float32)
    return {"x": x, "edge_index": edge_index, "W1": W1, "a_src1": a_src1, "a_dst1": a_dst1, "b1": b1, "W2": W2, "a_src2": a_src2, "a_dst2": a_dst2, "b2": b2, "Wr": Wr, "br": br, "Wc": Wc, "bc": bc}


def reference(x, edge_index, W1, a_src1, a_dst1, b1, W2, a_src2, a_dst2, b2, Wr, br, Wc, bc):
    ei = adjacency_to_edge_index(edge_index)
    # add self loops (PyG GATConv default)
    loop = jnp.arange(N, dtype=ei.dtype)
    src = jnp.concatenate([ei[0], loop])
    dst = jnp.concatenate([ei[1], loop])
    h = gat_layer(x, src, dst, W1, a_src1, a_dst1, b1)
    h = jax.nn.relu(h)
    # dropout(p=0.5) is identity in eval mode
    h = gat_layer(h, src, dst, W2, a_src2, a_dst2, b2)
    h = jax.nn.relu(h)
    h = h @ Wr + br  # [N, 1]
    h = h.reshape(1, -1)  # [1, N]
    return h @ Wc + bc  # [1, C]

if __name__ == "__main__":
    import jax
    _d = setup_inputs()
    print(jax.jit(kernel)(*tuple(_d.values())))

</pallas_src>

<mosaic_0001>
#map = affine_map<(d0, d1) -> (0, 0, 0)>
#map1 = affine_map<(d0, d1) -> (0)>
#map2 = affine_map<(d0, d1) -> (0, 0)>
module attributes {stable_mosaic.version = 14 : i64} {
  func.func @k(%arg0: i32, %arg1: i32, %arg2: memref<2x10000x32xbf16, #tpu.memory_space<hbm>>, %arg3: memref<10000xf32, #tpu.memory_space<hbm>>, %arg4: memref<10000xf32, #tpu.memory_space<hbm>>, %arg5: memref<16x160x128xi32, #tpu.memory_space<hbm>>, %arg6: memref<16x160x128xi32, #tpu.memory_space<hbm>>, %arg7: memref<2x10000x32xf32, #tpu.memory_space<hbm>>, %arg8: memref<2x10240xf32, #tpu.memory_space<hbm>>, %arg9: memref<160x128xi32, #tpu.memory_space<vmem>>, %arg10: memref<160x128xi32, #tpu.memory_space<vmem>>, %arg11: memref<10000xf32, #tpu.memory_space<vmem>>, %arg12: memref<10000xf32, #tpu.memory_space<vmem>>, %arg13: memref<160x128xf32, #tpu.memory_space<vmem>>, %arg14: memref<2x128x32xbf16, #tpu.memory_space<vmem>>, %arg15: memref<2x128x32xf32, #tpu.memory_space<vmem>>, %arg16: memref<640xf32, #tpu.memory_space<vmem>>, %arg17: memref<10000x32xbf16, #tpu.memory_space<vmem_shared>>, %arg18: memref<10000x32xf32, #tpu.memory_space<vmem_shared>>, %arg19: memref<10240xf32, #tpu.memory_space<vmem_shared>>, %arg20: memref<!tpu.dma_semaphore, #tpu.memory_space<semaphore_mem>>, %arg21: memref<!tpu.dma_semaphore, #tpu.memory_space<semaphore_mem>>, %arg22: memref<!tpu.dma_semaphore, #tpu.memory_space<semaphore_mem>>) attributes {dimension_semantics = [#tpu.dimension_semantics<core_parallel>, #tpu.dimension_semantics<subcore_parallel>], iteration_bounds = array<i64: 2, 16>, scalar_prefetch = 0 : i64, scratch_operands = 14 : i64, tpu.core_type = #tpu.core_type<sc_vector_subcore>, window_params = [{transform_indices = #map}, {transform_indices = #map1}, {transform_indices = #map1}, {transform_indices = #map}, {transform_indices = #map}, {transform_indices = #map}, {transform_indices = #map2}]} {
    "tpu.region"() ({
      %run_scoped3A_87 = tpu.sem_alloc : memref<!tpu.dma_semaphore, #tpu.memory_space<semaphore_mem>>
      %dma_start3A_88 = arith.constant 0 : i32
      %dma_start3A_89 = arith.constant 0 : i32
      %dma_start3A_90 = tpu.memref_slice %arg5[%arg1, %dma_start3A_88, %dma_start3A_89] : memref<16x160x128xi32, #tpu.memory_space<hbm>> -> memref<1x160x128xi32, #tpu.memory_space<hbm>>
      %dma_start3A_91 = tpu.memref_squeeze %dma_start3A_90 : memref<1x160x128xi32, #tpu.memory_space<hbm>> -> memref<160x128xi32, #tpu.memory_space<hbm>>
      %dma_start3A_92 = arith.constant 0 : i32
      %dma_start3A_93 = arith.constant 0 : i32
      %dma_start3A_94 = tpu.memref_slice %arg5[%arg1, %dma_start3A_92, %dma_start3A_93] : memref<16x160x128xi32, #tpu.memory_space<hbm>> -> memref<1x160x128xi32, #tpu.memory_space<hbm>>
      %dma_start3A_95 = tpu.memref_squeeze %dma_start3A_94 : memref<1x160x128xi32, #tpu.memory_space<hbm>> -> memref<160x128xi32, #tpu.memory_space<hbm>>
      tpu.enqueue_dma source(%dma_start3A_95 : memref<160x128xi32, #tpu.memory_space<hbm>>) target(%arg9 : memref<160x128xi32, #tpu.memory_space<vmem>>) target_semaphore(%run_scoped3A_87 : memref<!tpu.dma_semaphore, #tpu.memory_space<semaphore_mem>>)
      %dma_wait3A_96 = arith.constant 0 : i32
      %dma_wait3A_97 = arith.constant 0 : i32
      %dma_wait3A_98 = tpu.memref_slice %arg5[%arg1, %dma_wait3A_96, %dma_wait3A_97] : memref<16x160x128xi32, #tpu.memory_space<hbm>> -> memref<1x160x128xi32, #tpu.memory_space<hbm>>
      %dma_wait3A_99 = tpu.memref_squeeze %dma_wait3A_98 : memref<1x160x128xi32, #tpu.memory_space<hbm>> -> memref<160x128xi32, #tpu.memory_space<hbm>>
      %dma_wait3A_100 = arith.constant 0 : i32
      %dma_wait3A_101 = arith.constant 0 : i32
      %dma_wait3A_102 = tpu.memref_slice %arg5[%arg1, %dma_wait3A_100, %dma_wait3A_101] : memref<16x160x128xi32, #tpu.memory_space<hbm>> -> memref<1x160x128xi32, #tpu.memory_space<hbm>>
      %dma_wait3A_103 = tpu.memref_squeeze %dma_wait3A_102 : memref<1x160x128xi32, #tpu.memory_space<hbm>> -> memref<160x128xi32, #tpu.memory_space<hbm>>
      tpu.wait_dma2 semaphore(%run_scoped3A_87 : memref<!tpu.dma_semaphore, #tpu.memory_space<semaphore_mem>>) src(%dma_wait3A_103 : memref<160x128xi32, #tpu.memory_space<hbm>>) dst(%arg9 : memref<160x128xi32, #tpu.memory_space<vmem>>)
      tpu.yield
    }) : () -> ()
    "tpu.region"() ({
      %run_scoped3A_87 = tpu.sem_alloc : memref<!tpu.dma_semaphore, #tpu.memory_space<semaphore_mem>>
      %dma_start3A_88 = arith.constant 0 : i32
      %dma_start3A_89 = arith.constant 0 : i32
      %dma_start3A_90 = tpu.memref_slice %arg6[%arg1, %dma_start3A_88, %dma_start3A_89] : memref<16x160x128xi32, #tpu.memory_space<hbm>> -> memref<1x160x128xi32, #tpu.memory_space<hbm>>
      %dma_start3A_91 = tpu.memref_squeeze %dma_start3A_90 : memref<1x160x128xi32, #tpu.memory_space<hbm>> -> memref<160x128xi32, #tpu.memory_space<hbm>>
      %dma_start3A_92 = arith.constant 0 : i32
      %dma_start3A_93 = arith.constant 0 : i32
      %dma_start3A_94 = tpu.memref_slice %arg6[%arg1, %dma_start3A_92, %dma_start3A_93] : memref<16x160x128xi32, #tpu.memory_space<hbm>> -> memref<1x160x128xi32, #tpu.memory_space<hbm>>
      %dma_start3A_95 = tpu.memref_squeeze %dma_start3A_94 : memref<1x160x128xi32, #tpu.memory_space<hbm>> -> memref<160x128xi32, #tpu.memory_space<hbm>>
      tpu.enqueue_dma source(%dma_start3A_95 : memref<160x128xi32, #tpu.memory_space<hbm>>) target(%arg10 : memref<160x128xi32, #tpu.memory_space<vmem>>) target_semaphore(%run_scoped3A_87 : memref<!tpu.dma_semaphore, #tpu.memory_space<semaphore_mem>>)
      %dma_wait3A_96 = arith.constant 0 : i32
      %dma_wait3A_97 = arith.constant 0 : i32
      %dma_wait3A_98 = tpu.memref_slice %arg6[%arg1, %dma_wait3A_96, %dma_wait3A_97] : memref<16x160x128xi32, #tpu.memory_space<hbm>> -> memref<1x160x128xi32, #tpu.memory_space<hbm>>
      %dma_wait3A_99 = tpu.memref_squeeze %dma_wait3A_98 : memref<1x160x128xi32, #tpu.memory_space<hbm>> -> memref<160x128xi32, #tpu.memory_space<hbm>>
      %dma_wait3A_100 = arith.constant 0 : i32
      %dma_wait3A_101 = arith.constant 0 : i32
      %dma_wait3A_102 = tpu.memref_slice %arg6[%arg1, %dma_wait3A_100, %dma_wait3A_101] : memref<16x160x128xi32, #tpu.memory_space<hbm>> -> memref<1x160x128xi32, #tpu.memory_space<hbm>>
      %dma_wait3A_103 = tpu.memref_squeeze %dma_wait3A_102 : memref<1x160x128xi32, #tpu.memory_space<hbm>> -> memref<160x128xi32, #tpu.memory_space<hbm>>
      tpu.wait_dma2 semaphore(%run_scoped3A_87 : memref<!tpu.dma_semaphore, #tpu.memory_space<semaphore_mem>>) src(%dma_wait3A_103 : memref<160x128xi32, #tpu.memory_space<hbm>>) dst(%arg10 : memref<160x128xi32, #tpu.memory_space<vmem>>)
      tpu.yield
    }) : () -> ()
    "tpu.region"() ({
      %run_scoped3A_87 = tpu.sem_alloc : memref<!tpu.dma_semaphore, #tpu.memory_space<semaphore_mem>>
      tpu.enqueue_dma source(%arg3 : memref<10000xf32, #tpu.memory_space<hbm>>) target(%arg11 : memref<10000xf32, #tpu.memory_space<vmem>>) target_semaphore(%run_scoped3A_87 : memref<!tpu.dma_semaphore, #tpu.memory_space<semaphore_mem>>)
      tpu.wait_dma2 semaphore(%run_scoped3A_87 : memref<!tpu.dma_semaphore, #tpu.memory_space<semaphore_mem>>) src(%arg3 : memref<10000xf32, #tpu.memory_space<hbm>>) dst(%arg11 : memref<10000xf32, #tpu.memory_space<vmem>>)
      tpu.yield
    }) : () -> ()
    "tpu.region"() ({
      %run_scoped3A_87 = tpu.sem_alloc : memref<!tpu.dma_semaphore, #tpu.memory_space<semaphore_mem>>
      tpu.enqueue_dma source(%arg4 : memref<10000xf32, #tpu.memory_space<hbm>>) target(%arg12 : memref<10000xf32, #tpu.memory_space<vmem>>) target_semaphore(%run_scoped3A_87 : memref<!tpu.dma_semaphore, #tpu.memory_space<semaphore_mem>>)
      tpu.wait_dma2 semaphore(%run_scoped3A_87 : memref<!tpu.dma_semaphore, #tpu.memory_space<semaphore_mem>>) src(%arg4 : memref<10000xf32, #tpu.memory_space<hbm>>) dst(%arg12 : memref<10000xf32, #tpu.memory_space<vmem>>)
      tpu.yield
    }) : () -> ()
    %mul3A = arith.constant 625 : i32
    %mul3A_0 = arith.muli %arg1, %mul3A : i32
    %mul3A_1 = arith.constant 625 : i32
    %mul3A_2 = arith.muli %arg1, %mul3A_1 : i32
    "tpu.region"() ({
      %run_scoped3A_87 = tpu.sem_alloc : memref<!tpu.dma_semaphore, #tpu.memory_space<semaphore_mem>>
      %dma_start3A_88 = arith.constant 0 : i32
      %dma_start3A_89 = tpu.memref_slice %arg17[%mul3A_2, %dma_start3A_88] : memref<10000x32xbf16, #tpu.memory_space<vmem_shared>> -> memref<625x32xbf16, #tpu.memory_space<vmem_shared>>
      %dma_start3A_90 = arith.constant 0 : i32
      %dma_start3A_91 = tpu.memref_slice %arg2[%arg0, %mul3A_0, %dma_start3A_90] : memref<2x10000x32xbf16, #tpu.memory_space<hbm>> -> memref<1x625x32xbf16, #tpu.memory_space<hbm>>
      %dma_start3A_92 = tpu.memref_squeeze %dma_start3A_91 : memref<1x625x32xbf16, #tpu.memory_space<hbm>> -> memref<625x32xbf16, #tpu.memory_space<hbm>>
      tpu.enqueue_dma source(%dma_start3A_92 : memref<625x32xbf16, #tpu.memory_space<hbm>>) target(%dma_start3A_89 : memref<625x32xbf16, #tpu.memory_space<vmem_shared>>) target_semaphore(%run_scoped3A_87 : memref<!tpu.dma_semaphore, #tpu.memory_space<semaphore_mem>>)
      %dma_wait3A_93 = arith.constant 0 : i32
      %dma_wait3A_94 = tpu.memref_slice %arg17[%mul3A_2, %dma_wait3A_93] : memref<10000x32xbf16, #tpu.memory_space<vmem_shared>> -> memref<625x32xbf16, #tpu.memory_space<vmem_shared>>
      %dma_wait3A_95 = arith.constant 0 : i32
      %dma_wait3A_96 = tpu.memref_slice %arg2[%arg0, %mul3A_0, %dma_wait3A_95] : memref<2x10000x32xbf16, #tpu.memory_space<hbm>> -> memref<1x625x32xbf16, #tpu.memory_space<hbm>>
      %dma_wait3A_97 = tpu.memref_squeeze %dma_wait3A_96 : memref<1x625x32xbf16, #tpu.memory_space<hbm>> -> memref<625x32xbf16, #tpu.memory_space<hbm>>
      tpu.wait_dma2 semaphore(%run_scoped3A_87 : memref<!tpu.dma_semaphore, #tpu.memory_space<semaphore_mem>>) src(%dma_wait3A_97 : memref<625x32xbf16, #tpu.memory_space<hbm>>) dst(%dma_wait3A_94 : memref<625x32xbf16, #tpu.memory_space<vmem_shared>>)
      tpu.yield
    }) : () -> ()
    %broadcast_in_dim3A = arith.constant 0.000000e+00 : f32
    %broadcast_in_dim3A_3 = vector.broadcast %broadcast_in_dim3A : f32 to vector<16xf32>
    %scan3A = arith.constant 0 : i32
    %scan3A_4 = arith.constant 0 : i32
    %scan3A_5 = arith.constant 128 : i32
    %scan3A_6 = arith.addi %scan3A_4, %scan3A_5 : i32
    %scan3A_7 = arith.constant 1 : i32
    scf.for %scan3A_87 = %scan3A_4 to %scan3A_6 step %scan3A_7  : i32 {
      %swap3A = arith.constant 0 : i32
      %swap3A_88 = arith.index_cast %swap3A : i32 to index
      %swap3A_89 = arith.index_cast %scan3A_87 : i32 to index
      %swap3A_90 = arith.constant 0 : index
      %swap3A_91 = tpu.vector_load %arg15[%swap3A_88, %swap3A_89, %swap3A_90] {strides = array<i32>} : memref<2x128x32xf32, #tpu.memory_space<vmem>>, vector<16xf32>,
      tpu.vector_store %arg15[%swap3A_88, %swap3A_89, %swap3A_90], %broadcast_in_dim3A_3 {strides = array<i32>} : memref<2x128x32xf32, #tpu.memory_space<vmem>>, vector<16xf32>,
      %swap3A_92 = arith.constant 0 : i32
      %swap3A_93 = arith.index_cast %swap3A_92 : i32 to index
      %swap3A_94 = arith.index_cast %scan3A_87 : i32 to index
      %swap3A_95 = arith.constant 16 : index
      %swap3A_96 = tpu.vector_load %arg15[%swap3A_93, %swap3A_94, %swap3A_95] {strides = array<i32>} : memref<2x128x32xf32, #tpu.memory_space<vmem>>, vector<16xf32>,
      tpu.vector_store %arg15[%swap3A_93, %swap3A_94, %swap3A_95], %broadcast_in_dim3A_3 {strides = array<i32>} : memref<2x128x32xf32, #tpu.memory_space<vmem>>, vector<16xf32>,
    }
    %scan3A_8 = arith.constant 128 : i32
    %mul3A_9 = arith.constant 625 : i32
    %mul3A_10 = arith.muli %arg1, %mul3A_9 : i32
    %add3A = arith.constant 0 : i32
    %add3A_11 = arith.addi %mul3A_10, %add3A : i32
    %run_scoped3A = arith.constant 0 : i32
    "tpu.region"() ({
      %run_scoped3A_87 = tpu.sem_alloc : memref<!tpu.dma_semaphore, #tpu.memory_space<semaphore_mem>>
      %dma_start3A_88 = arith.constant 0 : i32
      %dma_start3A_89 = arith.constant 0 : i32
      %dma_start3A_90 = tpu.memref_slice %arg15[%run_scoped3A, %dma_start3A_88, %dma_start3A_89] : memref<2x128x32xf32, #tpu.memory_space<vmem>> -> memref<1x125x32xf32, #tpu.memory_space<vmem>>
      %dma_start3A_91 = tpu.memref_squeeze %dma_start3A_90 : memref<1x125x32xf32, #tpu.memory_space<vmem>> -> memref<125x32xf32, #tpu.memory_space<vmem>>
      %dma_start3A_92 = arith.constant 0 : i32
      %dma_start3A_93 = tpu.memref_slice %arg18[%add3A_11, %dma_start3A_92] : memref<10000x32xf32, #tpu.memory_space<vmem_shared>> -> memref<125x32xf32, #tpu.memory_space<vmem_shared>>
      %dma_start3A_94 = arith.constant 0 : i32
      %dma_start3A_95 = tpu.memref_slice %arg18[%add3A_11, %dma_start3A_94] : memref<10000x32xf32, #tpu.memory_space<vmem_shared>> -> memref<125x32xf32, #tpu.memory_space<vmem_shared>>
      %dma_start3A_96 = arith.constant 0 : i32
      %dma_start3A_97 = arith.constant 0 : i32
      %dma_start3A_98 = tpu.memref_slice %arg15[%run_scoped3A, %dma_start3A_96, %dma_start3A_97] : memref<2x128x32xf32, #tpu.memory_space<vmem>> -> memref<1x125x32xf32, #tpu.memory_space<vmem>>
      %dma_start3A_99 = tpu.memref_squeeze %dma_start3A_98 : memref<1x125x32xf32, #tpu.memory_space<vmem>> -> memref<125x32xf32, #tpu.memory_space<vmem>>
      tpu.enqueue_dma source(%dma_start3A_99 : memref<125x32xf32, #tpu.memory_space<vmem>>) target(%dma_start3A_95 : memref<125x32xf32, #tpu.memory_space<vmem_shared>>) target_semaphore(%run_scoped3A_87 : memref<!tpu.dma_semaphore, #tpu.memory_space<semaphore_mem>>)
      %dma_wait3A_100 = arith.constant 0 : i32
      %dma_wait3A_101 = arith.constant 0 : i32
      %dma_wait3A_102 = tpu.memref_slice %arg15[%run_scoped3A, %dma_wait3A_100, %dma_wait3A_101] : memref<2x128x32xf32, #tpu.memory_space<vmem>> -> memref<1x125x32xf32, #tpu.memory_space<vmem>>
      %dma_wait3A_103 = tpu.memref_squeeze %dma_wait3A_102 : memref<1x125x32xf32, #tpu.memory_space<vmem>> -> memref<125x32xf32, #tpu.memory_space<vmem>>
      %dma_wait3A_104 = arith.constant 0 : i32
      %dma_wait3A_105 = tpu.memref_slice %arg18[%add3A_11, %dma_wait3A_104] : memref<10000x32xf32, #tpu.memory_space<vmem_shared>> -> memref<125x32xf32, #tpu.memory_space<vmem_shared>>
      %dma_wait3A_106 = arith.constant 0 : i32
      %dma_wait3A_107 = tpu.memref_slice %arg18[%add3A_11, %dma_wait3A_106] : memref<10000x32xf32, #tpu.memory_space<vmem_shared>> -> memref<125x32xf32, #tpu.memory_space<vmem_shared>>
      %dma_wait3A_108 = arith.constant 0 : i32
      %dma_wait3A_109 = arith.constant 0 : i32
      %dma_wait3A_110 = tpu.memref_slice %arg15[%run_scoped3A, %dma_wait3A_108, %dma_wait3A_109] : memref<2x128x32xf32, #tpu.memory_space<vmem>> -> memref<1x125x32xf32, #tpu.memory_space<vmem>>
      %dma_wait3A_111 = tpu.memref_squeeze %dma_wait3A_110 : memref<1x125x32xf32, #tpu.memory_space<vmem>> -> memref<125x32xf32, #tpu.memory_space<vmem>>
      tpu.wait_dma2 semaphore(%run_scoped3A_87 : memref<!tpu.dma_semaphore, #tpu.memory_space<semaphore_mem>>) src(%dma_wait3A_111 : memref<125x32xf32, #tpu.memory_space<vmem>>) dst(%dma_wait3A_107 : memref<125x32xf32, #tpu.memory_space<vmem_shared>>)
      tpu.yield
    }) : () -> ()
    %mul3A_12 = arith.constant 625 : i32
    %mul3A_13 = arith.muli %arg1, %mul3A_12 : i32
    %add3A_14 = arith.constant 125 : i32
    %add3A_15 = arith.addi %mul3A_13, %add3A_14 : i32
    %run_scoped3A_16 = arith.constant 0 : i32
    "tpu.region"() ({
      %run_scoped3A_87 = tpu.sem_alloc : memref<!tpu.dma_semaphore, #tpu.memory_space<semaphore_mem>>
      %dma_start3A_88 = arith.constant 0 : i32
      %dma_start3A_89 = arith.constant 0 : i32
      %dma_start3A_90 = tpu.memref_slice %arg15[%run_scoped3A_16, %dma_start3A_88, %dma_start3A_89] : memref<2x128x32xf32, #tpu.memory_space<vmem>> -> memref<1x125x32xf32, #tpu.memory_space<vmem>>
      %dma_start3A_91 = tpu.memref_squeeze %dma_start3A_90 : memref<1x125x32xf32, #tpu.memory_space<vmem>> -> memref<125x32xf32, #tpu.memory_space<vmem>>
      %dma_start3A_92 = arith.constant 0 : i32
      %dma_start3A_93 = tpu.memref_slice %arg18[%add3A_15, %dma_start3A_92] : memref<10000x32xf32, #tpu.memory_space<vmem_shared>> -> memref<125x32xf32, #tpu.memory_space<vmem_shared>>
      %dma_start3A_94 = arith.constant 0 : i32
      %dma_start3A_95 = tpu.memref_slice %arg18[%add3A_15, %dma_start3A_94] : memref<10000x32xf32, #tpu.memory_space<vmem_shared>> -> memref<125x32xf32, #tpu.memory_space<vmem_shared>>
      %dma_start3A_96 = arith.constant 0 : i32
      %dma_start3A_97 = arith.constant 0 : i32
      %dma_start3A_98 = tpu.memref_slice %arg15[%run_scoped3A_16, %dma_start3A_96, %dma_start3A_97] : memref<2x128x32xf32, #tpu.memory_space<vmem>> -> memref<1x125x32xf32, #tpu.memory_space<vmem>>
      %dma_start3A_99 = tpu.memref_squeeze %dma_start3A_98 : memref<1x125x32xf32, #tpu.memory_space<vmem>> -> memref<125x32xf32, #tpu.memory_space<vmem>>
      tpu.enqueue_dma source(%dma_start3A_99 : memref<125x32xf32, #tpu.memory_space<vmem>>) target(%dma_start3A_95 : memref<125x32xf32, #tpu.memory_space<vmem_shared>>) target_semaphore(%run_scoped3A_87 : memref<!tpu.dma_semaphore, #tpu.memory_space<semaphore_mem>>)
      %dma_wait3A_100 = arith.constant 0 : i32
      %dma_wait3A_101 = arith.constant 0 : i32
      %dma_wait3A_102 = tpu.memref_slice %arg15[%run_scoped3A_16, %dma_wait3A_100, %dma_wait3A_101] : memref<2x128x32xf32, #tpu.memory_space<vmem>> -> memref<1x125x32xf32, #tpu.memory_space<vmem>>
      %dma_wait3A_103 = tpu.memref_squeeze %dma_wait3A_102 : memref<1x125x32xf32, #tpu.memory_space<vmem>> -> memref<125x32xf32, #tpu.memory_space<vmem>>
      %dma_wait3A_104 = arith.constant 0 : i32
      %dma_wait3A_105 = tpu.memref_slice %arg18[%add3A_15, %dma_wait3A_104] : memref<10000x32xf32, #tpu.memory_space<vmem_shared>> -> memref<125x32xf32, #tpu.memory_space<vmem_shared>>
      %dma_wait3A_106 = arith.constant 0 : i32
      %dma_wait3A_107 = tpu.memref_slice %arg18[%add3A_15, %dma_wait3A_106] : memref<10000x32xf32, #tpu.memory_space<vmem_shared>> -> memref<125x32xf32, #tpu.memory_space<vmem_shared>>
      %dma_wait3A_108 = arith.constant 0 : i32
      %dma_wait3A_109 = arith.constant 0 : i32
      %dma_wait3A_110 = tpu.memref_slice %arg15[%run_scoped3A_16, %dma_wait3A_108, %dma_wait3A_109] : memref<2x128x32xf32, #tpu.memory_space<vmem>> -> memref<1x125x32xf32, #tpu.memory_space<vmem>>
      %dma_wait3A_111 = tpu.memref_squeeze %dma_wait3A_110 : memref<1x125x32xf32, #tpu.memory_space<vmem>> -> memref<125x32xf32, #tpu.memory_space<vmem>>
      tpu.wait_dma2 semaphore(%run_scoped3A_87 : memref<!tpu.dma_semaphore, #tpu.memory_space<semaphore_mem>>) src(%dma_wait3A_111 : memref<125x32xf32, #tpu.memory_space<vmem>>) dst(%dma_wait3A_107 : memref<125x32xf32, #tpu.memory_space<vmem_shared>>)
      tpu.yield
    }) : () -> ()
    %mul3A_17 = arith.constant 625 : i32
    %mul3A_18 = arith.muli %arg1, %mul3A_17 : i32
    %add3A_19 = arith.constant 250 : i32
    %add3A_20 = arith.addi %mul3A_18, %add3A_19 : i32
    %run_scoped3A_21 = arith.constant 0 : i32
    "tpu.region"() ({
      %run_scoped3A_87 = tpu.sem_alloc : memref<!tpu.dma_semaphore, #tpu.memory_space<semaphore_mem>>
      %dma_start3A_88 = arith.constant 0 : i32
      %dma_start3A_89 = arith.constant 0 : i32
      %dma_start3A_90 = tpu.memref_slice %arg15[%run_scoped3A_21, %dma_start3A_88, %dma_start3A_89] : memref<2x128x32xf32, #tpu.memory_space<vmem>> -> memref<1x125x32xf32, #tpu.memory_space<vmem>>
      %dma_start3A_91 = tpu.memref_squeeze %dma_start3A_90 : memref<1x125x32xf32, #tpu.memory_space<vmem>> -> memref<125x32xf32, #tpu.memory_space<vmem>>
      %dma_start3A_92 = arith.constant 0 : i32
      %dma_start3A_93 = tpu.memref_slice %arg18[%add3A_20, %dma_start3A_92] : memref<10000x32xf32, #tpu.memory_space<vmem_shared>> -> memref<125x32xf32, #tpu.memory_space<vmem_shared>>
      %dma_start3A_94 = arith.constant 0 : i32
      %dma_start3A_95 = tpu.memref_slice %arg18[%add3A_20, %dma_start3A_94] : memref<10000x32xf32, #tpu.memory_space<vmem_shared>> -> memref<125x32xf32, #tpu.memory_space<vmem_shared>>
      %dma_start3A_96 = arith.constant 0 : i32
      %dma_start3A_97 = arith.constant 0 : i32
      %dma_start3A_98 = tpu.memref_slice %arg15[%run_scoped3A_21, %dma_start3A_96, %dma_start3A_97] : memref<2x128x32xf32, #tpu.memory_space<vmem>> -> memref<1x125x32xf32, #tpu.memory_space<vmem>>
      %dma_start3A_99 = tpu.memref_squeeze %dma_start3A_98 : memref<1x125x32xf32, #tpu.memory_space<vmem>> -> memref<125x32xf32, #tpu.memory_space<vmem>>
      tpu.enqueue_dma source(%dma_start3A_99 : memref<125x32xf32, #tpu.memory_space<vmem>>) target(%dma_start3A_95 : memref<125x32xf32, #tpu.memory_space<vmem_shared>>) target_semaphore(%run_scoped3A_87 : memref<!tpu.dma_semaphore, #tpu.memory_space<semaphore_mem>>)
      %dma_wait3A_100 = arith.constant 0 : i32
      %dma_wait3A_101 = arith.constant 0 : i32
      %dma_wait3A_102 = tpu.memref_slice %arg15[%run_scoped3A_21, %dma_wait3A_100, %dma_wait3A_101] : memref<2x128x32xf32, #tpu.memory_space<vmem>> -> memref<1x125x32xf32, #tpu.memory_space<vmem>>
      %dma_wait3A_103 = tpu.memref_squeeze %dma_wait3A_102 : memref<1x125x32xf32, #tpu.memory_space<vmem>> -> memref<125x32xf32, #tpu.memory_space<vmem>>
      %dma_wait3A_104 = arith.constant 0 : i32
      %dma_wait3A_105 = tpu.memref_slice %arg18[%add3A_20, %dma_wait3A_104] : memref<10000x32xf32, #tpu.memory_space<vmem_shared>> -> memref<125x32xf32, #tpu.memory_space<vmem_shared>>
      %dma_wait3A_106 = arith.constant 0 : i32
      %dma_wait3A_107 = tpu.memref_slice %arg18[%add3A_20, %dma_wait3A_106] : memref<10000x32xf32, #tpu.memory_space<vmem_shared>> -> memref<125x32xf32, #tpu.memory_space<vmem_shared>>
      %dma_wait3A_108 = arith.constant 0 : i32
      %dma_wait3A_109 = arith.constant 0 : i32
      %dma_wait3A_110 = tpu.memref_slice %arg15[%run_scoped3A_21, %dma_wait3A_108, %dma_wait3A_109] : memref<2x128x32xf32, #tpu.memory_space<vmem>> -> memref<1x125x32xf32, #tpu.memory_space<vmem>>
      %dma_wait3A_111 = tpu.memref_squeeze %dma_wait3A_110 : memref<1x125x32xf32, #tpu.memory_space<vmem>> -> memref<125x32xf32, #tpu.memory_space<vmem>>
      tpu.wait_dma2 semaphore(%run_scoped3A_87 : memref<!tpu.dma_semaphore, #tpu.memory_space<semaphore_mem>>) src(%dma_wait3A_111 : memref<125x32xf32, #tpu.memory_space<vmem>>) dst(%dma_wait3A_107 : memref<125x32xf32, #tpu.memory_space<vmem_shared>>)
      tpu.yield
    }) : () -> ()
    %mul3A_22 = arith.constant 625 : i32
    %mul3A_23 = arith.muli %arg1, %mul3A_22 : i32
    %add3A_24 = arith.constant 375 : i32
    %add3A_25 = arith.addi %mul3A_23, %add3A_24 : i32
    %run_scoped3A_26 = arith.constant 0 : i32
    "tpu.region"() ({
      %run_scoped3A_87 = tpu.sem_alloc : memref<!tpu.dma_semaphore, #tpu.memory_space<semaphore_mem>>
      %dma_start3A_88 = arith.constant 0 : i32
      %dma_start3A_89 = arith.constant 0 : i32
      %dma_start3A_90 = tpu.memref_slice %arg15[%run_scoped3A_26, %dma_start3A_88, %dma_start3A_89] : memref<2x128x32xf32, #tpu.memory_space<vmem>> -> memref<1x125x32xf32, #tpu.memory_space<vmem>>
      %dma_start3A_91 = tpu.memref_squeeze %dma_start3A_90 : memref<1x125x32xf32, #tpu.memory_space<vmem>> -> memref<125x32xf32, #tpu.memory_space<vmem>>
      %dma_start3A_92 = arith.constant 0 : i32
      %dma_start3A_93 = tpu.memref_slice %arg18[%add3A_25, %dma_start3A_92] : memref<10000x32xf32, #tpu.memory_space<vmem_shared>> -> memref<125x32xf32, #tpu.memory_space<vmem_shared>>
      %dma_start3A_94 = arith.constant 0 : i32
      %dma_start3A_95 = tpu.memref_slice %arg18[%add3A_25, %dma_start3A_94] : memref<10000x32xf32, #tpu.memory_space<vmem_shared>> -> memref<125x32xf32, #tpu.memory_space<vmem_shared>>
      %dma_start3A_96 = arith.constant 0 : i32
      %dma_start3A_97 = arith.constant 0 : i32
      %dma_start3A_98 = tpu.memref_slice %arg15[%run_scoped3A_26, %dma_start3A_96, %dma_start3A_97] : memref<2x128x32xf32, #tpu.memory_space<vmem>> -> memref<1x125x32xf32, #tpu.memory_space<vmem>>
      %dma_start3A_99 = tpu.memref_squeeze %dma_start3A_98 : memref<1x125x32xf32, #tpu.memory_space<vmem>> -> memref<125x32xf32, #tpu.memory_space<vmem>>
      tpu.enqueue_dma source(%dma_start3A_99 : memref<125x32xf32, #tpu.memory_space<vmem>>) target(%dma_start3A_95 : memref<125x32xf32, #tpu.memory_space<vmem_shared>>) target_semaphore(%run_scoped3A_87 : memref<!tpu.dma_semaphore, #tpu.memory_space<semaphore_mem>>)
      %dma_wait3A_100 = arith.constant 0 : i32
      %dma_wait3A_101 = arith.constant 0 : i32
      %dma_wait3A_102 = tpu.memref_slice %arg15[%run_scoped3A_26, %dma_wait3A_100, %dma_wait3A_101] : memref<2x128x32xf32, #tpu.memory_space<vmem>> -> memref<1x125x32xf32, #tpu.memory_space<vmem>>
      %dma_wait3A_103 = tpu.memref_squeeze %dma_wait3A_102 : memref<1x125x32xf32, #tpu.memory_space<vmem>> -> memref<125x32xf32, #tpu.memory_space<vmem>>
      %dma_wait3A_104 = arith.constant 0 : i32
      %dma_wait3A_105 = tpu.memref_slice %arg18[%add3A_25, %dma_wait3A_104] : memref<10000x32xf32, #tpu.memory_space<vmem_shared>> -> memref<125x32xf32, #tpu.memory_space<vmem_shared>>
      %dma_wait3A_106 = arith.constant 0 : i32
      %dma_wait3A_107 = tpu.memref_slice %arg18[%add3A_25, %dma_wait3A_106] : memref<10000x32xf32, #tpu.memory_space<vmem_shared>> -> memref<125x32xf32, #tpu.memory_space<vmem_shared>>
      %dma_wait3A_108 = arith.constant 0 : i32
      %dma_wait3A_109 = arith.constant 0 : i32
      %dma_wait3A_110 = tpu.memref_slice %arg15[%run_scoped3A_26, %dma_wait3A_108, %dma_wait3A_109] : memref<2x128x32xf32, #tpu.memory_space<vmem>> -> memref<1x125x32xf32, #tpu.memory_space<vmem>>
      %dma_wait3A_111 = tpu.memref_squeeze %dma_wait3A_110 : memref<1x125x32xf32, #tpu.memory_space<vmem>> -> memref<125x32xf32, #tpu.memory_space<vmem>>
      tpu.wait_dma2 semaphore(%run_scoped3A_87 : memref<!tpu.dma_semaphore, #tpu.memory_space<semaphore_mem>>) src(%dma_wait3A_111 : memref<125x32xf32, #tpu.memory_space<vmem>>) dst(%dma_wait3A_107 : memref<125x32xf32, #tpu.memory_space<vmem_shared>>)
      tpu.yield
    }) : () -> ()
    %mul3A_27 = arith.constant 625 : i32
    %mul3A_28 = arith.muli %arg1, %mul3A_27 : i32
    %add3A_29 = arith.constant 500 : i32
    %add3A_30 = arith.addi %mul3A_28, %add3A_29 : i32
    %run_scoped3A_31 = arith.constant 0 : i32
    "tpu.region"() ({
      %run_scoped3A_87 = tpu.sem_alloc : memref<!tpu.dma_semaphore, #tpu.memory_space<semaphore_mem>>
      %dma_start3A_88 = arith.constant 0 : i32
      %dma_start3A_89 = arith.constant 0 : i32
      %dma_start3A_90 = tpu.memref_slice %arg15[%run_scoped3A_31, %dma_start3A_88, %dma_start3A_89] : memref<2x128x32xf32, #tpu.memory_space<vmem>> -> memref<1x125x32xf32, #tpu.memory_space<vmem>>
      %dma_start3A_91 = tpu.memref_squeeze %dma_start3A_90 : memref<1x125x32xf32, #tpu.memory_space<vmem>> -> memref<125x32xf32, #tpu.memory_space<vmem>>
      %dma_start3A_92 = arith.constant 0 : i32
      %dma_start3A_93 = tpu.memref_slice %arg18[%add3A_30, %dma_start3A_92] : memref<10000x32xf32, #tpu.memory_space<vmem_shared>> -> memref<125x32xf32, #tpu.memory_space<vmem_shared>>
      %dma_start3A_94 = arith.constant 0 : i32
      %dma_start3A_95 = tpu.memref_slice %arg18[%add3A_30, %dma_start3A_94] : memref<10000x32xf32, #tpu.memory_space<vmem_shared>> -> memref<125x32xf32, #tpu.memory_space<vmem_shared>>
      %dma_start3A_96 = arith.constant 0 : i32
      %dma_start3A_97 = arith.constant 0 : i32
      %dma_start3A_98 = tpu.memref_slice %arg15[%run_scoped3A_31, %dma_start3A_96, %dma_start3A_97] : memref<2x128x32xf32, #tpu.memory_space<vmem>> -> memref<1x125x32xf32, #tpu.memory_space<vmem>>
      %dma_start3A_99 = tpu.memref_squeeze %dma_start3A_98 : memref<1x125x32xf32, #tpu.memory_space<vmem>> -> memref<125x32xf32, #tpu.memory_space<vmem>>
      tpu.enqueue_dma source(%dma_start3A_99 : memref<125x32xf32, #tpu.memory_space<vmem>>) target(%dma_start3A_95 : memref<125x32xf32, #tpu.memory_space<vmem_shared>>) target_semaphore(%run_scoped3A_87 : memref<!tpu.dma_semaphore, #tpu.memory_space<semaphore_mem>>)
      %dma_wait3A_100 = arith.constant 0 : i32
      %dma_wait3A_101 = arith.constant 0 : i32
      %dma_wait3A_102 = tpu.memref_slice %arg15[%run_scoped3A_31, %dma_wait3A_100, %dma_wait3A_101] : memref<2x128x32xf32, #tpu.memory_space<vmem>> -> memref<1x125x32xf32, #tpu.memory_space<vmem>>
      %dma_wait3A_103 = tpu.memref_squeeze %dma_wait3A_102 : memref<1x125x32xf32, #tpu.memory_space<vmem>> -> memref<125x32xf32, #tpu.memory_space<vmem>>
      %dma_wait3A_104 = arith.constant 0 : i32
      %dma_wait3A_105 = tpu.memref_slice %arg18[%add3A_30, %dma_wait3A_104] : memref<10000x32xf32, #tpu.memory_space<vmem_shared>> -> memref<125x32xf32, #tpu.memory_space<vmem_shared>>
      %dma_wait3A_106 = arith.constant 0 : i32
      %dma_wait3A_107 = tpu.memref_slice %arg18[%add3A_30, %dma_wait3A_106] : memref<10000x32xf32, #tpu.memory_space<vmem_shared>> -> memref<125x32xf32, #tpu.memory_space<vmem_shared>>
      %dma_wait3A_108 = arith.constant 0 : i32
      %dma_wait3A_109 = arith.constant 0 : i32
      %dma_wait3A_110 = tpu.memref_slice %arg15[%run_scoped3A_31, %dma_wait3A_108, %dma_wait3A_109] : memref<2x128x32xf32, #tpu.memory_space<vmem>> -> memref<1x125x32xf32, #tpu.memory_space<vmem>>
      %dma_wait3A_111 = tpu.memref_squeeze %dma_wait3A_110 : memref<1x125x32xf32, #tpu.memory_space<vmem>> -> memref<125x32xf32, #tpu.memory_space<vmem>>
      tpu.wait_dma2 semaphore(%run_scoped3A_87 : memref<!tpu.dma_semaphore, #tpu.memory_space<semaphore_mem>>) src(%dma_wait3A_111 : memref<125x32xf32, #tpu.memory_space<vmem>>) dst(%dma_wait3A_107 : memref<125x32xf32, #tpu.memory_space<vmem_shared>>)
      tpu.yield
    }) : () -> ()
    %scan3A_32 = arith.constant 0 : i32
    %scan3A_33 = arith.constant 0 : i32
    %scan3A_34 = arith.constant 40 : i32
    %scan3A_35 = arith.addi %scan3A_33, %scan3A_34 : i32
    %scan3A_36 = arith.constant 1 : i32
    scf.for %scan3A_87 = %scan3A_33 to %scan3A_35 step %scan3A_36  : i32 {
      %mul3A_88 = arith.constant 16 : i32
      %mul3A_89 = arith.muli %scan3A_87, %mul3A_88 : i32
      %swap3A = arith.index_cast %mul3A_89 : i32 to index
      %swap3A_90 = tpu.vector_load %arg16[%swap3A] {strides = array<i32>} : memref<640xf32, #tpu.memory_space<vmem>>, vector<16xf32>,
      tpu.vector_store %arg16[%swap3A], %broadcast_in_dim3A_3 {strides = array<i32>} : memref<640xf32, #tpu.memory_space<vmem>>, vector<16xf32>,
    }
    %scan3A_37 = arith.constant 40 : i32
    %mul3A_38 = arith.constant 640 : i32
    %mul3A_39 = arith.muli %arg1, %mul3A_38 : i32
    "tpu.region"() ({
      %run_scoped3A_87 = tpu.sem_alloc : memref<!tpu.dma_semaphore, #tpu.memory_space<semaphore_mem>>
      %dma_start3A_88 = tpu.memref_slice %arg19[%mul3A_39] : memref<10240xf32, #tpu.memory_space<vmem_shared>> -> memref<640xf32, #tpu.memory_space<vmem_shared>>
      %dma_start3A_89 = tpu.memref_slice %arg19[%mul3A_39] : memref<10240xf32, #tpu.memory_space<vmem_shared>> -> memref<640xf32, #tpu.memory_space<vmem_shared>>
      tpu.enqueue_dma source(%arg16 : memref<640xf32, #tpu.memory_space<vmem>>) target(%dma_start3A_89 : memref<640xf32, #tpu.memory_space<vmem_shared>>) target_semaphore(%run_scoped3A_87 : memref<!tpu.dma_semaphore, #tpu.memory_space<semaphore_mem>>)
      %dma_wait3A_90 = tpu.memref_slice %arg19[%mul3A_39] : memref<10240xf32, #tpu.memory_space<vmem_shared>> -> memref<640xf32, #tpu.memory_space<vmem_shared>>
      %dma_wait3A_91 = tpu.memref_slice %arg19[%mul3A_39] : memref<10240xf32, #tpu.memory_space<vmem_shared>> -> memref<640xf32, #tpu.memory_space<vmem_shared>>
      tpu.wait_dma2 semaphore(%run_scoped3A_87 : memref<!tpu.dma_semaphore, #tpu.memory_space<semaphore_mem>>) src(%arg16 : memref<640xf32, #tpu.memory_space<vmem>>) dst(%dma_wait3A_91 : memref<640xf32, #tpu.memory_space<vmem_shared>>)
      tpu.yield
    }) : () -> ()
    %mul3A_40 = arith.constant 20480 : i32
    %mul3A_41 = arith.muli %arg1, %mul3A_40 : i32
    %iota3A = tpu.iota {dimensions = array<i32: 0>} : vector<16xi32>
    %barrier3A = arith.constant 0 : index
    tpu.barrier barrier_id(%barrier3A)
    %dma_start3A = arith.constant 0 : i32
    %dma_start3A_42 = arith.constant 0 : i32
    %dma_start3A_43 = arith.constant 0 : i32
    %dma_start3A_44 = arith.constant 0 : i32
    %dma_start3A_45 = tpu.memref_slice %arg14[%dma_start3A_42, %dma_start3A_43, %dma_start3A_44] : memref<2x128x32xbf16, #tpu.memory_space<vmem>> -> memref<1x128x32xbf16, #tpu.memory_space<vmem>>
    %dma_start3A_46 = tpu.memref_squeeze %dma_start3A_45 : memref<1x128x32xbf16, #tpu.memory_space<vmem>> -> memref<128x32xbf16, #tpu.memory_space<vmem>>
    %dma_start3A_47 = arith.constant 0 : i32
    %dma_start3A_48 = tpu.memref_slice %arg9[%dma_start3A, %dma_start3A_47] : memref<160x128xi32, #tpu.memory_space<vmem>> -> memref<1x128xi32, #tpu.memory_space<vmem>>
    %dma_start3A_49 = tpu.memref_squeeze %dma_start3A_48 : memref<1x128xi32, #tpu.memory_space<vmem>> -> memref<128xi32, #tpu.memory_space<vmem>>
    %dma_start3A_50 = arith.constant 0 : i32
    %dma_start3A_51 = arith.constant 0 : i32
    %dma_start3A_52 = tpu.memref_slice %arg17[%dma_start3A_50, %dma_start3A_51] : memref<10000x32xbf16, #tpu.memory_space<vmem_shared>> -> memref<10000x32xbf16, #tpu.memory_space<vmem_shared>>
    tpu.enqueue_indirect_dma source(%dma_start3A_52 : memref<10000x32xbf16, #tpu.memory_space<vmem_shared>>) target(%dma_start3A_46 : memref<128x32xbf16, #tpu.memory_space<vmem>>) offsets(%dma_start3A_49 : memref<128xi32, #tpu.memory_space<vmem>>) semaphore(%arg20 : memref<!tpu.dma_semaphore, #tpu.memory_space<semaphore_mem>>)
    %broadcast_in_dim3A_53 = arith.constant -65536 : i32
    %broadcast_in_dim3A_54 = vector.broadcast %broadcast_in_dim3A_53 : i32 to vector<16xi32>
    %scan3A_55 = arith.constant 0 : i32
    %scan3A_56 = arith.constant 0 : i32
    %scan3A_57 = arith.constant 160 : i32
    %scan3A_58 = arith.addi %scan3A_56, %scan3A_57 : i32
    %scan3A_59 = arith.constant 1 : i32
    scf.for %scan3A_87 = %scan3A_56 to %scan3A_58 step %scan3A_59  : i32 {
      %rem3A = arith.constant 2 : i32
      %rem3A_88 = arith.remsi %scan3A_87, %rem3A : i32
      %get3A = arith.index_cast %scan3A_87 : i32 to index
      %get3A_89 = arith.constant 0 : index
      %get3A_90 = tpu.vector_load %arg9[%get3A, %get3A_89] {strides = array<i32>} : memref<160x128xi32, #tpu.memory_space<vmem>>, vector<16xi32>,
      %get3A_91 = arith.index_cast %scan3A_87 : i32 to index
      %get3A_92 = arith.constant 0 : index
      %get3A_93 = tpu.vector_load %arg10[%get3A_91, %get3A_92] {strides = array<i32>} : memref<160x128xi32, #tpu.memory_space<vmem>>, vector<16xi32>,
      %gather3A = tpu.vector_load_idx %arg11[%get3A_90] : memref<10000xf32, #tpu.memory_space<vmem>>[vector<16xi32>], vector<16xf32>,
      %gather3A_94 = tpu.vector_load_idx %arg12[%get3A_93] : memref<10000xf32, #tpu.memory_space<vmem>>[vector<16xi32>], vector<16xf32>,
      %add3A_95 = arith.addf %gather3A, %gather3A_94 : vector<16xf32>
      %mul3A_96 = arith.constant 2.000000e-01 : f32
      %mul3A_97 = vector.broadcast %mul3A_96 : f32 to vector<16xf32>
      %mul3A_98 = arith.mulf %add3A_95, %mul3A_97 : vector<16xf32>
      %max3A = arith.maximumf %add3A_95, %mul3A_98 : vector<16xf32>
      %exp3A = math.exp %max3A : vector<16xf32>
      %mul3A_99 = arith.constant 128 : i32
      %mul3A_100 = arith.muli %scan3A_87, %mul3A_99 : i32
      %add3A_101 = arith.addi %mul3A_41, %mul3A_100 : i32
      %add3A_102 = arith.constant 0 : i32
      %add3A_103 = arith.addi %add3A_101, %add3A_102 : i32
      %add3A_104 = vector.broadcast %add3A_103 : i32 to vector<16xi32>
      %add3A_105 = arith.addi %add3A_104, %iota3A : vector<16xi32>
      %lt3A = arith.constant 320000 : i32
      %lt3A_106 = vector.broadcast %lt3A : i32 to vector<16xi32>
      %lt3A_107 = arith.cmpi slt, %add3A_105, %lt3A_106 : vector<16xi32>
      %jit3A = arith.constant 0.000000e+00 : f32
      %broadcast_in_dim3A_108 = vector.broadcast %jit3A : f32 to vector<16xf32>
      %select_n3A = arith.select %lt3A_107, %exp3A, %broadcast_in_dim3A_108 : vector<16xi1>, vector<16xf32>
      %swap3A = arith.index_cast %scan3A_87 : i32 to index
      %swap3A_109 = arith.constant 0 : index
      %swap3A_110 = tpu.vector_load %arg13[%swap3A, %swap3A_109] {strides = array<i32>} : memref<160x128xf32, #tpu.memory_space<vmem>>, vector<16xf32>,
      tpu.vector_store %arg13[%swap3A, %swap3A_109], %select_n3A {strides = array<i32>} : memref<160x128xf32, #tpu.memory_space<vmem>>, vector<16xf32>,
      %get3A_111 = arith.index_cast %scan3A_87 : i32 to index
      %get3A_112 = arith.constant 16 : index
      %get3A_113 = tpu.vector_load %arg9[%get3A_111, %get3A_112] {strides = array<i32>} : memref<160x128xi32, #tpu.memory_space<vmem>>, vector<16xi32>,
      %get3A_114 = arith.index_cast %scan3A_87 : i32 to index
      %get3A_115 = arith.constant 16 : index
      %get3A_116 = tpu.vector_load %arg10[%get3A_114, %get3A_115] {strides = array<i32>} : memref<160x128xi32, #tpu.memory_space<vmem>>, vector<16xi32>,
      %gather3A_117 = tpu.vector_load_idx %arg11[%get3A_113] : memref<10000xf32, #tpu.memory_space<vmem>>[vector<16xi32>], vector<16xf32>,
      %gather3A_118 = tpu.vector_load_idx %arg12[%get3A_116] : memref<10000xf32, #tpu.memory_space<vmem>>[vector<16xi32>], vector<16xf32>,
      %add3A_119 = arith.addf %gather3A_117, %gather3A_118 : vector<16xf32>
      %mul3A_120 = arith.constant 2.000000e-01 : f32
      %mul3A_121 = vector.broadcast %mul3A_120 : f32 to vector<16xf32>
      %mul3A_122 = arith.mulf %add3A_119, %mul3A_121 : vector<16xf32>
      %max3A_123 = arith.maximumf %add3A_119, %mul3A_122 : vector<16xf32>
      %exp3A_124 = math.exp %max3A_123 : vector<16xf32>
      %mul3A_125 = arith.constant 128 : i32
      %mul3A_126 = arith.muli %scan3A_87, %mul3A_125 : i32
      %add3A_127 = arith.addi %mul3A_41, %mul3A_126 : i32
      %add3A_128 = arith.constant 16 : i32
      %add3A_129 = arith.addi %add3A_127, %add3A_128 : i32
      %add3A_130 = vector.broadcast %add3A_129 : i32 to vector<16xi32>
      %add3A_131 = arith.addi %add3A_130, %iota3A : vector<16xi32>
      %lt3A_132 = arith.constant 320000 : i32
      %lt3A_133 = vector.broadcast %lt3A_132 : i32 to vector<16xi32>
      %lt3A_134 = arith.cmpi slt, %add3A_131, %lt3A_133 : vector<16xi32>
      %jit3A_135 = arith.constant 0.000000e+00 : f32
      %broadcast_in_dim3A_136 = vector.broadcast %jit3A_135 : f32 to vector<16xf32>
      %select_n3A_137 = arith.select %lt3A_134, %exp3A_124, %broadcast_in_dim3A_136 : vector<16xi1>, vector<16xf32>
      %swap3A_138 = arith.index_cast %scan3A_87 : i32 to index
      %swap3A_139 = arith.constant 16 : index
      %swap3A_140 = tpu.vector_load %arg13[%swap3A_138, %swap3A_139] {strides = array<i32>} : memref<160x128xf32, #tpu.memory_space<vmem>>, vector<16xf32>,
      tpu.vector_store %arg13[%swap3A_138, %swap3A_139], %select_n3A_137 {strides = array<i32>} : memref<160x128xf32, #tpu.memory_space<vmem>>, vector<16xf32>,
      %get3A_141 = arith.index_cast %scan3A_87 : i32 to index
      %get3A_142 = arith.constant 32 : index
      %get3A_143 = tpu.vector_load %arg9[%get3A_141, %get3A_142] {strides = array<i32>} : memref<160x128xi32, #tpu.memory_space<vmem>>, vector<16xi32>,
      %get3A_144 = arith.index_cast %scan3A_87 : i32 to index
      %get3A_145 = arith.constant 32 : index
      %get3A_146 = tpu.vector_load %arg10[%get3A_144, %get3A_145] {strides = array<i32>} : memref<160x128xi32, #tpu.memory_space<vmem>>, vector<16xi32>,
      %gather3A_147 = tpu.vector_load_idx %arg11[%get3A_143] : memref<10000xf32, #tpu.memory_space<vmem>>[vector<16xi32>], vector<16xf32>,
      %gather3A_148 = tpu.vector_load_idx %arg12[%get3A_146] : memref<10000xf32, #tpu.memory_space<vmem>>[vector<16xi32>], vector<16xf32>,
      %add3A_149 = arith.addf %gather3A_147, %gather3A_148 : vector<16xf32>
      %mul3A_150 = arith.constant 2.000000e-01 : f32
      %mul3A_151 = vector.broadcast %mul3A_150 : f32 to vector<16xf32>
      %mul3A_152 = arith.mulf %add3A_149, %mul3A_151 : vector<16xf32>
      %max3A_153 = arith.maximumf %add3A_149, %mul3A_152 : vector<16xf32>
      %exp3A_154 = math.exp %max3A_153 : vector<16xf32>
      %mul3A_155 = arith.constant 128 : i32
      %mul3A_156 = arith.muli %scan3A_87, %mul3A_155 : i32
      %add3A_157 = arith.addi %mul3A_41, %mul3A_156 : i32
      %add3A_158 = arith.constant 32 : i32
      %add3A_159 = arith.addi %add3A_157, %add3A_158 : i32
      %add3A_160 = vector.broadcast %add3A_159 : i32 to vector<16xi32>
      %add3A_161 = arith.addi %add3A_160, %iota3A : vector<16xi32>
      %lt3A_162 = arith.constant 320000 : i32
      %lt3A_163 = vector.broadcast %lt3A_162 : i32 to vector<16xi32>
      %lt3A_164 = arith.cmpi slt, %add3A_161, %lt3A_163 : vector<16xi32>
      %jit3A_165 = arith.constant 0.000000e+00 : f32
      %broadcast_in_dim3A_166 = vector.broadcast %jit3A_165 : f32 to vector<16xf32>
      %select_n3A_167 = arith.select %lt3A_164, %exp3A_154, %broadcast_in_dim3A_166 : vector<16xi1>, vector<16xf32>
      %swap3A_168 = arith.index_cast %scan3A_87 : i32 to index
      %swap3A_169 = arith.constant 32 : index
      %swap3A_170 = tpu.vector_load %arg13[%swap3A_168, %swap3A_169] {strides = array<i32>} : memref<160x128xf32, #tpu.memory_space<vmem>>, vector<16xf32>,
      tpu.vector_store %arg13[%swap3A_168, %swap3A_169], %select_n3A_167 {strides = array<i32>} : memref<160x128xf32, #tpu.memory_space<vmem>>, vector<16xf32>,
      %get3A_171 = arith.index_cast %scan3A_87 : i32 to index
      %get3A_172 = arith.constant 48 : index
      %get3A_173 = tpu.vector_load %arg9[%get3A_171, %get3A_172] {strides = array<i32>} : memref<160x128xi32, #tpu.memory_space<vmem>>, vector<16xi32>,
      %get3A_174 = arith.index_cast %scan3A_87 : i32 to index
      %get3A_175 = arith.constant 48 : index
      %get3A_176 = tpu.vector_load %arg10[%get3A_174, %get3A_175] {strides = array<i32>} : memref<160x128xi32, #tpu.memory_space<vmem>>, vector<16xi32>,
      %gather3A_177 = tpu.vector_load_idx %arg11[%get3A_173] : memref<10000xf32, #tpu.memory_space<vmem>>[vector<16xi32>], vector<16xf32>,
      %gather3A_178 = tpu.vector_load_idx %arg12[%get3A_176] : memref<10000xf32, #tpu.memory_space<vmem>>[vector<16xi32>], vector<16xf32>,
      %add3A_179 = arith.addf %gather3A_177, %gather3A_178 : vector<16xf32>
      %mul3A_180 = arith.constant 2.000000e-01 : f32
      %mul3A_181 = vector.broadcast %mul3A_180 : f32 to vector<16xf32>
      %mul3A_182 = arith.mulf %add3A_179, %mul3A_181 : vector<16xf32>
      %max3A_183 = arith.maximumf %add3A_179, %mul3A_182 : vector<16xf32>
      %exp3A_184 = math.exp %max3A_183 : vector<16xf32>
      %mul3A_185 = arith.constant 128 : i32
      %mul3A_186 = arith.muli %scan3A_87, %mul3A_185 : i32
      %add3A_187 = arith.addi %mul3A_41, %mul3A_186 : i32
      %add3A_188 = arith.constant 48 : i32
      %add3A_189 = arith.addi %add3A_187, %add3A_188 : i32
      %add3A_190 = vector.broadcast %add3A_189 : i32 to vector<16xi32>
      %add3A_191 = arith.addi %add3A_190, %iota3A : vector<16xi32>
      %lt3A_192 = arith.constant 320000 : i32
      %lt3A_193 = vector.broadcast %lt3A_192 : i32 to vector<16xi32>
      %lt3A_194 = arith.cmpi slt, %add3A_191, %lt3A_193 : vector<16xi32>
      %jit3A_195 = arith.constant 0.000000e+00 : f32
      %broadcast_in_dim3A_196 = vector.broadcast %jit3A_195 : f32 to vector<16xf32>
      %select_n3A_197 = arith.select %lt3A_194, %exp3A_184, %broadcast_in_dim3A_196 : vector<16xi1>, vector<16xf32>
      %swap3A_198 = arith.index_cast %scan3A_87 : i32 to index
      %swap3A_199 = arith.constant 48 : index
      %swap3A_200 = tpu.vector_load %arg13[%swap3A_198, %swap3A_199] {strides = array<i32>} : memref<160x128xf32, #tpu.memory_space<vmem>>, vector<16xf32>,
      tpu.vector_store %arg13[%swap3A_198, %swap3A_199], %select_n3A_197 {strides = array<i32>} : memref<160x128xf32, #tpu.memory_space<vmem>>, vector<16xf32>,
      %get3A_201 = arith.index_cast %scan3A_87 : i32 to index
      %get3A_202 = arith.constant 64 : index
      %get3A_203 = tpu.vector_load %arg9[%get3A_201, %get3A_202] {strides = array<i32>} : memref<160x128xi32, #tpu.memory_space<vmem>>, vector<16xi32>,
      %get3A_204 = arith.index_cast %scan3A_87 : i32 to index
      %get3A_205 = arith.constant 64 : index
      %get3A_206 = tpu.vector_load %arg10[%get3A_204, %get3A_205] {strides = array<i32>} : memref<160x128xi32, #tpu.memory_space<vmem>>, vector<16xi32>,
      %gather3A_207 = tpu.vector_load_idx %arg11[%get3A_203] : memref<10000xf32, #tpu.memory_space<vmem>>[vector<16xi32>], vector<16xf32>,
      %gather3A_208 = tpu.vector_load_idx %arg12[%get3A_206] : memref<10000xf32, #tpu.memory_space<vmem>>[vector<16xi32>], vector<16xf32>,
      %add3A_209 = arith.addf %gather3A_207, %gather3A_208 : vector<16xf32>
      %mul3A_210 = arith.constant 2.000000e-01 : f32
      %mul3A_211 = vector.broadcast %mul3A_210 : f32 to vector<16xf32>
      %mul3A_212 = arith.mulf %add3A_209, %mul3A_211 : vector<16xf32>
      %max3A_213 = arith.maximumf %add3A_209, %mul3A_212 : vector<16xf32>
      %exp3A_214 = math.exp %max3A_213 : vector<16xf32>
      %mul3A_215 = arith.constant 128 : i32
      %mul3A_216 = arith.muli %scan3A_87, %mul3A_215 : i32
      %add3A_217 = arith.addi %mul3A_41, %mul3A_216 : i32
      %add3A_218 = arith.constant 64 : i32
      %add3A_219 = arith.addi %add3A_217, %add3A_218 : i32
      %add3A_220 = vector.broadcast %add3A_219 : i32 to vector<16xi32>
      %add3A_221 = arith.addi %add3A_220, %iota3A : vector<16xi32>
      %lt3A_222 = arith.constant 320000 : i32
      %lt3A_223 = vector.broadcast %lt3A_222 : i32 to vector<16xi32>
      %lt3A_224 = arith.cmpi slt, %add3A_221, %lt3A_223 : vector<16xi32>
      %jit3A_225 = arith.constant 0.000000e+00 : f32
      %broadcast_in_dim3A_226 = vector.broadcast %jit3A_225 : f32 to vector<16xf32>
      %select_n3A_227 = arith.select %lt3A_224, %exp3A_214, %broadcast_in_dim3A_226 : vector<16xi1>, vector<16xf32>
      %swap3A_228 = arith.index_cast %scan3A_87 : i32 to index
      %swap3A_229 = arith.constant 64 : index
      %swap3A_230 = tpu.vector_load %arg13[%swap3A_228, %swap3A_229] {strides = array<i32>} : memref<160x128xf32, #tpu.memory_space<vmem>>, vector<16xf32>,
      tpu.vector_store %arg13[%swap3A_228, %swap3A_229], %select_n3A_227 {strides = array<i32>} : memref<160x128xf32, #tpu.memory_space<vmem>>, vector<16xf32>,
      %get3A_231 = arith.index_cast %scan3A_87 : i32 to index
      %get3A_232 = arith.constant 80 : index
      %get3A_233 = tpu.vector_load %arg9[%get3A_231, %get3A_232] {strides = array<i32>} : memref<160x128xi32, #tpu.memory_space<vmem>>, vector<16xi32>,
      %get3A_234 = arith.index_cast %scan3A_87 : i32 to index
      %get3A_235 = arith.constant 80 : index
      %get3A_236 = tpu.vector_load %arg10[%get3A_234, %get3A_235] {strides = array<i32>} : memref<160x128xi32, #tpu.memory_space<vmem>>, vector<16xi32>,
      %gather3A_237 = tpu.vector_load_idx %arg11[%get3A_233] : memref<10000xf32, #tpu.memory_space<vmem>>[vector<16xi32>], vector<16xf32>,
      %gather3A_238 = tpu.vector_load_idx %arg12[%get3A_236] : memref<10000xf32, #tpu.memory_space<vmem>>[vector<16xi32>], vector<16xf32>,
      %add3A_239 = arith.addf %gather3A_237, %gather3A_238 : vector<16xf32>
      %mul3A_240 = arith.constant 2.000000e-01 : f32
      %mul3A_241 = vector.broadcast %mul3A_240 : f32 to vector<16xf32>
      %mul3A_242 = arith.mulf %add3A_239, %mul3A_241 : vector<16xf32>
      %max3A_243 = arith.maximumf %add3A_239, %mul3A_242 : vector<16xf32>
      %exp3A_244 = math.exp %max3A_243 : vector<16xf32>
      %mul3A_245 = arith.constant 128 : i32
      %mul3A_246 = arith.muli %scan3A_87, %mul3A_245 : i32
      %add3A_247 = arith.addi %mul3A_41, %mul3A_246 : i32
      %add3A_248 = arith.constant 80 : i32
      %add3A_249 = arith.addi %add3A_247, %add3A_248 : i32
      %add3A_250 = vector.broadcast %add3A_249 : i32 to vector<16xi32>
      %add3A_251 = arith.addi %add3A_250, %iota3A : vector<16xi32>
      %lt3A_252 = arith.constant 320000 : i32
      %lt3A_253 = vector.broadcast %lt3A_252 : i32 to vector<16xi32>
      %lt3A_254 = arith.cmpi slt, %add3A_251, %lt3A_253 : vector<16xi32>
      %jit3A_255 = arith.constant 0.000000e+00 : f32
      %broadcast_in_dim3A_256 = vector.broadcast %jit3A_255 : f32 to vector<16xf32>
      %select_n3A_257 = arith.select %lt3A_254, %exp3A_244, %broadcast_in_dim3A_256 : vector<16xi1>, vector<16xf32>
      %swap3A_258 = arith.index_cast %scan3A_87 : i32 to index
      %swap3A_259 = arith.constant 80 : index
      %swap3A_260 = tpu.vector_load %arg13[%swap3A_258, %swap3A_259] {strides = array<i32>} : memref<160x128xf32, #tpu.memory_space<vmem>>, vector<16xf32>,
      tpu.vector_store %arg13[%swap3A_258, %swap3A_259], %select_n3A_257 {strides = array<i32>} : memref<160x128xf32, #tpu.memory_space<vmem>>, vector<16xf32>,
      %get3A_261 = arith.index_cast %scan3A_87 : i32 to index
      %get3A_262 = arith.constant 96 : index
      %get3A_263 = tpu.vector_load %arg9[%get3A_261, %get3A_262] {strides = array<i32>} : memref<160x128xi32, #tpu.memory_space<vmem>>, vector<16xi32>,
      %get3A_264 = arith.index_cast %scan3A_87 : i32 to index
      %get3A_265 = arith.constant 96 : index
      %get3A_266 = tpu.vector_load %arg10[%get3A_264, %get3A_265] {strides = array<i32>} : memref<160x128xi32, #tpu.memory_space<vmem>>, vector<16xi32>,
      %gather3A_267 = tpu.vector_load_idx %arg11[%get3A_263] : memref<10000xf32, #tpu.memory_space<vmem>>[vector<16xi32>], vector<16xf32>,
      %gather3A_268 = tpu.vector_load_idx %arg12[%get3A_266] : memref<10000xf32, #tpu.memory_space<vmem>>[vector<16xi32>], vector<16xf32>,
      %add3A_269 = arith.addf %gather3A_267, %gather3A_268 : vector<16xf32>
      %mul3A_270 = arith.constant 2.000000e-01 : f32
      %mul3A_271 = vector.broadcast %mul3A_270 : f32 to vector<16xf32>
      %mul3A_272 = arith.mulf %add3A_269, %mul3A_271 : vector<16xf32>
      %max3A_273 = arith.maximumf %add3A_269, %mul3A_272 : vector<16xf32>
      %exp3A_274 = math.exp %max3A_273 : vector<16xf32>
      %mul3A_275 = arith.constant 128 : i32
      %mul3A_276 = arith.muli %scan3A_87, %mul3A_275 : i32
      %add3A_277 = arith.addi %mul3A_41, %mul3A_276 : i32
      %add3A_278 = arith.constant 96 : i32
      %add3A_279 = arith.addi %add3A_277, %add3A_278 : i32
      %add3A_280 = vector.broadcast %add3A_279 : i32 to vector<16xi32>
      %add3A_281 = arith.addi %add3A_280, %iota3A : vector<16xi32>
      %lt3A_282 = arith.constant 320000 : i32
      %lt3A_283 = vector.broadcast %lt3A_282 : i32 to vector<16xi32>
      %lt3A_284 = arith.cmpi slt, %add3A_281, %lt3A_283 : vector<16xi32>
      %jit3A_285 = arith.constant 0.000000e+00 : f32
      %broadcast_in_dim3A_286 = vector.broadcast %jit3A_285 : f32 to vector<16xf32>
      %select_n3A_287 = arith.select %lt3A_284, %exp3A_274, %broadcast_in_dim3A_286 : vector<16xi1>, vector<16xf32>
      %swap3A_288 = arith.index_cast %scan3A_87 : i32 to index
      %swap3A_289 = arith.constant 96 : index
      %swap3A_290 = tpu.vector_load %arg13[%swap3A_288, %swap3A_289] {strides = array<i32>} : memref<160x128xf32, #tpu.memory_space<vmem>>, vector<16xf32>,
      tpu.vector_store %arg13[%swap3A_288, %swap3A_289], %select_n3A_287 {strides = array<i32>} : memref<160x128xf32, #tpu.memory_space<vmem>>, vector<16xf32>,
      %get3A_291 = arith.index_cast %scan3A_87 : i32 to index
      %get3A_292 = arith.constant 112 : index
      %get3A_293 = tpu.vector_load %arg9[%get3A_291, %get3A_292] {strides = array<i32>} : memref<160x128xi32, #tpu.memory_space<vmem>>, vector<16xi32>,
      %get3A_294 = arith.index_cast %scan3A_87 : i32 to index
      %get3A_295 = arith.constant 112 : index
      %get3A_296 = tpu.vector_load %arg10[%get3A_294, %get3A_295] {strides = array<i32>} : memref<160x128xi32, #tpu.memory_space<vmem>>, vector<16xi32>,
      %gather3A_297 = tpu.vector_load_idx %arg11[%get3A_293] : memref<10000xf32, #tpu.memory_space<vmem>>[vector<16xi32>], vector<16xf32>,
      %gather3A_298 = tpu.vector_load_idx %arg12[%get3A_296] : memref<10000xf32, #tpu.memory_space<vmem>>[vector<16xi32>], vector<16xf32>,
      %add3A_299 = arith.addf %gather3A_297, %gather3A_298 : vector<16xf32>
      %mul3A_300 = arith.constant 2.000000e-01 : f32
      %mul3A_301 = vector.broadcast %mul3A_300 : f32 to vector<16xf32>
      %mul3A_302 = arith.mulf %add3A_299, %mul3A_301 : vector<16xf32>
      %max3A_303 = arith.maximumf %add3A_299, %mul3A_302 : vector<16xf32>
      %exp3A_304 = math.exp %max3A_303 : vector<16xf32>
      %mul3A_305 = arith.constant 128 : i32
      %mul3A_306 = arith.muli %scan3A_87, %mul3A_305 : i32
      %add3A_307 = arith.addi %mul3A_41, %mul3A_306 : i32
      %add3A_308 = arith.constant 112 : i32
      %add3A_309 = arith.addi %add3A_307, %add3A_308 : i32
      %add3A_310 = vector.broadcast %add3A_309 : i32 to vector<16xi32>
      %add3A_311 = arith.addi %add3A_310, %iota3A : vector<16xi32>
      %lt3A_312 = arith.constant 320000 : i32
      %lt3A_313 = vector.broadcast %lt3A_312 : i32 to vector<16xi32>
      %lt3A_314 = arith.cmpi slt, %add3A_311, %lt3A_313 : vector<16xi32>
      %jit3A_315 = arith.constant 0.000000e+00 : f32
      %broadcast_in_dim3A_316 = vector.broadcast %jit3A_315 : f32 to vector<16xf32>
      %select_n3A_317 = arith.select %lt3A_314, %exp3A_304, %broadcast_in_dim3A_316 : vector<16xi1>, vector<16xf32>
      %swap3A_318 = arith.index_cast %scan3A_87 : i32 to index
      %swap3A_319 = arith.constant 112 : index
      %swap3A_320 = tpu.vector_load %arg13[%swap3A_318, %swap3A_319] {strides = array<i32>} : memref<160x128xf32, #tpu.memory_space<vmem>>, vector<16xf32>,
      tpu.vector_store %arg13[%swap3A_318, %swap3A_319], %select_n3A_317 {strides = array<i32>} : memref<160x128xf32, #tpu.memory_space<vmem>>, vector<16xf32>,
      %dma_wait3A_321 = arith.constant 0 : i32
      %dma_wait3A_322 = arith.constant 0 : i32
      %dma_wait3A_323 = tpu.memref_slice %arg14[%rem3A_88, %dma_wait3A_321, %dma_wait3A_322] : memref<2x128x32xbf16, #tpu.memory_space<vmem>> -> memref<1x128x32xbf16, #tpu.memory_space<vmem>>
      %dma_wait3A_324 = tpu.memref_squeeze %dma_wait3A_323 : memref<1x128x32xbf16, #tpu.memory_space<vmem>> -> memref<128x32xbf16, #tpu.memory_space<vmem>>
      %dma_wait3A_325 = arith.constant 0 : i32
      %dma_wait3A_326 = tpu.memref_slice %arg9[%scan3A_87, %dma_wait3A_325] : memref<160x128xi32, #tpu.memory_space<vmem>> -> memref<1x128xi32, #tpu.memory_space<vmem>>
      %dma_wait3A_327 = tpu.memref_squeeze %dma_wait3A_326 : memref<1x128xi32, #tpu.memory_space<vmem>> -> memref<128xi32, #tpu.memory_space<vmem>>
      %dma_wait3A_328 = arith.constant 0 : i32
      %dma_wait3A_329 = arith.constant 0 : i32
      %dma_wait3A_330 = tpu.memref_slice %arg17[%dma_wait3A_328, %dma_wait3A_329] : memref<10000x32xbf16, #tpu.memory_space<vmem_shared>> -> memref<10000x32xbf16, #tpu.memory_space<vmem_shared>>
      tpu.wait_indirect_dma semaphore(%arg20 : memref<!tpu.dma_semaphore, #tpu.memory_space<semaphore_mem>>) src(%dma_wait3A_330 : memref<10000x32xbf16, #tpu.memory_space<vmem_shared>>) dst(%dma_wait3A_324 : memref<128x32xbf16, #tpu.memory_space<vmem>>)
      %ge3A = arith.constant 1 : i32
      %ge3A_331 = arith.cmpi sge, %scan3A_87, %ge3A : i32
      %convert_element_type3A = arith.extui %ge3A_331 : i1 to i32
      %cond3A = arith.constant 0 : i32
      %cond3A_332 = arith.cmpi ne, %convert_element_type3A, %cond3A : i32
      scf.if %cond3A_332 {
        %dma_wait3A_363 = arith.constant 0 : i32
        %dma_wait3A_364 = arith.constant 0 : i32
        %dma_wait3A_365 = arith.constant 0 : i32
        %dma_wait3A_366 = arith.constant 0 : i32
        %dma_wait3A_367 = tpu.memref_slice %arg15[%dma_wait3A_363, %dma_wait3A_365, %dma_wait3A_366] : memref<2x128x32xf32, #tpu.memory_space<vmem>> -> memref<1x128x32xf32, #tpu.memory_space<vmem>>
        %dma_wait3A_368 = tpu.memref_squeeze %dma_wait3A_367 : memref<1x128x32xf32, #tpu.memory_space<vmem>> -> memref<128x32xf32, #tpu.memory_space<vmem>>
        %dma_wait3A_369 = arith.constant 0 : i32
        %dma_wait3A_370 = tpu.memref_slice %arg10[%dma_wait3A_364, %dma_wait3A_369] : memref<160x128xi32, #tpu.memory_space<vmem>> -> memref<1x128xi32, #tpu.memory_space<vmem>>
        %dma_wait3A_371 = tpu.memref_squeeze %dma_wait3A_370 : memref<1x128xi32, #tpu.memory_space<vmem>> -> memref<128xi32, #tpu.memory_space<vmem>>
        %dma_wait3A_372 = arith.constant 0 : i32
        %dma_wait3A_373 = arith.constant 0 : i32
        %dma_wait3A_374 = tpu.memref_slice %arg18[%dma_wait3A_372, %dma_wait3A_373] : memref<10000x32xf32, #tpu.memory_space<vmem_shared>> -> memref<10000x32xf32, #tpu.memory_space<vmem_shared>>
        tpu.wait_indirect_dma semaphore(%arg21 : memref<!tpu.dma_semaphore, #tpu.memory_space<semaphore_mem>>) src(%dma_wait3A_368 : memref<128x32xf32, #tpu.memory_space<vmem>>) dst(%dma_wait3A_374 : memref<10000x32xf32, #tpu.memory_space<vmem_shared>>)
      } else {
      }
      %lt3A_333 = arith.constant 159 : i32
      %lt3A_334 = arith.cmpi slt, %scan3A_87, %lt3A_333 : i32
      %convert_element_type3A_335 = arith.extui %lt3A_334 : i1 to i32
      %cond3A_336 = arith.constant 0 : i32
      %cond3A_337 = arith.cmpi ne, %convert_element_type3A_335, %cond3A_336 : i32
      scf.if %cond3A_337 {
        %add3A_363 = arith.constant 1 : i32
        %add3A_364 = arith.addi %scan3A_87, %add3A_363 : i32
        %add3A_365 = arith.constant 1 : i32
        %add3A_366 = arith.addi %scan3A_87, %add3A_365 : i32
        %rem3A_367 = arith.constant 2 : i32
        %rem3A_368 = arith.remsi %add3A_366, %rem3A_367 : i32
        %dma_start3A_369 = arith.constant 0 : i32
        %dma_start3A_370 = arith.constant 0 : i32
        %dma_start3A_371 = tpu.memref_slice %arg14[%rem3A_368, %dma_start3A_369, %dma_start3A_370] : memref<2x128x32xbf16, #tpu.memory_space<vmem>> -> memref<1x128x32xbf16, #tpu.memory_space<vmem>>
        %dma_start3A_372 = tpu.memref_squeeze %dma_start3A_371 : memref<1x128x32xbf16, #tpu.memory_space<vmem>> -> memref<128x32xbf16, #tpu.memory_space<vmem>>
        %dma_start3A_373 = arith.constant 0 : i32
        %dma_start3A_374 = tpu.memref_slice %arg9[%add3A_364, %dma_start3A_373] : memref<160x128xi32, #tpu.memory_space<vmem>> -> memref<1x128xi32, #tpu.memory_space<vmem>>
        %dma_start3A_375 = tpu.memref_squeeze %dma_start3A_374 : memref<1x128xi32, #tpu.memory_space<vmem>> -> memref<128xi32, #tpu.memory_space<vmem>>
        %dma_start3A_376 = arith.constant 0 : i32
        %dma_start3A_377 = arith.constant 0 : i32
        %dma_start3A_378 = tpu.memref_slice %arg17[%dma_start3A_376, %dma_start3A_377] : memref<10000x32xbf16, #tpu.memory_space<vmem_shared>> -> memref<10000x32xbf16, #tpu.memory_space<vmem_shared>>
        tpu.enqueue_indirect_dma source(%dma_start3A_378 : memref<10000x32xbf16, #tpu.memory_space<vmem_shared>>) target(%dma_start3A_372 : memref<128x32xbf16, #tpu.memory_space<vmem>>) offsets(%dma_start3A_375 : memref<128xi32, #tpu.memory_space<vmem>>) semaphore(%arg20 : memref<!tpu.dma_semaphore, #tpu.memory_space<semaphore_mem>>)
      } else {
      }
      %scan3A_338 = arith.constant 0 : i32
      %scan3A_339 = arith.constant 0 : i32
      %scan3A_340 = arith.constant 128 : i32
      %scan3A_341 = arith.addi %scan3A_339, %scan3A_340 : i32
      %scan3A_342 = arith.constant 1 : i32
      scf.for %scan3A_363 = %scan3A_339 to %scan3A_341 step %scan3A_342  : i32 {
        %broadcast_in_dim3A_364 = vector.broadcast %scan3A_87 : i32 to vector<16xi32>
        %broadcast_in_dim3A_365 = vector.broadcast %scan3A_363 : i32 to vector<16xi32>
        %gather3A_366 = tpu.vector_load_idx %arg13[%broadcast_in_dim3A_364, %broadcast_in_dim3A_365] : memref<160x128xf32, #tpu.memory_space<vmem>>[vector<16xi32>, vector<16xi32>], vector<16xf32>,
        %get3A_367 = arith.index_cast %rem3A_88 : i32 to index
        %get3A_368 = arith.index_cast %scan3A_363 : i32 to index
        %get3A_369 = arith.constant 0 : index
        %get3A_370 = tpu.vector_load %arg14[%get3A_367, %get3A_368, %get3A_369] {strides = array<i32>} : memref<2x128x32xbf16, #tpu.memory_space<vmem>>, vector<32xbf16>,
        %bitcast3A = vector.bitcast %get3A_370 : vector<32xbf16> to vector<16xi32>
        %shift_left3A = arith.constant 16 : i32
        %shift_left3A_371 = vector.broadcast %shift_left3A : i32 to vector<16xi32>
        %shift_left3A_372 = arith.shli %bitcast3A, %shift_left3A_371 : vector<16xi32>
        %bitcast3A_373 = vector.bitcast %shift_left3A_372 : vector<16xi32> to vector<16xf32>
        %and3A = arith.andi %bitcast3A, %broadcast_in_dim3A_54 : vector<16xi32>
        %bitcast3A_374 = vector.bitcast %and3A : vector<16xi32> to vector<16xf32>
        %mul3A_375 = arith.mulf %bitcast3A_373, %gather3A_366 : vector<16xf32>
        %swap3A_376 = arith.index_cast %rem3A_88 : i32 to index
        %swap3A_377 = arith.index_cast %scan3A_363 : i32 to index
        %swap3A_378 = arith.constant 0 : index
        %swap3A_379 = tpu.vector_load %arg15[%swap3A_376, %swap3A_377, %swap3A_378] {strides = array<i32>} : memref<2x128x32xf32, #tpu.memory_space<vmem>>, vector<16xf32>,
        tpu.vector_store %arg15[%swap3A_376, %swap3A_377, %swap3A_378], %mul3A_375 {strides = array<i32>} : memref<2x128x32xf32, #tpu.memory_space<vmem>>, vector<16xf32>,
        %mul3A_380 = arith.mulf %bitcast3A_374, %gather3A_366 : vector<16xf32>
        %swap3A_381 = arith.index_cast %rem3A_88 : i32 to index
        %swap3A_382 = arith.index_cast %scan3A_363 : i32 to index
        %swap3A_383 = arith.constant 16 : index
        %swap3A_384 = tpu.vector_load %arg15[%swap3A_381, %swap3A_382, %swap3A_383] {strides = array<i32>} : memref<2x128x32xf32, #tpu.memory_space<vmem>>, vector<16xf32>,
        tpu.vector_store %arg15[%swap3A_381, %swap3A_382, %swap3A_383], %mul3A_380 {strides = array<i32>} : memref<2x128x32xf32, #tpu.memory_space<vmem>>, vector<16xf32>,
      }
      %scan3A_343 = arith.constant 128 : i32
      %dma_start3A_344 = arith.constant 0 : i32
      %dma_start3A_345 = arith.constant 0 : i32
      %dma_start3A_346 = tpu.memref_slice %arg15[%rem3A_88, %dma_start3A_344, %dma_start3A_345] : memref<2x128x32xf32, #tpu.memory_space<vmem>> -> memref<1x128x32xf32, #tpu.memory_space<vmem>>
      %dma_start3A_347 = tpu.memref_squeeze %dma_start3A_346 : memref<1x128x32xf32, #tpu.memory_space<vmem>> -> memref<128x32xf32, #tpu.memory_space<vmem>>
      %dma_start3A_348 = arith.constant 0 : i32
      %dma_start3A_349 = tpu.memref_slice %arg10[%scan3A_87, %dma_start3A_348] : memref<160x128xi32, #tpu.memory_space<vmem>> -> memref<1x128xi32, #tpu.memory_space<vmem>>
      %dma_start3A_350 = tpu.memref_squeeze %dma_start3A_349 : memref<1x128xi32, #tpu.memory_space<vmem>> -> memref<128xi32, #tpu.memory_space<vmem>>
      %dma_start3A_351 = arith.constant 0 : i32
      %dma_start3A_352 = arith.constant 0 : i32
      %dma_start3A_353 = tpu.memref_slice %arg18[%dma_start3A_351, %dma_start3A_352] : memref<10000x32xf32, #tpu.memory_space<vmem_shared>> -> memref<10000x32xf32, #tpu.memory_space<vmem_shared>>
      tpu.enqueue_indirect_dma source(%dma_start3A_347 : memref<128x32xf32, #tpu.memory_space<vmem>>) target(%dma_start3A_353 : memref<10000x32xf32, #tpu.memory_space<vmem_shared>>) offsets(%dma_start3A_350 : memref<128xi32, #tpu.memory_space<vmem>>) semaphore(%arg21 : memref<!tpu.dma_semaphore, #tpu.memory_space<semaphore_mem>>) {add = true}
      %eq3A = arith.constant 0 : i32
      %eq3A_354 = arith.cmpi eq, %arg0, %eq3A : i32
      %lt3A_355 = arith.constant 80 : i32
      %lt3A_356 = arith.cmpi slt, %scan3A_87, %lt3A_355 : i32
      %ge3A_357 = arith.constant 80 : i32
      %ge3A_358 = arith.cmpi sge, %scan3A_87, %ge3A_357 : i32
      %select_n3A_359 = arith.select %eq3A_354, %lt3A_356, %ge3A_358 : i1
      %convert_element_type3A_360 = arith.extui %select_n3A_359 : i1 to i32
      %cond3A_361 = arith.constant 0 : i32
      %cond3A_362 = arith.cmpi ne, %convert_element_type3A_360, %cond3A_361 : i32
      scf.if %cond3A_362 {
        %dma_start3A_363 = arith.constant 0 : i32
        %dma_start3A_364 = tpu.memref_slice %arg13[%scan3A_87, %dma_start3A_363] : memref<160x128xf32, #tpu.memory_space<vmem>> -> memref<1x128xf32, #tpu.memory_space<vmem>>
        %dma_start3A_365 = tpu.memref_squeeze %dma_start3A_364 : memref<1x128xf32, #tpu.memory_space<vmem>> -> memref<128xf32, #tpu.memory_space<vmem>>
        %dma_start3A_366 = arith.constant 0 : i32
        %dma_start3A_367 = tpu.memref_slice %arg10[%scan3A_87, %dma_start3A_366] : memref<160x128xi32, #tpu.memory_space<vmem>> -> memref<1x128xi32, #tpu.memory_space<vmem>>
        %dma_start3A_368 = tpu.memref_squeeze %dma_start3A_367 : memref<1x128xi32, #tpu.memory_space<vmem>> -> memref<128xi32, #tpu.memory_space<vmem>>
        %dma_start3A_369 = arith.constant 0 : i32
        %dma_start3A_370 = tpu.memref_slice %arg19[%dma_start3A_369] : memref<10240xf32, #tpu.memory_space<vmem_shared>> -> memref<10240xf32, #tpu.memory_space<vmem_shared>>
        tpu.enqueue_indirect_dma source(%dma_start3A_365 : memref<128xf32, #tpu.memory_space<vmem>>) target(%dma_start3A_370 : memref<10240xf32, #tpu.memory_space<vmem_shared>>) offsets(%dma_start3A_368 : memref<128xi32, #tpu.memory_space<vmem>>) semaphore(%arg22 : memref<!tpu.dma_semaphore, #tpu.memory_space<semaphore_mem>>) {add = true}
      } else {
      }
    }
    %scan3A_60 = arith.constant 160 : i32
    %dma_wait3A = arith.constant 0 : i32
    %dma_wait3A_61 = arith.constant 0 : i32
    %dma_wait3A_62 = arith.constant 0 : i32
    %dma_wait3A_63 = arith.constant 0 : i32
    %dma_wait3A_64 = tpu.memref_slice %arg15[%dma_wait3A, %dma_wait3A_62, %dma_wait3A_63] : memref<2x128x32xf32, #tpu.memory_space<vmem>> -> memref<1x128x32xf32, #tpu.memory_space<vmem>>
    %dma_wait3A_65 = tpu.memref_squeeze %dma_wait3A_64 : memref<1x128x32xf32, #tpu.memory_space<vmem>> -> memref<128x32xf32, #tpu.memory_space<vmem>>
    %dma_wait3A_66 = arith.constant 0 : i32
    %dma_wait3A_67 = tpu.memref_slice %arg10[%dma_wait3A_61, %dma_wait3A_66] : memref<160x128xi32, #tpu.memory_space<vmem>> -> memref<1x128xi32, #tpu.memory_space<vmem>>
    %dma_wait3A_68 = tpu.memref_squeeze %dma_wait3A_67 : memref<1x128xi32, #tpu.memory_space<vmem>> -> memref<128xi32, #tpu.memory_space<vmem>>
    %dma_wait3A_69 = arith.constant 0 : i32
    %dma_wait3A_70 = arith.constant 0 : i32
    %dma_wait3A_71 = tpu.memref_slice %arg18[%dma_wait3A_69, %dma_wait3A_70] : memref<10000x32xf32, #tpu.memory_space<vmem_shared>> -> memref<10000x32xf32, #tpu.memory_space<vmem_shared>>
    tpu.wait_indirect_dma semaphore(%arg21 : memref<!tpu.dma_semaphore, #tpu.memory_space<semaphore_mem>>) src(%dma_wait3A_65 : memref<128x32xf32, #tpu.memory_space<vmem>>) dst(%dma_wait3A_71 : memref<10000x32xf32, #tpu.memory_space<vmem_shared>>)
    %scan3A_72 = arith.constant 0 : i32
    %scan3A_73 = arith.constant 0 : i32
    %scan3A_74 = arith.constant 80 : i32
    %scan3A_75 = arith.addi %scan3A_73, %scan3A_74 : i32
    %scan3A_76 = arith.constant 1 : i32
    scf.for %scan3A_87 = %scan3A_73 to %scan3A_75 step %scan3A_76  : i32 {
      %dma_wait3A_88 = arith.constant 0 : i32
      %dma_wait3A_89 = arith.constant 0 : i32
      %dma_wait3A_90 = arith.constant 0 : i32
      %dma_wait3A_91 = tpu.memref_slice %arg13[%dma_wait3A_88, %dma_wait3A_90] : memref<160x128xf32, #tpu.memory_space<vmem>> -> memref<1x128xf32, #tpu.memory_space<vmem>>
      %dma_wait3A_92 = tpu.memref_squeeze %dma_wait3A_91 : memref<1x128xf32, #tpu.memory_space<vmem>> -> memref<128xf32, #tpu.memory_space<vmem>>
      %dma_wait3A_93 = arith.constant 0 : i32
      %dma_wait3A_94 = tpu.memref_slice %arg10[%dma_wait3A_89, %dma_wait3A_93] : memref<160x128xi32, #tpu.memory_space<vmem>> -> memref<1x128xi32, #tpu.memory_space<vmem>>
      %dma_wait3A_95 = tpu.memref_squeeze %dma_wait3A_94 : memref<1x128xi32, #tpu.memory_space<vmem>> -> memref<128xi32, #tpu.memory_space<vmem>>
      %dma_wait3A_96 = arith.constant 0 : i32
      %dma_wait3A_97 = tpu.memref_slice %arg19[%dma_wait3A_96] : memref<10240xf32, #tpu.memory_space<vmem_shared>> -> memref<10240xf32, #tpu.memory_space<vmem_shared>>
      tpu.wait_indirect_dma semaphore(%arg22 : memref<!tpu.dma_semaphore, #tpu.memory_space<semaphore_mem>>) src(%dma_wait3A_92 : memref<128xf32, #tpu.memory_space<vmem>>) dst(%dma_wait3A_97 : memref<10240xf32, #tpu.memory_space<vmem_shared>>)
    }
    %scan3A_77 = arith.constant 80 : i32
    %barrier3A_78 = arith.constant 0 : index
    tpu.barrier barrier_id(%barrier3A_78)
    %mul3A_79 = arith.constant 625 : i32
    %mul3A_80 = arith.muli %arg1, %mul3A_79 : i32
    %mul3A_81 = arith.constant 625 : i32
    %mul3A_82 = arith.muli %arg1, %mul3A_81 : i32
    "tpu.region"() ({
      %run_scoped3A_87 = tpu.sem_alloc : memref<!tpu.dma_semaphore, #tpu.memory_space<semaphore_mem>>
      %dma_start3A_88 = arith.constant 0 : i32
      %dma_start3A_89 = tpu.memref_slice %arg7[%arg0, %mul3A_82, %dma_start3A_88] : memref<2x10000x32xf32, #tpu.memory_space<hbm>> -> memref<1x625x32xf32, #tpu.memory_space<hbm>>
      %dma_start3A_90 = tpu.memref_squeeze %dma_start3A_89 : memref<1x625x32xf32, #tpu.memory_space<hbm>> -> memref<625x32xf32, #tpu.memory_space<hbm>>
      %dma_start3A_91 = arith.constant 0 : i32
      %dma_start3A_92 = tpu.memref_slice %arg18[%mul3A_80, %dma_start3A_91] : memref<10000x32xf32, #tpu.memory_space<vmem_shared>> -> memref<625x32xf32, #tpu.memory_space<vmem_shared>>
      tpu.enqueue_dma source(%dma_start3A_92 : memref<625x32xf32, #tpu.memory_space<vmem_shared>>) target(%dma_start3A_90 : memref<625x32xf32, #tpu.memory_space<hbm>>) target_semaphore(%run_scoped3A_87 : memref<!tpu.dma_semaphore, #tpu.memory_space<semaphore_mem>>)
      %dma_wait3A_93 = arith.constant 0 : i32
      %dma_wait3A_94 = tpu.memref_slice %arg7[%arg0, %mul3A_82, %dma_wait3A_93] : memref<2x10000x32xf32, #tpu.memory_space<hbm>> -> memref<1x625x32xf32, #tpu.memory_space<hbm>>
      %dma_wait3A_95 = tpu.memref_squeeze %dma_wait3A_94 : memref<1x625x32xf32, #tpu.memory_space<hbm>> -> memref<625x32xf32, #tpu.memory_space<hbm>>
      %dma_wait3A_96 = arith.constant 0 : i32
      %dma_wait3A_97 = tpu.memref_slice %arg18[%mul3A_80, %dma_wait3A_96] : memref<10000x32xf32, #tpu.memory_space<vmem_shared>> -> memref<625x32xf32, #tpu.memory_space<vmem_shared>>
      tpu.wait_dma2 semaphore(%run_scoped3A_87 : memref<!tpu.dma_semaphore, #tpu.memory_space<semaphore_mem>>) src(%dma_wait3A_97 : memref<625x32xf32, #tpu.memory_space<vmem_shared>>) dst(%dma_wait3A_95 : memref<625x32xf32, #tpu.memory_space<hbm>>)
      tpu.yield
    }) : () -> ()
    %mul3A_83 = arith.constant 640 : i32
    %mul3A_84 = arith.muli %arg1, %mul3A_83 : i32
    %mul3A_85 = arith.constant 640 : i32
    %mul3A_86 = arith.muli %arg1, %mul3A_85 : i32
    "tpu.region"() ({
      %run_scoped3A_87 = tpu.sem_alloc : memref<!tpu.dma_semaphore, #tpu.memory_space<semaphore_mem>>
      %dma_start3A_88 = tpu.memref_slice %arg8[%arg0, %mul3A_86] : memref<2x10240xf32, #tpu.memory_space<hbm>> -> memref<1x640xf32, #tpu.memory_space<hbm>>
      %dma_start3A_89 = tpu.memref_squeeze %dma_start3A_88 : memref<1x640xf32, #tpu.memory_space<hbm>> -> memref<640xf32, #tpu.memory_space<hbm>>
      %dma_start3A_90 = tpu.memref_slice %arg19[%mul3A_84] : memref<10240xf32, #tpu.memory_space<vmem_shared>> -> memref<640xf32, #tpu.memory_space<vmem_shared>>
      tpu.enqueue_dma source(%dma_start3A_90 : memref<640xf32, #tpu.memory_space<vmem_shared>>) target(%dma_start3A_89 : memref<640xf32, #tpu.memory_space<hbm>>) target_semaphore(%run_scoped3A_87 : memref<!tpu.dma_semaphore, #tpu.memory_space<semaphore_mem>>)
      %dma_wait3A_91 = tpu.memref_slice %arg8[%arg0, %mul3A_86] : memref<2x10240xf32, #tpu.memory_space<hbm>> -> memref<1x640xf32, #tpu.memory_space<hbm>>
      %dma_wait3A_92 = tpu.memref_squeeze %dma_wait3A_91 : memref<1x640xf32, #tpu.memory_space<hbm>> -> memref<640xf32, #tpu.memory_space<hbm>>
      %dma_wait3A_93 = tpu.memref_slice %arg19[%mul3A_84] : memref<10240xf32, #tpu.memory_space<vmem_shared>> -> memref<640xf32, #tpu.memory_space<vmem_shared>>
      tpu.wait_dma2 semaphore(%run_scoped3A_87 : memref<!tpu.dma_semaphore, #tpu.memory_space<semaphore_mem>>) src(%dma_wait3A_93 : memref<640xf32, #tpu.memory_space<vmem_shared>>) dst(%dma_wait3A_92 : memref<640xf32, #tpu.memory_space<hbm>>)
      tpu.yield
    }) : () -> ()
    return
  }
}

#map = affine_map<(d0, d1) -> (0, 0, 0)>
#map1 = affine_map<(d0, d1) -> (0)>
#map2 = affine_map<(d0, d1) -> (0, 0)>
module attributes {stable_mosaic.version = 14 : i64} {
  func.func @k(%arg0: i32, %arg1: i32, %arg2: memref<2x10000x32xbf16, #tpu.memory_space<hbm>>, %arg3: memref<10000xf32, #tpu.memory_space<hbm>>, %arg4: memref<10000xf32, #tpu.memory_space<hbm>>, %arg5: memref<16x160x128xi32, #tpu.memory_space<hbm>>, %arg6: memref<16x160x128xi32, #tpu.memory_space<hbm>>, %arg7: memref<2x10000x32xf32, #tpu.memory_space<hbm>>, %arg8: memref<2x10240xf32, #tpu.memory_space<hbm>>, %arg9: memref<160x128xi32, #tpu.memory_space<vmem>>, %arg10: memref<160x128xi32, #tpu.memory_space<vmem>>, %arg11: memref<10000xf32, #tpu.memory_space<vmem>>, %arg12: memref<10000xf32, #tpu.memory_space<vmem>>, %arg13: memref<160x128xf32, #tpu.memory_space<vmem>>, %arg14: memref<2x128x32xbf16, #tpu.memory_space<vmem>>, %arg15: memref<2x128x32xf32, #tpu.memory_space<vmem>>, %arg16: memref<640xf32, #tpu.memory_space<vmem>>, %arg17: memref<10000x32xbf16, #tpu.memory_space<vmem_shared>>, %arg18: memref<10000x32xf32, #tpu.memory_space<vmem_shared>>, %arg19: memref<10240xf32, #tpu.memory_space<vmem_shared>>, %arg20: memref<!tpu.dma_semaphore, #tpu.memory_space<semaphore_mem>>, %arg21: memref<!tpu.dma_semaphore, #tpu.memory_space<semaphore_mem>>, %arg22: memref<!tpu.dma_semaphore, #tpu.memory_space<semaphore_mem>>) attributes {dimension_semantics = [#tpu.dimension_semantics<core_parallel>, #tpu.dimension_semantics<subcore_parallel>], iteration_bounds = array<i64: 2, 16>, scalar_prefetch = 0 : i64, scratch_operands = 14 : i64, tpu.core_type = #tpu.core_type<sc_vector_subcore>, window_params = [{transform_indices = #map}, {transform_indices = #map1}, {transform_indices = #map1}, {transform_indices = #map}, {transform_indices = #map}, {transform_indices = #map}, {transform_indices = #map2}]} {
    "tpu.region"() ({
      %run_scoped3A_87 = tpu.sem_alloc : memref<!tpu.dma_semaphore, #tpu.memory_space<semaphore_mem>>
      %dma_start3A_88 = arith.constant 0 : i32
      %dma_start3A_89 = arith.constant 0 : i32
      %dma_start3A_90 = tpu.memref_slice %arg5[%arg1, %dma_start3A_88, %dma_start3A_89] : memref<16x160x128xi32, #tpu.memory_space<hbm>> -> memref<1x160x128xi32, #tpu.memory_space<hbm>>
      %dma_start3A_91 = tpu.memref_squeeze %dma_start3A_90 : memref<1x160x128xi32, #tpu.memory_space<hbm>> -> memref<160x128xi32, #tpu.memory_space<hbm>>
      %dma_start3A_92 = arith.constant 0 : i32
      %dma_start3A_93 = arith.constant 0 : i32
      %dma_start3A_94 = tpu.memref_slice %arg5[%arg1, %dma_start3A_92, %dma_start3A_93] : memref<16x160x128xi32, #tpu.memory_space<hbm>> -> memref<1x160x128xi32, #tpu.memory_space<hbm>>
      %dma_start3A_95 = tpu.memref_squeeze %dma_start3A_94 : memref<1x160x128xi32, #tpu.memory_space<hbm>> -> memref<160x128xi32, #tpu.memory_space<hbm>>
      tpu.enqueue_dma source(%dma_start3A_95 : memref<160x128xi32, #tpu.memory_space<hbm>>) target(%arg9 : memref<160x128xi32, #tpu.memory_space<vmem>>) target_semaphore(%run_scoped3A_87 : memref<!tpu.dma_semaphore, #tpu.memory_space<semaphore_mem>>)
      %dma_wait3A_96 = arith.constant 0 : i32
      %dma_wait3A_97 = arith.constant 0 : i32
      %dma_wait3A_98 = tpu.memref_slice %arg5[%arg1, %dma_wait3A_96, %dma_wait3A_97] : memref<16x160x128xi32, #tpu.memory_space<hbm>> -> memref<1x160x128xi32, #tpu.memory_space<hbm>>
      %dma_wait3A_99 = tpu.memref_squeeze %dma_wait3A_98 : memref<1x160x128xi32, #tpu.memory_space<hbm>> -> memref<160x128xi32, #tpu.memory_space<hbm>>
      %dma_wait3A_100 = arith.constant 0 : i32
      %dma_wait3A_101 = arith.constant 0 : i32
      %dma_wait3A_102 = tpu.memref_slice %arg5[%arg1, %dma_wait3A_100, %dma_wait3A_101] : memref<16x160x128xi32, #tpu.memory_space<hbm>> -> memref<1x160x128xi32, #tpu.memory_space<hbm>>
      %dma_wait3A_103 = tpu.memref_squeeze %dma_wait3A_102 : memref<1x160x128xi32, #tpu.memory_space<hbm>> -> memref<160x128xi32, #tpu.memory_space<hbm>>
      tpu.wait_dma2 semaphore(%run_scoped3A_87 : memref<!tpu.dma_semaphore, #tpu.memory_space<semaphore_mem>>) src(%dma_wait3A_103 : memref<160x128xi32, #tpu.memory_space<hbm>>) dst(%arg9 : memref<160x128xi32, #tpu.memory_space<vmem>>)
      tpu.yield
    }) : () -> ()
    "tpu.region"() ({
      %run_scoped3A_87 = tpu.sem_alloc : memref<!tpu.dma_semaphore, #tpu.memory_space<semaphore_mem>>
      %dma_start3A_88 = arith.constant 0 : i32
      %dma_start3A_89 = arith.constant 0 : i32
      %dma_start3A_90 = tpu.memref_slice %arg6[%arg1, %dma_start3A_88, %dma_start3A_89] : memref<16x160x128xi32, #tpu.memory_space<hbm>> -> memref<1x160x128xi32, #tpu.memory_space<hbm>>
      %dma_start3A_91 = tpu.memref_squeeze %dma_start3A_90 : memref<1x160x128xi32, #tpu.memory_space<hbm>> -> memref<160x128xi32, #tpu.memory_space<hbm>>
      %dma_start3A_92 = arith.constant 0 : i32
      %dma_start3A_93 = arith.constant 0 : i32
      %dma_start3A_94 = tpu.memref_slice %arg6[%arg1, %dma_start3A_92, %dma_start3A_93] : memref<16x160x128xi32, #tpu.memory_space<hbm>> -> memref<1x160x128xi32, #tpu.memory_space<hbm>>
      %dma_start3A_95 = tpu.memref_squeeze %dma_start3A_94 : memref<1x160x128xi32, #tpu.memory_space<hbm>> -> memref<160x128xi32, #tpu.memory_space<hbm>>
      tpu.enqueue_dma source(%dma_start3A_95 : memref<160x128xi32, #tpu.memory_space<hbm>>) target(%arg10 : memref<160x128xi32, #tpu.memory_space<vmem>>) target_semaphore(%run_scoped3A_87 : memref<!tpu.dma_semaphore, #tpu.memory_space<semaphore_mem>>)
      %dma_wait3A_96 = arith.constant 0 : i32
      %dma_wait3A_97 = arith.constant 0 : i32
      %dma_wait3A_98 = tpu.memref_slice %arg6[%arg1, %dma_wait3A_96, %dma_wait3A_97] : memref<16x160x128xi32, #tpu.memory_space<hbm>> -> memref<1x160x128xi32, #tpu.memory_space<hbm>>
      %dma_wait3A_99 = tpu.memref_squeeze %dma_wait3A_98 : memref<1x160x128xi32, #tpu.memory_space<hbm>> -> memref<160x128xi32, #tpu.memory_space<hbm>>
      %dma_wait3A_100 = arith.constant 0 : i32
      %dma_wait3A_101 = arith.constant 0 : i32
      %dma_wait3A_102 = tpu.memref_slice %arg6[%arg1, %dma_wait3A_100, %dma_wait3A_101] : memref<16x160x128xi32, #tpu.memory_space<hbm>> -> memref<1x160x128xi32, #tpu.memory_space<hbm>>
      %dma_wait3A_103 = tpu.memref_squeeze %dma_wait3A_102 : memref<1x160x128xi32, #tpu.memory_space<hbm>> -> memref<160x128xi32, #tpu.memory_space<hbm>>
      tpu.wait_dma2 semaphore(%run_scoped3A_87 : memref<!tpu.dma_semaphore, #tpu.memory_space<semaphore_mem>>) src(%dma_wait3A_103 : memref<160x128xi32, #tpu.memory_space<hbm>>) dst(%arg10 : memref<160x128xi32, #tpu.memory_space<vmem>>)
      tpu.yield
    }) : () -> ()
    "tpu.region"() ({
      %run_scoped3A_87 = tpu.sem_alloc : memref<!tpu.dma_semaphore, #tpu.memory_space<semaphore_mem>>
      tpu.enqueue_dma source(%arg3 : memref<10000xf32, #tpu.memory_space<hbm>>) target(%arg11 : memref<10000xf32, #tpu.memory_space<vmem>>) target_semaphore(%run_scoped3A_87 : memref<!tpu.dma_semaphore, #tpu.memory_space<semaphore_mem>>)
      tpu.wait_dma2 semaphore(%run_scoped3A_87 : memref<!tpu.dma_semaphore, #tpu.memory_space<semaphore_mem>>) src(%arg3 : memref<10000xf32, #tpu.memory_space<hbm>>) dst(%arg11 : memref<10000xf32, #tpu.memory_space<vmem>>)
      tpu.yield
    }) : () -> ()
    "tpu.region"() ({
      %run_scoped3A_87 = tpu.sem_alloc : memref<!tpu.dma_semaphore, #tpu.memory_space<semaphore_mem>>
      tpu.enqueue_dma source(%arg4 : memref<10000xf32, #tpu.memory_space<hbm>>) target(%arg12 : memref<10000xf32, #tpu.memory_space<vmem>>) target_semaphore(%run_scoped3A_87 : memref<!tpu.dma_semaphore, #tpu.memory_space<semaphore_mem>>)
      tpu.wait_dma2 semaphore(%run_scoped3A_87 : memref<!tpu.dma_semaphore, #tpu.memory_space<semaphore_mem>>) src(%arg4 : memref<10000xf32, #tpu.memory_space<hbm>>) dst(%arg12 : memref<10000xf32, #tpu.memory_space<vmem>>)
      tpu.yield
    }) : () -> ()
    %mul3A = arith.constant 625 : i32
    %mul3A_0 = arith.muli %arg1, %mul3A : i32
    %mul3A_1 = arith.constant 625 : i32
    %mul3A_2 = arith.muli %arg1, %mul3A_1 : i32
    "tpu.region"() ({
      %run_scoped3A_87 = tpu.sem_alloc : memref<!tpu.dma_semaphore, #tpu.memory_space<semaphore_mem>>
      %dma_start3A_88 = arith.constant 0 : i32
      %dma_start3A_89 = tpu.memref_slice %arg17[%mul3A_2, %dma_start3A_88] : memref<10000x32xbf16, #tpu.memory_space<vmem_shared>> -> memref<625x32xbf16, #tpu.memory_space<vmem_shared>>
      %dma_start3A_90 = arith.constant 0 : i32
      %dma_start3A_91 = tpu.memref_slice %arg2[%arg0, %mul3A_0, %dma_start3A_90] : memref<2x10000x32xbf16, #tpu.memory_space<hbm>> -> memref<1x625x32xbf16, #tpu.memory_space<hbm>>
      %dma_start3A_92 = tpu.memref_squeeze %dma_start3A_91 : memref<1x625x32xbf16, #tpu.memory_space<hbm>> -> memref<625x32xbf16, #tpu.memory_space<hbm>>
      tpu.enqueue_dma source(%dma_start3A_92 : memref<625x32xbf16, #tpu.memory_space<hbm>>) target(%dma_start3A_89 : memref<625x32xbf16, #tpu.memory_space<vmem_shared>>) target_semaphore(%run_scoped3A_87 : memref<!tpu.dma_semaphore, #tpu.memory_space<semaphore_mem>>)
      %dma_wait3A_93 = arith.constant 0 : i32
      %dma_wait3A_94 = tpu.memref_slice %arg17[%mul3A_2, %dma_wait3A_93] : memref<10000x32xbf16, #tpu.memory_space<vmem_shared>> -> memref<625x32xbf16, #tpu.memory_space<vmem_shared>>
      %dma_wait3A_95 = arith.constant 0 : i32
      %dma_wait3A_96 = tpu.memref_slice %arg2[%arg0, %mul3A_0, %dma_wait3A_95] : memref<2x10000x32xbf16, #tpu.memory_space<hbm>> -> memref<1x625x32xbf16, #tpu.memory_space<hbm>>
      %dma_wait3A_97 = tpu.memref_squeeze %dma_wait3A_96 : memref<1x625x32xbf16, #tpu.memory_space<hbm>> -> memref<625x32xbf16, #tpu.memory_space<hbm>>
      tpu.wait_dma2 semaphore(%run_scoped3A_87 : memref<!tpu.dma_semaphore, #tpu.memory_space<semaphore_mem>>) src(%dma_wait3A_97 : memref<625x32xbf16, #tpu.memory_space<hbm>>) dst(%dma_wait3A_94 : memref<625x32xbf16, #tpu.memory_space<vmem_shared>>)
      tpu.yield
    }) : () -> ()
    %broadcast_in_dim3A = arith.constant 0.000000e+00 : f32
    %broadcast_in_dim3A_3 = vector.broadcast %broadcast_in_dim3A : f32 to vector<16xf32>
    %scan3A = arith.constant 0 : i32
    %scan3A_4 = arith.constant 0 : i32
    %scan3A_5 = arith.constant 128 : i32
    %scan3A_6 = arith.addi %scan3A_4, %scan3A_5 : i32
    %scan3A_7 = arith.constant 1 : i32
    scf.for %scan3A_87 = %scan3A_4 to %scan3A_6 step %scan3A_7  : i32 {
      %swap3A = arith.constant 0 : i32
      %swap3A_88 = arith.index_cast %swap3A : i32 to index
      %swap3A_89 = arith.index_cast %scan3A_87 : i32 to index
      %swap3A_90 = arith.constant 0 : index
      %swap3A_91 = tpu.vector_load %arg15[%swap3A_88, %swap3A_89, %swap3A_90] {strides = array<i32>} : memref<2x128x32xf32, #tpu.memory_space<vmem>>, vector<16xf32>,
      tpu.vector_store %arg15[%swap3A_88, %swap3A_89, %swap3A_90], %broadcast_in_dim3A_3 {strides = array<i32>} : memref<2x128x32xf32, #tpu.memory_space<vmem>>, vector<16xf32>,
      %swap3A_92 = arith.constant 0 : i32
      %swap3A_93 = arith.index_cast %swap3A_92 : i32 to index
      %swap3A_94 = arith.index_cast %scan3A_87 : i32 to index
      %swap3A_95 = arith.constant 16 : index
      %swap3A_96 = tpu.vector_load %arg15[%swap3A_93, %swap3A_94, %swap3A_95] {strides = array<i32>} : memref<2x128x32xf32, #tpu.memory_space<vmem>>, vector<16xf32>,
      tpu.vector_store %arg15[%swap3A_93, %swap3A_94, %swap3A_95], %broadcast_in_dim3A_3 {strides = array<i32>} : memref<2x128x32xf32, #tpu.memory_space<vmem>>, vector<16xf32>,
    }
    %scan3A_8 = arith.constant 128 : i32
    %mul3A_9 = arith.constant 625 : i32
    %mul3A_10 = arith.muli %arg1, %mul3A_9 : i32
    %add3A = arith.constant 0 : i32
    %add3A_11 = arith.addi %mul3A_10, %add3A : i32
    %run_scoped3A = arith.constant 0 : i32
    "tpu.region"() ({
      %run_scoped3A_87 = tpu.sem_alloc : memref<!tpu.dma_semaphore, #tpu.memory_space<semaphore_mem>>
      %dma_start3A_88 = arith.constant 0 : i32
      %dma_start3A_89 = arith.constant 0 : i32
      %dma_start3A_90 = tpu.memref_slice %arg15[%run_scoped3A, %dma_start3A_88, %dma_start3A_89] : memref<2x128x32xf32, #tpu.memory_space<vmem>> -> memref<1x125x32xf32, #tpu.memory_space<vmem>>
      %dma_start3A_91 = tpu.memref_squeeze %dma_start3A_90 : memref<1x125x32xf32, #tpu.memory_space<vmem>> -> memref<125x32xf32, #tpu.memory_space<vmem>>
      %dma_start3A_92 = arith.constant 0 : i32
      %dma_start3A_93 = tpu.memref_slice %arg18[%add3A_11, %dma_start3A_92] : memref<10000x32xf32, #tpu.memory_space<vmem_shared>> -> memref<125x32xf32, #tpu.memory_space<vmem_shared>>
      %dma_start3A_94 = arith.constant 0 : i32
      %dma_start3A_95 = tpu.memref_slice %arg18[%add3A_11, %dma_start3A_94] : memref<10000x32xf32, #tpu.memory_space<vmem_shared>> -> memref<125x32xf32, #tpu.memory_space<vmem_shared>>
      %dma_start3A_96 = arith.constant 0 : i32
      %dma_start3A_97 = arith.constant 0 : i32
      %dma_start3A_98 = tpu.memref_slice %arg15[%run_scoped3A, %dma_start3A_96, %dma_start3A_97] : memref<2x128x32xf32, #tpu.memory_space<vmem>> -> memref<1x125x32xf32, #tpu.memory_space<vmem>>
      %dma_start3A_99 = tpu.memref_squeeze %dma_start3A_98 : memref<1x125x32xf32, #tpu.memory_space<vmem>> -> memref<125x32xf32, #tpu.memory_space<vmem>>
      tpu.enqueue_dma source(%dma_start3A_99 : memref<125x32xf32, #tpu.memory_space<vmem>>) target(%dma_start3A_95 : memref<125x32xf32, #tpu.memory_space<vmem_shared>>) target_semaphore(%run_scoped3A_87 : memref<!tpu.dma_semaphore, #tpu.memory_space<semaphore_mem>>)
      %dma_wait3A_100 = arith.constant 0 : i32
      %dma_wait3A_101 = arith.constant 0 : i32
      %dma_wait3A_102 = tpu.memref_slice %arg15[%run_scoped3A, %dma_wait3A_100, %dma_wait3A_101] : memref<2x128x32xf32, #tpu.memory_space<vmem>> -> memref<1x125x32xf32, #tpu.memory_space<vmem>>
      %dma_wait3A_103 = tpu.memref_squeeze %dma_wait3A_102 : memref<1x125x32xf32, #tpu.memory_space<vmem>> -> memref<125x32xf32, #tpu.memory_space<vmem>>
      %dma_wait3A_104 = arith.constant 0 : i32
      %dma_wait3A_105 = tpu.memref_slice %arg18[%add3A_11, %dma_wait3A_104] : memref<10000x32xf32, #tpu.memory_space<vmem_shared>> -> memref<125x32xf32, #tpu.memory_space<vmem_shared>>
      %dma_wait3A_106 = arith.constant 0 : i32
      %dma_wait3A_107 = tpu.memref_slice %arg18[%add3A_11, %dma_wait3A_106] : memref<10000x32xf32, #tpu.memory_space<vmem_shared>> -> memref<125x32xf32, #tpu.memory_space<vmem_shared>>
      %dma_wait3A_108 = arith.constant 0 : i32
      %dma_wait3A_109 = arith.constant 0 : i32
      %dma_wait3A_110 = tpu.memref_slice %arg15[%run_scoped3A, %dma_wait3A_108, %dma_wait3A_109] : memref<2x128x32xf32, #tpu.memory_space<vmem>> -> memref<1x125x32xf32, #tpu.memory_space<vmem>>
      %dma_wait3A_111 = tpu.memref_squeeze %dma_wait3A_110 : memref<1x125x32xf32, #tpu.memory_space<vmem>> -> memref<125x32xf32, #tpu.memory_space<vmem>>
      tpu.wait_dma2 semaphore(%run_scoped3A_87 : memref<!tpu.dma_semaphore, #tpu.memory_space<semaphore_mem>>) src(%dma_wait3A_111 : memref<125x32xf32, #tpu.memory_space<vmem>>) dst(%dma_wait3A_107 : memref<125x32xf32, #tpu.memory_space<vmem_shared>>)
      tpu.yield
    }) : () -> ()
    %mul3A_12 = arith.constant 625 : i32
    %mul3A_13 = arith.muli %arg1, %mul3A_12 : i32
    %add3A_14 = arith.constant 125 : i32
    %add3A_15 = arith.addi %mul3A_13, %add3A_14 : i32
    %run_scoped3A_16 = arith.constant 0 : i32
    "tpu.region"() ({
      %run_scoped3A_87 = tpu.sem_alloc : memref<!tpu.dma_semaphore, #tpu.memory_space<semaphore_mem>>
      %dma_start3A_88 = arith.constant 0 : i32
      %dma_start3A_89 = arith.constant 0 : i32
      %dma_start3A_90 = tpu.memref_slice %arg15[%run_scoped3A_16, %dma_start3A_88, %dma_start3A_89] : memref<2x128x32xf32, #tpu.memory_space<vmem>> -> memref<1x125x32xf32, #tpu.memory_space<vmem>>
      %dma_start3A_91 = tpu.memref_squeeze %dma_start3A_90 : memref<1x125x32xf32, #tpu.memory_space<vmem>> -> memref<125x32xf32, #tpu.memory_space<vmem>>
      %dma_start3A_92 = arith.constant 0 : i32
      %dma_start3A_93 = tpu.memref_slice %arg18[%add3A_15, %dma_start3A_92] : memref<10000x32xf32, #tpu.memory_space<vmem_shared>> -> memref<125x32xf32, #tpu.memory_space<vmem_shared>>
      %dma_start3A_94 = arith.constant 0 : i32
      %dma_start3A_95 = tpu.memref_slice %arg18[%add3A_15, %dma_start3A_94] : memref<10000x32xf32, #tpu.memory_space<vmem_shared>> -> memref<125x32xf32, #tpu.memory_space<vmem_shared>>
      %dma_start3A_96 = arith.constant 0 : i32
      %dma_start3A_97 = arith.constant 0 : i32
      %dma_start3A_98 = tpu.memref_slice %arg15[%run_scoped3A_16, %dma_start3A_96, %dma_start3A_97] : memref<2x128x32xf32, #tpu.memory_space<vmem>> -> memref<1x125x32xf32, #tpu.memory_space<vmem>>
      %dma_start3A_99 = tpu.memref_squeeze %dma_start3A_98 : memref<1x125x32xf32, #tpu.memory_space<vmem>> -> memref<125x32xf32, #tpu.memory_space<vmem>>
      tpu.enqueue_dma source(%dma_start3A_99 : memref<125x32xf32, #tpu.memory_space<vmem>>) target(%dma_start3A_95 : memref<125x32xf32, #tpu.memory_space<vmem_shared>>) target_semaphore(%run_scoped3A_87 : memref<!tpu.dma_semaphore, #tpu.memory_space<semaphore_mem>>)
      %dma_wait3A_100 = arith.constant 0 : i32
      %dma_wait3A_101 = arith.constant 0 : i32
      %dma_wait3A_102 = tpu.memref_slice %arg15[%run_scoped3A_16, %dma_wait3A_100, %dma_wait3A_101] : memref<2x128x32xf32, #tpu.memory_space<vmem>> -> memref<1x125x32xf32, #tpu.memory_space<vmem>>
      %dma_wait3A_103 = tpu.memref_squeeze %dma_wait3A_102 : memref<1x125x32xf32, #tpu.memory_space<vmem>> -> memref<125x32xf32, #tpu.memory_space<vmem>>
      %dma_wait3A_104 = arith.constant 0 : i32
      %dma_wait3A_105 = tpu.memref_slice %arg18[%add3A_15, %dma_wait3A_104] : memref<10000x32xf32, #tpu.memory_space<vmem_shared>> -> memref<125x32xf32, #tpu.memory_space<vmem_shared>>
      %dma_wait3A_106 = arith.constant 0 : i32
      %dma_wait3A_107 = tpu.memref_slice %arg18[%add3A_15, %dma_wait3A_106] : memref<10000x32xf32, #tpu.memory_space<vmem_shared>> -> memref<125x32xf32, #tpu.memory_space<vmem_shared>>
      %dma_wait3A_108 = arith.constant 0 : i32
      %dma_wait3A_109 = arith.constant 0 : i32
      %dma_wait3A_110 = tpu.memref_slice %arg15[%run_scoped3A_16, %dma_wait3A_108, %dma_wait3A_109] : memref<2x128x32xf32, #tpu.memory_space<vmem>> -> memref<1x125x32xf32, #tpu.memory_space<vmem>>
      %dma_wait3A_111 = tpu.memref_squeeze %dma_wait3A_110 : memref<1x125x32xf32, #tpu.memory_space<vmem>> -> memref<125x32xf32, #tpu.memory_space<vmem>>
      tpu.wait_dma2 semaphore(%run_scoped3A_87 : memref<!tpu.dma_semaphore, #tpu.memory_space<semaphore_mem>>) src(%dma_wait3A_111 : memref<125x32xf32, #tpu.memory_space<vmem>>) dst(%dma_wait3A_107 : memref<125x32xf32, #tpu.memory_space<vmem_shared>>)
      tpu.yield
    }) : () -> ()
    %mul3A_17 = arith.constant 625 : i32
    %mul3A_18 = arith.muli %arg1, %mul3A_17 : i32
    %add3A_19 = arith.constant 250 : i32
    %add3A_20 = arith.addi %mul3A_18, %add3A_19 : i32
    %run_scoped3A_21 = arith.constant 0 : i32
    "tpu.region"() ({
      %run_scoped3A_87 = tpu.sem_alloc : memref<!tpu.dma_semaphore, #tpu.memory_space<semaphore_mem>>
      %dma_start3A_88 = arith.constant 0 : i32
      %dma_start3A_89 = arith.constant 0 : i32
      %dma_start3A_90 = tpu.memref_slice %arg15[%run_scoped3A_21, %dma_start3A_88, %dma_start3A_89] : memref<2x128x32xf32, #tpu.memory_space<vmem>> -> memref<1x125x32xf32, #tpu.memory_space<vmem>>
      %dma_start3A_91 = tpu.memref_squeeze %dma_start3A_90 : memref<1x125x32xf32, #tpu.memory_space<vmem>> -> memref<125x32xf32, #tpu.memory_space<vmem>>
      %dma_start3A_92 = arith.constant 0 : i32
      %dma_start3A_93 = tpu.memref_slice %arg18[%add3A_20, %dma_start3A_92] : memref<10000x32xf32, #tpu.memory_space<vmem_shared>> -> memref<125x32xf32, #tpu.memory_space<vmem_shared>>
      %dma_start3A_94 = arith.constant 0 : i32
      %dma_start3A_95 = tpu.memref_slice %arg18[%add3A_20, %dma_start3A_94] : memref<10000x32xf32, #tpu.memory_space<vmem_shared>> -> memref<125x32xf32, #tpu.memory_space<vmem_shared>>
      %dma_start3A_96 = arith.constant 0 : i32
      %dma_start3A_97 = arith.constant 0 : i32
      %dma_start3A_98 = tpu.memref_slice %arg15[%run_scoped3A_21, %dma_start3A_96, %dma_start3A_97] : memref<2x128x32xf32, #tpu.memory_space<vmem>> -> memref<1x125x32xf32, #tpu.memory_space<vmem>>
      %dma_start3A_99 = tpu.memref_squeeze %dma_start3A_98 : memref<1x125x32xf32, #tpu.memory_space<vmem>> -> memref<125x32xf32, #tpu.memory_space<vmem>>
      tpu.enqueue_dma source(%dma_start3A_99 : memref<125x32xf32, #tpu.memory_space<vmem>>) target(%dma_start3A_95 : memref<125x32xf32, #tpu.memory_space<vmem_shared>>) target_semaphore(%run_scoped3A_87 : memref<!tpu.dma_semaphore, #tpu.memory_space<semaphore_mem>>)
      %dma_wait3A_100 = arith.constant 0 : i32
      %dma_wait3A_101 = arith.constant 0 : i32
      %dma_wait3A_102 = tpu.memref_slice %arg15[%run_scoped3A_21, %dma_wait3A_100, %dma_wait3A_101] : memref<2x128x32xf32, #tpu.memory_space<vmem>> -> memref<1x125x32xf32, #tpu.memory_space<vmem>>
      %dma_wait3A_103 = tpu.memref_squeeze %dma_wait3A_102 : memref<1x125x32xf32, #tpu.memory_space<vmem>> -> memref<125x32xf32, #tpu.memory_space<vmem>>
      %dma_wait3A_104 = arith.constant 0 : i32
      %dma_wait3A_105 = tpu.memref_slice %arg18[%add3A_20, %dma_wait3A_104] : memref<10000x32xf32, #tpu.memory_space<vmem_shared>> -> memref<125x32xf32, #tpu.memory_space<vmem_shared>>
      %dma_wait3A_106 = arith.constant 0 : i32
      %dma_wait3A_107 = tpu.memref_slice %arg18[%add3A_20, %dma_wait3A_106] : memref<10000x32xf32, #tpu.memory_space<vmem_shared>> -> memref<125x32xf32, #tpu.memory_space<vmem_shared>>
      %dma_wait3A_108 = arith.constant 0 : i32
      %dma_wait3A_109 = arith.constant 0 : i32
      %dma_wait3A_110 = tpu.memref_slice %arg15[%run_scoped3A_21, %dma_wait3A_108, %dma_wait3A_109] : memref<2x128x32xf32, #tpu.memory_space<vmem>> -> memref<1x125x32xf32, #tpu.memory_space<vmem>>
      %dma_wait3A_111 = tpu.memref_squeeze %dma_wait3A_110 : memref<1x125x32xf32, #tpu.memory_space<vmem>> -> memref<125x32xf32, #tpu.memory_space<vmem>>
      tpu.wait_dma2 semaphore(%run_scoped3A_87 : memref<!tpu.dma_semaphore, #tpu.memory_space<semaphore_mem>>) src(%dma_wait3A_111 : memref<125x32xf32, #tpu.memory_space<vmem>>) dst(%dma_wait3A_107 : memref<125x32xf32, #tpu.memory_space<vmem_shared>>)
      tpu.yield
    }) : () -> ()
    %mul3A_22 = arith.constant 625 : i32
    %mul3A_23 = arith.muli %arg1, %mul3A_22 : i32
    %add3A_24 = arith.constant 375 : i32
    %add3A_25 = arith.addi %mul3A_23, %add3A_24 : i32
    %run_scoped3A_26 = arith.constant 0 : i32
    "tpu.region"() ({
      %run_scoped3A_87 = tpu.sem_alloc : memref<!tpu.dma_semaphore, #tpu.memory_space<semaphore_mem>>
      %dma_start3A_88 = arith.constant 0 : i32
      %dma_start3A_89 = arith.constant 0 : i32
      %dma_start3A_90 = tpu.memref_slice %arg15[%run_scoped3A_26, %dma_start3A_88, %dma_start3A_89] : memref<2x128x32xf32, #tpu.memory_space<vmem>> -> memref<1x125x32xf32, #tpu.memory_space<vmem>>
      %dma_start3A_91 = tpu.memref_squeeze %dma_start3A_90 : memref<1x125x32xf32, #tpu.memory_space<vmem>> -> memref<125x32xf32, #tpu.memory_space<vmem>>
      %dma_start3A_92 = arith.constant 0 : i32
      %dma_start3A_93 = tpu.memref_slice %arg18[%add3A_25, %dma_start3A_92] : memref<10000x32xf32, #tpu.memory_space<vmem_shared>> -> memref<125x32xf32, #tpu.memory_space<vmem_shared>>
      %dma_start3A_94 = arith.constant 0 : i32
      %dma_start3A_95 = tpu.memref_slice %arg18[%add3A_25, %dma_start3A_94] : memref<10000x32xf32, #tpu.memory_space<vmem_shared>> -> memref<125x32xf32, #tpu.memory_space<vmem_shared>>
      %dma_start3A_96 = arith.constant 0 : i32
      %dma_start3A_97 = arith.constant 0 : i32
      %dma_start3A_98 = tpu.memref_slice %arg15[%run_scoped3A_26, %dma_start3A_96, %dma_start3A_97] : memref<2x128x32xf32, #tpu.memory_space<vmem>> -> memref<1x125x32xf32, #tpu.memory_space<vmem>>
      %dma_start3A_99 = tpu.memref_squeeze %dma_start3A_98 : memref<1x125x32xf32, #tpu.memory_space<vmem>> -> memref<125x32xf32, #tpu.memory_space<vmem>>
      tpu.enqueue_dma source(%dma_start3A_99 : memref<125x32xf32, #tpu.memory_space<vmem>>) target(%dma_start3A_95 : memref<125x32xf32, #tpu.memory_space<vmem_shared>>) target_semaphore(%run_scoped3A_87 : memref<!tpu.dma_semaphore, #tpu.memory_space<semaphore_mem>>)
      %dma_wait3A_100 = arith.constant 0 : i32
      %dma_wait3A_101 = arith.constant 0 : i32
      %dma_wait3A_102 = tpu.memref_slice %arg15[%run_scoped3A_26, %dma_wait3A_100, %dma_wait3A_101] : memref<2x128x32xf32, #tpu.memory_space<vmem>> -> memref<1x125x32xf32, #tpu.memory_space<vmem>>
      %dma_wait3A_103 = tpu.memref_squeeze %dma_wait3A_102 : memref<1x125x32xf32, #tpu.memory_space<vmem>> -> memref<125x32xf32, #tpu.memory_space<vmem>>
      %dma_wait3A_104 = arith.constant 0 : i32
      %dma_wait3A_105 = tpu.memref_slice %arg18[%add3A_25, %dma_wait3A_104] : memref<10000x32xf32, #tpu.memory_space<vmem_shared>> -> memref<125x32xf32, #tpu.memory_space<vmem_shared>>
      %dma_wait3A_106 = arith.constant 0 : i32
      %dma_wait3A_107 = tpu.memref_slice %arg18[%add3A_25, %dma_wait3A_106] : memref<10000x32xf32, #tpu.memory_space<vmem_shared>> -> memref<125x32xf32, #tpu.memory_space<vmem_shared>>
      %dma_wait3A_108 = arith.constant 0 : i32
      %dma_wait3A_109 = arith.constant 0 : i32
      %dma_wait3A_110 = tpu.memref_slice %arg15[%run_scoped3A_26, %dma_wait3A_108, %dma_wait3A_109] : memref<2x128x32xf32, #tpu.memory_space<vmem>> -> memref<1x125x32xf32, #tpu.memory_space<vmem>>
      %dma_wait3A_111 = tpu.memref_squeeze %dma_wait3A_110 : memref<1x125x32xf32, #tpu.memory_space<vmem>> -> memref<125x32xf32, #tpu.memory_space<vmem>>
      tpu.wait_dma2 semaphore(%run_scoped3A_87 : memref<!tpu.dma_semaphore, #tpu.memory_space<semaphore_mem>>) src(%dma_wait3A_111 : memref<125x32xf32, #tpu.memory_space<vmem>>) dst(%dma_wait3A_107 : memref<125x32xf32, #tpu.memory_space<vmem_shared>>)
      tpu.yield
    }) : () -> ()
    %mul3A_27 = arith.constant 625 : i32
    %mul3A_28 = arith.muli %arg1, %mul3A_27 : i32
    %add3A_29 = arith.constant 500 : i32
    %add3A_30 = arith.addi %mul3A_28, %add3A_29 : i32
    %run_scoped3A_31 = arith.constant 0 : i32
    "tpu.region"() ({
      %run_scoped3A_87 = tpu.sem_alloc : memref<!tpu.dma_semaphore, #tpu.memory_space<semaphore_mem>>
      %dma_start3A_88 = arith.constant 0 : i32
      %dma_start3A_89 = arith.constant 0 : i32
      %dma_start3A_90 = tpu.memref_slice %arg15[%run_scoped3A_31, %dma_start3A_88, %dma_start3A_89] : memref<2x128x32xf32, #tpu.memory_space<vmem>> -> memref<1x125x32xf32, #tpu.memory_space<vmem>>
      %dma_start3A_91 = tpu.memref_squeeze %dma_start3A_90 : memref<1x125x32xf32, #tpu.memory_space<vmem>> -> memref<125x32xf32, #tpu.memory_space<vmem>>
      %dma_start3A_92 = arith.constant 0 : i32
      %dma_start3A_93 = tpu.memref_slice %arg18[%add3A_30, %dma_start3A_92] : memref<10000x32xf32, #tpu.memory_space<vmem_shared>> -> memref<125x32xf32, #tpu.memory_space<vmem_shared>>
      %dma_start3A_94 = arith.constant 0 : i32
      %dma_start3A_95 = tpu.memref_slice %arg18[%add3A_30, %dma_start3A_94] : memref<10000x32xf32, #tpu.memory_space<vmem_shared>> -> memref<125x32xf32, #tpu.memory_space<vmem_shared>>
      %dma_start3A_96 = arith.constant 0 : i32
      %dma_start3A_97 = arith.constant 0 : i32
      %dma_start3A_98 = tpu.memref_slice %arg15[%run_scoped3A_31, %dma_start3A_96, %dma_start3A_97] : memref<2x128x32xf32, #tpu.memory_space<vmem>> -> memref<1x125x32xf32, #tpu.memory_space<vmem>>
      %dma_start3A_99 = tpu.memref_squeeze %dma_start3A_98 : memref<1x125x32xf32, #tpu.memory_space<vmem>> -> memref<125x32xf32, #tpu.memory_space<vmem>>
      tpu.enqueue_dma source(%dma_start3A_99 : memref<125x32xf32, #tpu.memory_space<vmem>>) target(%dma_start3A_95 : memref<125x32xf32, #tpu.memory_space<vmem_shared>>) target_semaphore(%run_scoped3A_87 : memref<!tpu.dma_semaphore, #tpu.memory_space<semaphore_mem>>)
      %dma_wait3A_100 = arith.constant 0 : i32
      %dma_wait3A_101 = arith.constant 0 : i32
      %dma_wait3A_102 = tpu.memref_slice %arg15[%run_scoped3A_31, %dma_wait3A_100, %dma_wait3A_101] : memref<2x128x32xf32, #tpu.memory_space<vmem>> -> memref<1x125x32xf32, #tpu.memory_space<vmem>>
      %dma_wait3A_103 = tpu.memref_squeeze %dma_wait3A_102 : memref<1x125x32xf32, #tpu.memory_space<vmem>> -> memref<125x32xf32, #tpu.memory_space<vmem>>
      %dma_wait3A_104 = arith.constant 0 : i32
      %dma_wait3A_105 = tpu.memref_slice %arg18[%add3A_30, %dma_wait3A_104] : memref<10000x32xf32, #tpu.memory_space<vmem_shared>> -> memref<125x32xf32, #tpu.memory_space<vmem_shared>>
      %dma_wait3A_106 = arith.constant 0 : i32
      %dma_wait3A_107 = tpu.memref_slice %arg18[%add3A_30, %dma_wait3A_106] : memref<10000x32xf32, #tpu.memory_space<vmem_shared>> -> memref<125x32xf32, #tpu.memory_space<vmem_shared>>
      %dma_wait3A_108 = arith.constant 0 : i32
      %dma_wait3A_109 = arith.constant 0 : i32
      %dma_wait3A_110 = tpu.memref_slice %arg15[%run_scoped3A_31, %dma_wait3A_108, %dma_wait3A_109] : memref<2x128x32xf32, #tpu.memory_space<vmem>> -> memref<1x125x32xf32, #tpu.memory_space<vmem>>
      %dma_wait3A_111 = tpu.memref_squeeze %dma_wait3A_110 : memref<1x125x32xf32, #tpu.memory_space<vmem>> -> memref<125x32xf32, #tpu.memory_space<vmem>>
      tpu.wait_dma2 semaphore(%run_scoped3A_87 : memref<!tpu.dma_semaphore, #tpu.memory_space<semaphore_mem>>) src(%dma_wait3A_111 : memref<125x32xf32, #tpu.memory_space<vmem>>) dst(%dma_wait3A_107 : memref<125x32xf32, #tpu.memory_space<vmem_shared>>)
      tpu.yield
    }) : () -> ()
    %scan3A_32 = arith.constant 0 : i32
    %scan3A_33 = arith.constant 0 : i32
    %scan3A_34 = arith.constant 40 : i32
    %scan3A_35 = arith.addi %scan3A_33, %scan3A_34 : i32
    %scan3A_36 = arith.constant 1 : i32
    scf.for %scan3A_87 = %scan3A_33 to %scan3A_35 step %scan3A_36  : i32 {
      %mul3A_88 = arith.constant 16 : i32
      %mul3A_89 = arith.muli %scan3A_87, %mul3A_88 : i32
      %swap3A = arith.index_cast %mul3A_89 : i32 to index
      %swap3A_90 = tpu.vector_load %arg16[%swap3A] {strides = array<i32>} : memref<640xf32, #tpu.memory_space<vmem>>, vector<16xf32>,
      tpu.vector_store %arg16[%swap3A], %broadcast_in_dim3A_3 {strides = array<i32>} : memref<640xf32, #tpu.memory_space<vmem>>, vector<16xf32>,
    }
    %scan3A_37 = arith.constant 40 : i32
    %mul3A_38 = arith.constant 640 : i32
    %mul3A_39 = arith.muli %arg1, %mul3A_38 : i32
    "tpu.region"() ({
      %run_scoped3A_87 = tpu.sem_alloc : memref<!tpu.dma_semaphore, #tpu.memory_space<semaphore_mem>>
      %dma_start3A_88 = tpu.memref_slice %arg19[%mul3A_39] : memref<10240xf32, #tpu.memory_space<vmem_shared>> -> memref<640xf32, #tpu.memory_space<vmem_shared>>
      %dma_start3A_89 = tpu.memref_slice %arg19[%mul3A_39] : memref<10240xf32, #tpu.memory_space<vmem_shared>> -> memref<640xf32, #tpu.memory_space<vmem_shared>>
      tpu.enqueue_dma source(%arg16 : memref<640xf32, #tpu.memory_space<vmem>>) target(%dma_start3A_89 : memref<640xf32, #tpu.memory_space<vmem_shared>>) target_semaphore(%run_scoped3A_87 : memref<!tpu.dma_semaphore, #tpu.memory_space<semaphore_mem>>)
      %dma_wait3A_90 = tpu.memref_slice %arg19[%mul3A_39] : memref<10240xf32, #tpu.memory_space<vmem_shared>> -> memref<640xf32, #tpu.memory_space<vmem_shared>>
      %dma_wait3A_91 = tpu.memref_slice %arg19[%mul3A_39] : memref<10240xf32, #tpu.memory_space<vmem_shared>> -> memref<640xf32, #tpu.memory_space<vmem_shared>>
      tpu.wait_dma2 semaphore(%run_scoped3A_87 : memref<!tpu.dma_semaphore, #tpu.memory_space<semaphore_mem>>) src(%arg16 : memref<640xf32, #tpu.memory_space<vmem>>) dst(%dma_wait3A_91 : memref<640xf32, #tpu.memory_space<vmem_shared>>)
      tpu.yield
    }) : () -> ()
    %mul3A_40 = arith.constant 20480 : i32
    %mul3A_41 = arith.muli %arg1, %mul3A_40 : i32
    %iota3A = tpu.iota {dimensions = array<i32: 0>} : vector<16xi32>
    %barrier3A = arith.constant 0 : index
    tpu.barrier barrier_id(%barrier3A)
    %dma_start3A = arith.constant 0 : i32
    %dma_start3A_42 = arith.constant 0 : i32
    %dma_start3A_43 = arith.constant 0 : i32
    %dma_start3A_44 = arith.constant 0 : i32
    %dma_start3A_45 = tpu.memref_slice %arg14[%dma_start3A_42, %dma_start3A_43, %dma_start3A_44] : memref<2x128x32xbf16, #tpu.memory_space<vmem>> -> memref<1x128x32xbf16, #tpu.memory_space<vmem>>
    %dma_start3A_46 = tpu.memref_squeeze %dma_start3A_45 : memref<1x128x32xbf16, #tpu.memory_space<vmem>> -> memref<128x32xbf16, #tpu.memory_space<vmem>>
    %dma_start3A_47 = arith.constant 0 : i32
    %dma_start3A_48 = tpu.memref_slice %arg9[%dma_start3A, %dma_start3A_47] : memref<160x128xi32, #tpu.memory_space<vmem>> -> memref<1x128xi32, #tpu.memory_space<vmem>>
    %dma_start3A_49 = tpu.memref_squeeze %dma_start3A_48 : memref<1x128xi32, #tpu.memory_space<vmem>> -> memref<128xi32, #tpu.memory_space<vmem>>
    %dma_start3A_50 = arith.constant 0 : i32
    %dma_start3A_51 = arith.constant 0 : i32
    %dma_start3A_52 = tpu.memref_slice %arg17[%dma_start3A_50, %dma_start3A_51] : memref<10000x32xbf16, #tpu.memory_space<vmem_shared>> -> memref<10000x32xbf16, #tpu.memory_space<vmem_shared>>
    tpu.enqueue_indirect_dma source(%dma_start3A_52 : memref<10000x32xbf16, #tpu.memory_space<vmem_shared>>) target(%dma_start3A_46 : memref<128x32xbf16, #tpu.memory_space<vmem>>) offsets(%dma_start3A_49 : memref<128xi32, #tpu.memory_space<vmem>>) semaphore(%arg20 : memref<!tpu.dma_semaphore, #tpu.memory_space<semaphore_mem>>)
    %broadcast_in_dim3A_53 = arith.constant -65536 : i32
    %broadcast_in_dim3A_54 = vector.broadcast %broadcast_in_dim3A_53 : i32 to vector<16xi32>
    %scan3A_55 = arith.constant 0 : i32
    %scan3A_56 = arith.constant 0 : i32
    %scan3A_57 = arith.constant 160 : i32
    %scan3A_58 = arith.addi %scan3A_56, %scan3A_57 : i32
    %scan3A_59 = arith.constant 1 : i32
    scf.for %scan3A_87 = %scan3A_56 to %scan3A_58 step %scan3A_59  : i32 {
      %rem3A = arith.constant 2 : i32
      %rem3A_88 = arith.remsi %scan3A_87, %rem3A : i32
      %get3A = arith.index_cast %scan3A_87 : i32 to index
      %get3A_89 = arith.constant 0 : index
      %get3A_90 = tpu.vector_load %arg9[%get3A, %get3A_89] {strides = array<i32>} : memref<160x128xi32, #tpu.memory_space<vmem>>, vector<16xi32>,
      %get3A_91 = arith.index_cast %scan3A_87 : i32 to index
      %get3A_92 = arith.constant 0 : index
      %get3A_93 = tpu.vector_load %arg10[%get3A_91, %get3A_92] {strides = array<i32>} : memref<160x128xi32, #tpu.memory_space<vmem>>, vector<16xi32>,
      %gather3A = tpu.vector_load_idx %arg11[%get3A_90] : memref<10000xf32, #tpu.memory_space<vmem>>[vector<16xi32>], vector<16xf32>,
      %gather3A_94 = tpu.vector_load_idx %arg12[%get3A_93] : memref<10000xf32, #tpu.memory_space<vmem>>[vector<16xi32>], vector<16xf32>,
      %add3A_95 = arith.addf %gather3A, %gather3A_94 : vector<16xf32>
      %mul3A_96 = arith.constant 2.000000e-01 : f32
      %mul3A_97 = vector.broadcast %mul3A_96 : f32 to vector<16xf32>
      %mul3A_98 = arith.mulf %add3A_95, %mul3A_97 : vector<16xf32>
      %max3A = arith.maximumf %add3A_95, %mul3A_98 : vector<16xf32>
      %exp3A = math.exp %max3A : vector<16xf32>
      %mul3A_99 = arith.constant 128 : i32
      %mul3A_100 = arith.muli %scan3A_87, %mul3A_99 : i32
      %add3A_101 = arith.addi %mul3A_41, %mul3A_100 : i32
      %add3A_102 = arith.constant 0 : i32
      %add3A_103 = arith.addi %add3A_101, %add3A_102 : i32
      %add3A_104 = vector.broadcast %add3A_103 : i32 to vector<16xi32>
      %add3A_105 = arith.addi %add3A_104, %iota3A : vector<16xi32>
      %lt3A = arith.constant 320000 : i32
      %lt3A_106 = vector.broadcast %lt3A : i32 to vector<16xi32>
      %lt3A_107 = arith.cmpi slt, %add3A_105, %lt3A_106 : vector<16xi32>
      %jit3A = arith.constant 0.000000e+00 : f32
      %broadcast_in_dim3A_108 = vector.broadcast %jit3A : f32 to vector<16xf32>
      %select_n3A = arith.select %lt3A_107, %exp3A, %broadcast_in_dim3A_108 : vector<16xi1>, vector<16xf32>
      %swap3A = arith.index_cast %scan3A_87 : i32 to index
      %swap3A_109 = arith.constant 0 : index
      %swap3A_110 = tpu.vector_load %arg13[%swap3A, %swap3A_109] {strides = array<i32>} : memref<160x128xf32, #tpu.memory_space<vmem>>, vector<16xf32>,
      tpu.vector_store %arg13[%swap3A, %swap3A_109], %select_n3A {strides = array<i32>} : memref<160x128xf32, #tpu.memory_space<vmem>>, vector<16xf32>,
      %get3A_111 = arith.index_cast %scan3A_87 : i32 to index
      %get3A_112 = arith.constant 16 : index
      %get3A_113 = tpu.vector_load %arg9[%get3A_111, %get3A_112] {strides = array<i32>} : memref<160x128xi32, #tpu.memory_space<vmem>>, vector<16xi32>,
      %get3A_114 = arith.index_cast %scan3A_87 : i32 to index
      %get3A_115 = arith.constant 16 : index
      %get3A_116 = tpu.vector_load %arg10[%get3A_114, %get3A_115] {strides = array<i32>} : memref<160x128xi32, #tpu.memory_space<vmem>>, vector<16xi32>,
      %gather3A_117 = tpu.vector_load_idx %arg11[%get3A_113] : memref<10000xf32, #tpu.memory_space<vmem>>[vector<16xi32>], vector<16xf32>,
      %gather3A_118 = tpu.vector_load_idx %arg12[%get3A_116] : memref<10000xf32, #tpu.memory_space<vmem>>[vector<16xi32>], vector<16xf32>,
      %add3A_119 = arith.addf %gather3A_117, %gather3A_118 : vector<16xf32>
      %mul3A_120 = arith.constant 2.000000e-01 : f32
      %mul3A_121 = vector.broadcast %mul3A_120 : f32 to vector<16xf32>
      %mul3A_122 = arith.mulf %add3A_119, %mul3A_121 : vector<16xf32>
      %max3A_123 = arith.maximumf %add3A_119, %mul3A_122 : vector<16xf32>
      %exp3A_124 = math.exp %max3A_123 : vector<16xf32>
      %mul3A_125 = arith.constant 128 : i32
      %mul3A_126 = arith.muli %scan3A_87, %mul3A_125 : i32
      %add3A_127 = arith.addi %mul3A_41, %mul3A_126 : i32
      %add3A_128 = arith.constant 16 : i32
      %add3A_129 = arith.addi %add3A_127, %add3A_128 : i32
      %add3A_130 = vector.broadcast %add3A_129 : i32 to vector<16xi32>
      %add3A_131 = arith.addi %add3A_130, %iota3A : vector<16xi32>
      %lt3A_132 = arith.constant 320000 : i32
      %lt3A_133 = vector.broadcast %lt3A_132 : i32 to vector<16xi32>
      %lt3A_134 = arith.cmpi slt, %add3A_131, %lt3A_133 : vector<16xi32>
      %jit3A_135 = arith.constant 0.000000e+00 : f32
      %broadcast_in_dim3A_136 = vector.broadcast %jit3A_135 : f32 to vector<16xf32>
      %select_n3A_137 = arith.select %lt3A_134, %exp3A_124, %broadcast_in_dim3A_136 : vector<16xi1>, vector<16xf32>
      %swap3A_138 = arith.index_cast %scan3A_87 : i32 to index
      %swap3A_139 = arith.constant 16 : index
      %swap3A_140 = tpu.vector_load %arg13[%swap3A_138, %swap3A_139] {strides = array<i32>} : memref<160x128xf32, #tpu.memory_space<vmem>>, vector<16xf32>,
      tpu.vector_store %arg13[%swap3A_138, %swap3A_139], %select_n3A_137 {strides = array<i32>} : memref<160x128xf32, #tpu.memory_space<vmem>>, vector<16xf32>,
      %get3A_141 = arith.index_cast %scan3A_87 : i32 to index
      %get3A_142 = arith.constant 32 : index
      %get3A_143 = tpu.vector_load %arg9[%get3A_141, %get3A_142] {strides = array<i32>} : memref<160x128xi32, #tpu.memory_space<vmem>>, vector<16xi32>,
      %get3A_144 = arith.index_cast %scan3A_87 : i32 to index
      %get3A_145 = arith.constant 32 : index
      %get3A_146 = tpu.vector_load %arg10[%get3A_144, %get3A_145] {strides = array<i32>} : memref<160x128xi32, #tpu.memory_space<vmem>>, vector<16xi32>,
      %gather3A_147 = tpu.vector_load_idx %arg11[%get3A_143] : memref<10000xf32, #tpu.memory_space<vmem>>[vector<16xi32>], vector<16xf32>,
      %gather3A_148 = tpu.vector_load_idx %arg12[%get3A_146] : memref<10000xf32, #tpu.memory_space<vmem>>[vector<16xi32>], vector<16xf32>,
      %add3A_149 = arith.addf %gather3A_147, %gather3A_148 : vector<16xf32>
      %mul3A_150 = arith.constant 2.000000e-01 : f32
      %mul3A_151 = vector.broadcast %mul3A_150 : f32 to vector<16xf32>
      %mul3A_152 = arith.mulf %add3A_149, %mul3A_151 : vector<16xf32>
      %max3A_153 = arith.maximumf %add3A_149, %mul3A_152 : vector<16xf32>
      %exp3A_154 = math.exp %max3A_153 : vector<16xf32>
      %mul3A_155 = arith.constant 128 : i32
      %mul3A_156 = arith.muli %scan3A_87, %mul3A_155 : i32
      %add3A_157 = arith.addi %mul3A_41, %mul3A_156 : i32
      %add3A_158 = arith.constant 32 : i32
      %add3A_159 = arith.addi %add3A_157, %add3A_158 : i32
      %add3A_160 = vector.broadcast %add3A_159 : i32 to vector<16xi32>
      %add3A_161 = arith.addi %add3A_160, %iota3A : vector<16xi32>
      %lt3A_162 = arith.constant 320000 : i32
      %lt3A_163 = vector.broadcast %lt3A_162 : i32 to vector<16xi32>
      %lt3A_164 = arith.cmpi slt, %add3A_161, %lt3A_163 : vector<16xi32>
      %jit3A_165 = arith.constant 0.000000e+00 : f32
      %broadcast_in_dim3A_166 = vector.broadcast %jit3A_165 : f32 to vector<16xf32>
      %select_n3A_167 = arith.select %lt3A_164, %exp3A_154, %broadcast_in_dim3A_166 : vector<16xi1>, vector<16xf32>
      %swap3A_168 = arith.index_cast %scan3A_87 : i32 to index
      %swap3A_169 = arith.constant 32 : index
      %swap3A_170 = tpu.vector_load %arg13[%swap3A_168, %swap3A_169] {strides = array<i32>} : memref<160x128xf32, #tpu.memory_space<vmem>>, vector<16xf32>,
      tpu.vector_store %arg13[%swap3A_168, %swap3A_169], %select_n3A_167 {strides = array<i32>} : memref<160x128xf32, #tpu.memory_space<vmem>>, vector<16xf32>,
      %get3A_171 = arith.index_cast %scan3A_87 : i32 to index
      %get3A_172 = arith.constant 48 : index
      %get3A_173 = tpu.vector_load %arg9[%get3A_171, %get3A_172] {strides = array<i32>} : memref<160x128xi32, #tpu.memory_space<vmem>>, vector<16xi32>,
      %get3A_174 = arith.index_cast %scan3A_87 : i32 to index
      %get3A_175 = arith.constant 48 : index
      %get3A_176 = tpu.vector_load %arg10[%get3A_174, %get3A_175] {strides = array<i32>} : memref<160x128xi32, #tpu.memory_space<vmem>>, vector<16xi32>,
      %gather3A_177 = tpu.vector_load_idx %arg11[%get3A_173] : memref<10000xf32, #tpu.memory_space<vmem>>[vector<16xi32>], vector<16xf32>,
      %gather3A_178 = tpu.vector_load_idx %arg12[%get3A_176] : memref<10000xf32, #tpu.memory_space<vmem>>[vector<16xi32>], vector<16xf32>,
      %add3A_179 = arith.addf %gather3A_177, %gather3A_178 : vector<16xf32>
      %mul3A_180 = arith.constant 2.000000e-01 : f32
      %mul3A_181 = vector.broadcast %mul3A_180 : f32 to vector<16xf32>
      %mul3A_182 = arith.mulf %add3A_179, %mul3A_181 : vector<16xf32>
      %max3A_183 = arith.maximumf %add3A_179, %mul3A_182 : vector<16xf32>
      %exp3A_184 = math.exp %max3A_183 : vector<16xf32>
      %mul3A_185 = arith.constant 128 : i32
      %mul3A_186 = arith.muli %scan3A_87, %mul3A_185 : i32
      %add3A_187 = arith.addi %mul3A_41, %mul3A_186 : i32
      %add3A_188 = arith.constant 48 : i32
      %add3A_189 = arith.addi %add3A_187, %add3A_188 : i32
      %add3A_190 = vector.broadcast %add3A_189 : i32 to vector<16xi32>
      %add3A_191 = arith.addi %add3A_190, %iota3A : vector<16xi32>
      %lt3A_192 = arith.constant 320000 : i32
      %lt3A_193 = vector.broadcast %lt3A_192 : i32 to vector<16xi32>
      %lt3A_194 = arith.cmpi slt, %add3A_191, %lt3A_193 : vector<16xi32>
      %jit3A_195 = arith.constant 0.000000e+00 : f32
      %broadcast_in_dim3A_196 = vector.broadcast %jit3A_195 : f32 to vector<16xf32>
      %select_n3A_197 = arith.select %lt3A_194, %exp3A_184, %broadcast_in_dim3A_196 : vector<16xi1>, vector<16xf32>
      %swap3A_198 = arith.index_cast %scan3A_87 : i32 to index
      %swap3A_199 = arith.constant 48 : index
      %swap3A_200 = tpu.vector_load %arg13[%swap3A_198, %swap3A_199] {strides = array<i32>} : memref<160x128xf32, #tpu.memory_space<vmem>>, vector<16xf32>,
      tpu.vector_store %arg13[%swap3A_198, %swap3A_199], %select_n3A_197 {strides = array<i32>} : memref<160x128xf32, #tpu.memory_space<vmem>>, vector<16xf32>,
      %get3A_201 = arith.index_cast %scan3A_87 : i32 to index
      %get3A_202 = arith.constant 64 : index
      %get3A_203 = tpu.vector_load %arg9[%get3A_201, %get3A_202] {strides = array<i32>} : memref<160x128xi32, #tpu.memory_space<vmem>>, vector<16xi32>,
      %get3A_204 = arith.index_cast %scan3A_87 : i32 to index
      %get3A_205 = arith.constant 64 : index
      %get3A_206 = tpu.vector_load %arg10[%get3A_204, %get3A_205] {strides = array<i32>} : memref<160x128xi32, #tpu.memory_space<vmem>>, vector<16xi32>,
      %gather3A_207 = tpu.vector_load_idx %arg11[%get3A_203] : memref<10000xf32, #tpu.memory_space<vmem>>[vector<16xi32>], vector<16xf32>,
      %gather3A_208 = tpu.vector_load_idx %arg12[%get3A_206] : memref<10000xf32, #tpu.memory_space<vmem>>[vector<16xi32>], vector<16xf32>,
      %add3A_209 = arith.addf %gather3A_207, %gather3A_208 : vector<16xf32>
      %mul3A_210 = arith.constant 2.000000e-01 : f32
      %mul3A_211 = vector.broadcast %mul3A_210 : f32 to vector<16xf32>
      %mul3A_212 = arith.mulf %add3A_209, %mul3A_211 : vector<16xf32>
      %max3A_213 = arith.maximumf %add3A_209, %mul3A_212 : vector<16xf32>
      %exp3A_214 = math.exp %max3A_213 : vector<16xf32>
      %mul3A_215 = arith.constant 128 : i32
      %mul3A_216 = arith.muli %scan3A_87, %mul3A_215 : i32
      %add3A_217 = arith.addi %mul3A_41, %mul3A_216 : i32
      %add3A_218 = arith.constant 64 : i32
      %add3A_219 = arith.addi %add3A_217, %add3A_218 : i32
      %add3A_220 = vector.broadcast %add3A_219 : i32 to vector<16xi32>
      %add3A_221 = arith.addi %add3A_220, %iota3A : vector<16xi32>
      %lt3A_222 = arith.constant 320000 : i32
      %lt3A_223 = vector.broadcast %lt3A_222 : i32 to vector<16xi32>
      %lt3A_224 = arith.cmpi slt, %add3A_221, %lt3A_223 : vector<16xi32>
      %jit3A_225 = arith.constant 0.000000e+00 : f32
      %broadcast_in_dim3A_226 = vector.broadcast %jit3A_225 : f32 to vector<16xf32>
      %select_n3A_227 = arith.select %lt3A_224, %exp3A_214, %broadcast_in_dim3A_226 : vector<16xi1>, vector<16xf32>
      %swap3A_228 = arith.index_cast %scan3A_87 : i32 to index
      %swap3A_229 = arith.constant 64 : index
      %swap3A_230 = tpu.vector_load %arg13[%swap3A_228, %swap3A_229] {strides = array<i32>} : memref<160x128xf32, #tpu.memory_space<vmem>>, vector<16xf32>,
      tpu.vector_store %arg13[%swap3A_228, %swap3A_229], %select_n3A_227 {strides = array<i32>} : memref<160x128xf32, #tpu.memory_space<vmem>>, vector<16xf32>,
      %get3A_231 = arith.index_cast %scan3A_87 : i32 to index
      %get3A_232 = arith.constant 80 : index
      %get3A_233 = tpu.vector_load %arg9[%get3A_231, %get3A_232] {strides = array<i32>} : memref<160x128xi32, #tpu.memory_space<vmem>>, vector<16xi32>,
      %get3A_234 = arith.index_cast %scan3A_87 : i32 to index
      %get3A_235 = arith.constant 80 : index
      %get3A_236 = tpu.vector_load %arg10[%get3A_234, %get3A_235] {strides = array<i32>} : memref<160x128xi32, #tpu.memory_space<vmem>>, vector<16xi32>,
      %gather3A_237 = tpu.vector_load_idx %arg11[%get3A_233] : memref<10000xf32, #tpu.memory_space<vmem>>[vector<16xi32>], vector<16xf32>,
      %gather3A_238 = tpu.vector_load_idx %arg12[%get3A_236] : memref<10000xf32, #tpu.memory_space<vmem>>[vector<16xi32>], vector<16xf32>,
      %add3A_239 = arith.addf %gather3A_237, %gather3A_238 : vector<16xf32>
      %mul3A_240 = arith.constant 2.000000e-01 : f32
      %mul3A_241 = vector.broadcast %mul3A_240 : f32 to vector<16xf32>
      %mul3A_242 = arith.mulf %add3A_239, %mul3A_241 : vector<16xf32>
      %max3A_243 = arith.maximumf %add3A_239, %mul3A_242 : vector<16xf32>
      %exp3A_244 = math.exp %max3A_243 : vector<16xf32>
      %mul3A_245 = arith.constant 128 : i32
      %mul3A_246 = arith.muli %scan3A_87, %mul3A_245 : i32
      %add3A_247 = arith.addi %mul3A_41, %mul3A_246 : i32
      %add3A_248 = arith.constant 80 : i32
      %add3A_249 = arith.addi %add3A_247, %add3A_248 : i32
      %add3A_250 = vector.broadcast %add3A_249 : i32 to vector<16xi32>
      %add3A_251 = arith.addi %add3A_250, %iota3A : vector<16xi32>
      %lt3A_252 = arith.constant 320000 : i32
      %lt3A_253 = vector.broadcast %lt3A_252 : i32 to vector<16xi32>
      %lt3A_254 = arith.cmpi slt, %add3A_251, %lt3A_253 : vector<16xi32>
      %jit3A_255 = arith.constant 0.000000e+00 : f32
      %broadcast_in_dim3A_256 = vector.broadcast %jit3A_255 : f32 to vector<16xf32>
      %select_n3A_257 = arith.select %lt3A_254, %exp3A_244, %broadcast_in_dim3A_256 : vector<16xi1>, vector<16xf32>
      %swap3A_258 = arith.index_cast %scan3A_87 : i32 to index
      %swap3A_259 = arith.constant 80 : index
      %swap3A_260 = tpu.vector_load %arg13[%swap3A_258, %swap3A_259] {strides = array<i32>} : memref<160x128xf32, #tpu.memory_space<vmem>>, vector<16xf32>,
      tpu.vector_store %arg13[%swap3A_258, %swap3A_259], %select_n3A_257 {strides = array<i32>} : memref<160x128xf32, #tpu.memory_space<vmem>>, vector<16xf32>,
      %get3A_261 = arith.index_cast %scan3A_87 : i32 to index
      %get3A_262 = arith.constant 96 : index
      %get3A_263 = tpu.vector_load %arg9[%get3A_261, %get3A_262] {strides = array<i32>} : memref<160x128xi32, #tpu.memory_space<vmem>>, vector<16xi32>,
      %get3A_264 = arith.index_cast %scan3A_87 : i32 to index
      %get3A_265 = arith.constant 96 : index
      %get3A_266 = tpu.vector_load %arg10[%get3A_264, %get3A_265] {strides = array<i32>} : memref<160x128xi32, #tpu.memory_space<vmem>>, vector<16xi32>,
      %gather3A_267 = tpu.vector_load_idx %arg11[%get3A_263] : memref<10000xf32, #tpu.memory_space<vmem>>[vector<16xi32>], vector<16xf32>,
      %gather3A_268 = tpu.vector_load_idx %arg12[%get3A_266] : memref<10000xf32, #tpu.memory_space<vmem>>[vector<16xi32>], vector<16xf32>,
      %add3A_269 = arith.addf %gather3A_267, %gather3A_268 : vector<16xf32>
      %mul3A_270 = arith.constant 2.000000e-01 : f32
      %mul3A_271 = vector.broadcast %mul3A_270 : f32 to vector<16xf32>
      %mul3A_272 = arith.mulf %add3A_269, %mul3A_271 : vector<16xf32>
      %max3A_273 = arith.maximumf %add3A_269, %mul3A_272 : vector<16xf32>
      %exp3A_274 = math.exp %max3A_273 : vector<16xf32>
      %mul3A_275 = arith.constant 128 : i32
      %mul3A_276 = arith.muli %scan3A_87, %mul3A_275 : i32
      %add3A_277 = arith.addi %mul3A_41, %mul3A_276 : i32
      %add3A_278 = arith.constant 96 : i32
      %add3A_279 = arith.addi %add3A_277, %add3A_278 : i32
      %add3A_280 = vector.broadcast %add3A_279 : i32 to vector<16xi32>
      %add3A_281 = arith.addi %add3A_280, %iota3A : vector<16xi32>
      %lt3A_282 = arith.constant 320000 : i32
      %lt3A_283 = vector.broadcast %lt3A_282 : i32 to vector<16xi32>
      %lt3A_284 = arith.cmpi slt, %add3A_281, %lt3A_283 : vector<16xi32>
      %jit3A_285 = arith.constant 0.000000e+00 : f32
      %broadcast_in_dim3A_286 = vector.broadcast %jit3A_285 : f32 to vector<16xf32>
      %select_n3A_287 = arith.select %lt3A_284, %exp3A_274, %broadcast_in_dim3A_286 : vector<16xi1>, vector<16xf32>
      %swap3A_288 = arith.index_cast %scan3A_87 : i32 to index
      %swap3A_289 = arith.constant 96 : index
      %swap3A_290 = tpu.vector_load %arg13[%swap3A_288, %swap3A_289] {strides = array<i32>} : memref<160x128xf32, #tpu.memory_space<vmem>>, vector<16xf32>,
      tpu.vector_store %arg13[%swap3A_288, %swap3A_289], %select_n3A_287 {strides = array<i32>} : memref<160x128xf32, #tpu.memory_space<vmem>>, vector<16xf32>,
      %get3A_291 = arith.index_cast %scan3A_87 : i32 to index
      %get3A_292 = arith.constant 112 : index
      %get3A_293 = tpu.vector_load %arg9[%get3A_291, %get3A_292] {strides = array<i32>} : memref<160x128xi32, #tpu.memory_space<vmem>>, vector<16xi32>,
      %get3A_294 = arith.index_cast %scan3A_87 : i32 to index
      %get3A_295 = arith.constant 112 : index
      %get3A_296 = tpu.vector_load %arg10[%get3A_294, %get3A_295] {strides = array<i32>} : memref<160x128xi32, #tpu.memory_space<vmem>>, vector<16xi32>,
      %gather3A_297 = tpu.vector_load_idx %arg11[%get3A_293] : memref<10000xf32, #tpu.memory_space<vmem>>[vector<16xi32>], vector<16xf32>,
      %gather3A_298 = tpu.vector_load_idx %arg12[%get3A_296] : memref<10000xf32, #tpu.memory_space<vmem>>[vector<16xi32>], vector<16xf32>,
      %add3A_299 = arith.addf %gather3A_297, %gather3A_298 : vector<16xf32>
      %mul3A_300 = arith.constant 2.000000e-01 : f32
      %mul3A_301 = vector.broadcast %mul3A_300 : f32 to vector<16xf32>
      %mul3A_302 = arith.mulf %add3A_299, %mul3A_301 : vector<16xf32>
      %max3A_303 = arith.maximumf %add3A_299, %mul3A_302 : vector<16xf32>
      %exp3A_304 = math.exp %max3A_303 : vector<16xf32>
      %mul3A_305 = arith.constant 128 : i32
      %mul3A_306 = arith.muli %scan3A_87, %mul3A_305 : i32
      %add3A_307 = arith.addi %mul3A_41, %mul3A_306 : i32
      %add3A_308 = arith.constant 112 : i32
      %add3A_309 = arith.addi %add3A_307, %add3A_308 : i32
      %add3A_310 = vector.broadcast %add3A_309 : i32 to vector<16xi32>
      %add3A_311 = arith.addi %add3A_310, %iota3A : vector<16xi32>
      %lt3A_312 = arith.constant 320000 : i32
      %lt3A_313 = vector.broadcast %lt3A_312 : i32 to vector<16xi32>
      %lt3A_314 = arith.cmpi slt, %add3A_311, %lt3A_313 : vector<16xi32>
      %jit3A_315 = arith.constant 0.000000e+00 : f32
      %broadcast_in_dim3A_316 = vector.broadcast %jit3A_315 : f32 to vector<16xf32>
      %select_n3A_317 = arith.select %lt3A_314, %exp3A_304, %broadcast_in_dim3A_316 : vector<16xi1>, vector<16xf32>
      %swap3A_318 = arith.index_cast %scan3A_87 : i32 to index
      %swap3A_319 = arith.constant 112 : index
      %swap3A_320 = tpu.vector_load %arg13[%swap3A_318, %swap3A_319] {strides = array<i32>} : memref<160x128xf32, #tpu.memory_space<vmem>>, vector<16xf32>,
      tpu.vector_store %arg13[%swap3A_318, %swap3A_319], %select_n3A_317 {strides = array<i32>} : memref<160x128xf32, #tpu.memory_space<vmem>>, vector<16xf32>,
      %dma_wait3A_321 = arith.constant 0 : i32
      %dma_wait3A_322 = arith.constant 0 : i32
      %dma_wait3A_323 = tpu.memref_slice %arg14[%rem3A_88, %dma_wait3A_321, %dma_wait3A_322] : memref<2x128x32xbf16, #tpu.memory_space<vmem>> -> memref<1x128x32xbf16, #tpu.memory_space<vmem>>
      %dma_wait3A_324 = tpu.memref_squeeze %dma_wait3A_323 : memref<1x128x32xbf16, #tpu.memory_space<vmem>> -> memref<128x32xbf16, #tpu.memory_space<vmem>>
      %dma_wait3A_325 = arith.constant 0 : i32
      %dma_wait3A_326 = tpu.memref_slice %arg9[%scan3A_87, %dma_wait3A_325] : memref<160x128xi32, #tpu.memory_space<vmem>> -> memref<1x128xi32, #tpu.memory_space<vmem>>
      %dma_wait3A_327 = tpu.memref_squeeze %dma_wait3A_326 : memref<1x128xi32, #tpu.memory_space<vmem>> -> memref<128xi32, #tpu.memory_space<vmem>>
      %dma_wait3A_328 = arith.constant 0 : i32
      %dma_wait3A_329 = arith.constant 0 : i32
      %dma_wait3A_330 = tpu.memref_slice %arg17[%dma_wait3A_328, %dma_wait3A_329] : memref<10000x32xbf16, #tpu.memory_space<vmem_shared>> -> memref<10000x32xbf16, #tpu.memory_space<vmem_shared>>
      tpu.wait_indirect_dma semaphore(%arg20 : memref<!tpu.dma_semaphore, #tpu.memory_space<semaphore_mem>>) src(%dma_wait3A_330 : memref<10000x32xbf16, #tpu.memory_space<vmem_shared>>) dst(%dma_wait3A_324 : memref<128x32xbf16, #tpu.memory_space<vmem>>)
      %ge3A = arith.constant 1 : i32
      %ge3A_331 = arith.cmpi sge, %scan3A_87, %ge3A : i32
      %convert_element_type3A = arith.extui %ge3A_331 : i1 to i32
      %cond3A = arith.constant 0 : i32
      %cond3A_332 = arith.cmpi ne, %convert_element_type3A, %cond3A : i32
      scf.if %cond3A_332 {
        %dma_wait3A_363 = arith.constant 0 : i32
        %dma_wait3A_364 = arith.constant 0 : i32
        %dma_wait3A_365 = arith.constant 0 : i32
        %dma_wait3A_366 = arith.constant 0 : i32
        %dma_wait3A_367 = tpu.memref_slice %arg15[%dma_wait3A_363, %dma_wait3A_365, %dma_wait3A_366] : memref<2x128x32xf32, #tpu.memory_space<vmem>> -> memref<1x128x32xf32, #tpu.memory_space<vmem>>
        %dma_wait3A_368 = tpu.memref_squeeze %dma_wait3A_367 : memref<1x128x32xf32, #tpu.memory_space<vmem>> -> memref<128x32xf32, #tpu.memory_space<vmem>>
        %dma_wait3A_369 = arith.constant 0 : i32
        %dma_wait3A_370 = tpu.memref_slice %arg10[%dma_wait3A_364, %dma_wait3A_369] : memref<160x128xi32, #tpu.memory_space<vmem>> -> memref<1x128xi32, #tpu.memory_space<vmem>>
        %dma_wait3A_371 = tpu.memref_squeeze %dma_wait3A_370 : memref<1x128xi32, #tpu.memory_space<vmem>> -> memref<128xi32, #tpu.memory_space<vmem>>
        %dma_wait3A_372 = arith.constant 0 : i32
        %dma_wait3A_373 = arith.constant 0 : i32
        %dma_wait3A_374 = tpu.memref_slice %arg18[%dma_wait3A_372, %dma_wait3A_373] : memref<10000x32xf32, #tpu.memory_space<vmem_shared>> -> memref<10000x32xf32, #tpu.memory_space<vmem_shared>>
        tpu.wait_indirect_dma semaphore(%arg21 : memref<!tpu.dma_semaphore, #tpu.memory_space<semaphore_mem>>) src(%dma_wait3A_368 : memref<128x32xf32, #tpu.memory_space<vmem>>) dst(%dma_wait3A_374 : memref<10000x32xf32, #tpu.memory_space<vmem_shared>>)
      } else {
      }
      %lt3A_333 = arith.constant 159 : i32
      %lt3A_334 = arith.cmpi slt, %scan3A_87, %lt3A_333 : i32
      %convert_element_type3A_335 = arith.extui %lt3A_334 : i1 to i32
      %cond3A_336 = arith.constant 0 : i32
      %cond3A_337 = arith.cmpi ne, %convert_element_type3A_335, %cond3A_336 : i32
      scf.if %cond3A_337 {
        %add3A_363 = arith.constant 1 : i32
        %add3A_364 = arith.addi %scan3A_87, %add3A_363 : i32
        %add3A_365 = arith.constant 1 : i32
        %add3A_366 = arith.addi %scan3A_87, %add3A_365 : i32
        %rem3A_367 = arith.constant 2 : i32
        %rem3A_368 = arith.remsi %add3A_366, %rem3A_367 : i32
        %dma_start3A_369 = arith.constant 0 : i32
        %dma_start3A_370 = arith.constant 0 : i32
        %dma_start3A_371 = tpu.memref_slice %arg14[%rem3A_368, %dma_start3A_369, %dma_start3A_370] : memref<2x128x32xbf16, #tpu.memory_space<vmem>> -> memref<1x128x32xbf16, #tpu.memory_space<vmem>>
        %dma_start3A_372 = tpu.memref_squeeze %dma_start3A_371 : memref<1x128x32xbf16, #tpu.memory_space<vmem>> -> memref<128x32xbf16, #tpu.memory_space<vmem>>
        %dma_start3A_373 = arith.constant 0 : i32
        %dma_start3A_374 = tpu.memref_slice %arg9[%add3A_364, %dma_start3A_373] : memref<160x128xi32, #tpu.memory_space<vmem>> -> memref<1x128xi32, #tpu.memory_space<vmem>>
        %dma_start3A_375 = tpu.memref_squeeze %dma_start3A_374 : memref<1x128xi32, #tpu.memory_space<vmem>> -> memref<128xi32, #tpu.memory_space<vmem>>
        %dma_start3A_376 = arith.constant 0 : i32
        %dma_start3A_377 = arith.constant 0 : i32
        %dma_start3A_378 = tpu.memref_slice %arg17[%dma_start3A_376, %dma_start3A_377] : memref<10000x32xbf16, #tpu.memory_space<vmem_shared>> -> memref<10000x32xbf16, #tpu.memory_space<vmem_shared>>
        tpu.enqueue_indirect_dma source(%dma_start3A_378 : memref<10000x32xbf16, #tpu.memory_space<vmem_shared>>) target(%dma_start3A_372 : memref<128x32xbf16, #tpu.memory_space<vmem>>) offsets(%dma_start3A_375 : memref<128xi32, #tpu.memory_space<vmem>>) semaphore(%arg20 : memref<!tpu.dma_semaphore, #tpu.memory_space<semaphore_mem>>)
      } else {
      }
      %scan3A_338 = arith.constant 0 : i32
      %scan3A_339 = arith.constant 0 : i32
      %scan3A_340 = arith.constant 128 : i32
      %scan3A_341 = arith.addi %scan3A_339, %scan3A_340 : i32
      %scan3A_342 = arith.constant 1 : i32
      scf.for %scan3A_363 = %scan3A_339 to %scan3A_341 step %scan3A_342  : i32 {
        %broadcast_in_dim3A_364 = vector.broadcast %scan3A_87 : i32 to vector<16xi32>
        %broadcast_in_dim3A_365 = vector.broadcast %scan3A_363 : i32 to vector<16xi32>
        %gather3A_366 = tpu.vector_load_idx %arg13[%broadcast_in_dim3A_364, %broadcast_in_dim3A_365] : memref<160x128xf32, #tpu.memory_space<vmem>>[vector<16xi32>, vector<16xi32>], vector<16xf32>,
        %get3A_367 = arith.index_cast %rem3A_88 : i32 to index
        %get3A_368 = arith.index_cast %scan3A_363 : i32 to index
        %get3A_369 = arith.constant 0 : index
        %get3A_370 = tpu.vector_load %arg14[%get3A_367, %get3A_368, %get3A_369] {strides = array<i32>} : memref<2x128x32xbf16, #tpu.memory_space<vmem>>, vector<32xbf16>,
        %bitcast3A = vector.bitcast %get3A_370 : vector<32xbf16> to vector<16xi32>
        %shift_left3A = arith.constant 16 : i32
        %shift_left3A_371 = vector.broadcast %shift_left3A : i32 to vector<16xi32>
        %shift_left3A_372 = arith.shli %bitcast3A, %shift_left3A_371 : vector<16xi32>
        %bitcast3A_373 = vector.bitcast %shift_left3A_372 : vector<16xi32> to vector<16xf32>
        %and3A = arith.andi %bitcast3A, %broadcast_in_dim3A_54 : vector<16xi32>
        %bitcast3A_374 = vector.bitcast %and3A : vector<16xi32> to vector<16xf32>
        %mul3A_375 = arith.mulf %bitcast3A_373, %gather3A_366 : vector<16xf32>
        %swap3A_376 = arith.index_cast %rem3A_88 : i32 to index
        %swap3A_377 = arith.index_cast %scan3A_363 : i32 to index
        %swap3A_378 = arith.constant 0 : index
        %swap3A_379 = tpu.vector_load %arg15[%swap3A_376, %swap3A_377, %swap3A_378] {strides = array<i32>} : memref<2x128x32xf32, #tpu.memory_space<vmem>>, vector<16xf32>,
        tpu.vector_store %arg15[%swap3A_376, %swap3A_377, %swap3A_378], %mul3A_375 {strides = array<i32>} : memref<2x128x32xf32, #tpu.memory_space<vmem>>, vector<16xf32>,
        %mul3A_380 = arith.mulf %bitcast3A_374, %gather3A_366 : vector<16xf32>
        %swap3A_381 = arith.index_cast %rem3A_88 : i32 to index
        %swap3A_382 = arith.index_cast %scan3A_363 : i32 to index
        %swap3A_383 = arith.constant 16 : index
        %swap3A_384 = tpu.vector_load %arg15[%swap3A_381, %swap3A_382, %swap3A_383] {strides = array<i32>} : memref<2x128x32xf32, #tpu.memory_space<vmem>>, vector<16xf32>,
        tpu.vector_store %arg15[%swap3A_381, %swap3A_382, %swap3A_383], %mul3A_380 {strides = array<i32>} : memref<2x128x32xf32, #tpu.memory_space<vmem>>, vector<16xf32>,
      }
      %scan3A_343 = arith.constant 128 : i32
      %dma_start3A_344 = arith.constant 0 : i32
      %dma_start3A_345 = arith.constant 0 : i32
      %dma_start3A_346 = tpu.memref_slice %arg15[%rem3A_88, %dma_start3A_344, %dma_start3A_345] : memref<2x128x32xf32, #tpu.memory_space<vmem>> -> memref<1x128x32xf32, #tpu.memory_space<vmem>>
      %dma_start3A_347 = tpu.memref_squeeze %dma_start3A_346 : memref<1x128x32xf32, #tpu.memory_space<vmem>> -> memref<128x32xf32, #tpu.memory_space<vmem>>
      %dma_start3A_348 = arith.constant 0 : i32
      %dma_start3A_349 = tpu.memref_slice %arg10[%scan3A_87, %dma_start3A_348] : memref<160x128xi32, #tpu.memory_space<vmem>> -> memref<1x128xi32, #tpu.memory_space<vmem>>
      %dma_start3A_350 = tpu.memref_squeeze %dma_start3A_349 : memref<1x128xi32, #tpu.memory_space<vmem>> -> memref<128xi32, #tpu.memory_space<vmem>>
      %dma_start3A_351 = arith.constant 0 : i32
      %dma_start3A_352 = arith.constant 0 : i32
      %dma_start3A_353 = tpu.memref_slice %arg18[%dma_start3A_351, %dma_start3A_352] : memref<10000x32xf32, #tpu.memory_space<vmem_shared>> -> memref<10000x32xf32, #tpu.memory_space<vmem_shared>>
      tpu.enqueue_indirect_dma source(%dma_start3A_347 : memref<128x32xf32, #tpu.memory_space<vmem>>) target(%dma_start3A_353 : memref<10000x32xf32, #tpu.memory_space<vmem_shared>>) offsets(%dma_start3A_350 : memref<128xi32, #tpu.memory_space<vmem>>) semaphore(%arg21 : memref<!tpu.dma_semaphore, #tpu.memory_space<semaphore_mem>>) {add = true}
      %eq3A = arith.constant 0 : i32
      %eq3A_354 = arith.cmpi eq, %arg0, %eq3A : i32
      %lt3A_355 = arith.constant 80 : i32
      %lt3A_356 = arith.cmpi slt, %scan3A_87, %lt3A_355 : i32
      %ge3A_357 = arith.constant 80 : i32
      %ge3A_358 = arith.cmpi sge, %scan3A_87, %ge3A_357 : i32
      %select_n3A_359 = arith.select %eq3A_354, %lt3A_356, %ge3A_358 : i1
      %convert_element_type3A_360 = arith.extui %select_n3A_359 : i1 to i32
      %cond3A_361 = arith.constant 0 : i32
      %cond3A_362 = arith.cmpi ne, %convert_element_type3A_360, %cond3A_361 : i32
      scf.if %cond3A_362 {
        %dma_start3A_363 = arith.constant 0 : i32
        %dma_start3A_364 = tpu.memref_slice %arg13[%scan3A_87, %dma_start3A_363] : memref<160x128xf32, #tpu.memory_space<vmem>> -> memref<1x128xf32, #tpu.memory_space<vmem>>
        %dma_start3A_365 = tpu.memref_squeeze %dma_start3A_364 : memref<1x128xf32, #tpu.memory_space<vmem>> -> memref<128xf32, #tpu.memory_space<vmem>>
        %dma_start3A_366 = arith.constant 0 : i32
        %dma_start3A_367 = tpu.memref_slice %arg10[%scan3A_87, %dma_start3A_366] : memref<160x128xi32, #tpu.memory_space<vmem>> -> memref<1x128xi32, #tpu.memory_space<vmem>>
        %dma_start3A_368 = tpu.memref_squeeze %dma_start3A_367 : memref<1x128xi32, #tpu.memory_space<vmem>> -> memref<128xi32, #tpu.memory_space<vmem>>
        %dma_start3A_369 = arith.constant 0 : i32
        %dma_start3A_370 = tpu.memref_slice %arg19[%dma_start3A_369] : memref<10240xf32, #tpu.memory_space<vmem_shared>> -> memref<10240xf32, #tpu.memory_space<vmem_shared>>
        tpu.enqueue_indirect_dma source(%dma_start3A_365 : memref<128xf32, #tpu.memory_space<vmem>>) target(%dma_start3A_370 : memref<10240xf32, #tpu.memory_space<vmem_shared>>) offsets(%dma_start3A_368 : memref<128xi32, #tpu.memory_space<vmem>>) semaphore(%arg22 : memref<!tpu.dma_semaphore, #tpu.memory_space<semaphore_mem>>) {add = true}
      } else {
      }
    }
    %scan3A_60 = arith.constant 160 : i32
    %dma_wait3A = arith.constant 0 : i32
    %dma_wait3A_61 = arith.constant 0 : i32
    %dma_wait3A_62 = arith.constant 0 : i32
    %dma_wait3A_63 = arith.constant 0 : i32
    %dma_wait3A_64 = tpu.memref_slice %arg15[%dma_wait3A, %dma_wait3A_62, %dma_wait3A_63] : memref<2x128x32xf32, #tpu.memory_space<vmem>> -> memref<1x128x32xf32, #tpu.memory_space<vmem>>
    %dma_wait3A_65 = tpu.memref_squeeze %dma_wait3A_64 : memref<1x128x32xf32, #tpu.memory_space<vmem>> -> memref<128x32xf32, #tpu.memory_space<vmem>>
    %dma_wait3A_66 = arith.constant 0 : i32
    %dma_wait3A_67 = tpu.memref_slice %arg10[%dma_wait3A_61, %dma_wait3A_66] : memref<160x128xi32, #tpu.memory_space<vmem>> -> memref<1x128xi32, #tpu.memory_space<vmem>>
    %dma_wait3A_68 = tpu.memref_squeeze %dma_wait3A_67 : memref<1x128xi32, #tpu.memory_space<vmem>> -> memref<128xi32, #tpu.memory_space<vmem>>
    %dma_wait3A_69 = arith.constant 0 : i32
    %dma_wait3A_70 = arith.constant 0 : i32
    %dma_wait3A_71 = tpu.memref_slice %arg18[%dma_wait3A_69, %dma_wait3A_70] : memref<10000x32xf32, #tpu.memory_space<vmem_shared>> -> memref<10000x32xf32, #tpu.memory_space<vmem_shared>>
    tpu.wait_indirect_dma semaphore(%arg21 : memref<!tpu.dma_semaphore, #tpu.memory_space<semaphore_mem>>) src(%dma_wait3A_65 : memref<128x32xf32, #tpu.memory_space<vmem>>) dst(%dma_wait3A_71 : memref<10000x32xf32, #tpu.memory_space<vmem_shared>>)
    %scan3A_72 = arith.constant 0 : i32
    %scan3A_73 = arith.constant 0 : i32
    %scan3A_74 = arith.constant 80 : i32
    %scan3A_75 = arith.addi %scan3A_73, %scan3A_74 : i32
    %scan3A_76 = arith.constant 1 : i32
    scf.for %scan3A_87 = %scan3A_73 to %scan3A_75 step %scan3A_76  : i32 {
      %dma_wait3A_88 = arith.constant 0 : i32
      %dma_wait3A_89 = arith.constant 0 : i32
      %dma_wait3A_90 = arith.constant 0 : i32
      %dma_wait3A_91 = tpu.memref_slice %arg13[%dma_wait3A_88, %dma_wait3A_90] : memref<160x128xf32, #tpu.memory_space<vmem>> -> memref<1x128xf32, #tpu.memory_space<vmem>>
      %dma_wait3A_92 = tpu.memref_squeeze %dma_wait3A_91 : memref<1x128xf32, #tpu.memory_space<vmem>> -> memref<128xf32, #tpu.memory_space<vmem>>
      %dma_wait3A_93 = arith.constant 0 : i32
      %dma_wait3A_94 = tpu.memref_slice %arg10[%dma_wait3A_89, %dma_wait3A_93] : memref<160x128xi32, #tpu.memory_space<vmem>> -> memref<1x128xi32, #tpu.memory_space<vmem>>
      %dma_wait3A_95 = tpu.memref_squeeze %dma_wait3A_94 : memref<1x128xi32, #tpu.memory_space<vmem>> -> memref<128xi32, #tpu.memory_space<vmem>>
      %dma_wait3A_96 = arith.constant 0 : i32
      %dma_wait3A_97 = tpu.memref_slice %arg19[%dma_wait3A_96] : memref<10240xf32, #tpu.memory_space<vmem_shared>> -> memref<10240xf32, #tpu.memory_space<vmem_shared>>
      tpu.wait_indirect_dma semaphore(%arg22 : memref<!tpu.dma_semaphore, #tpu.memory_space<semaphore_mem>>) src(%dma_wait3A_92 : memref<128xf32, #tpu.memory_space<vmem>>) dst(%dma_wait3A_97 : memref<10240xf32, #tpu.memory_space<vmem_shared>>)
    }
    %scan3A_77 = arith.constant 80 : i32
    %barrier3A_78 = arith.constant 0 : index
    tpu.barrier barrier_id(%barrier3A_78)
    %mul3A_79 = arith.constant 625 : i32
    %mul3A_80 = arith.muli %arg1, %mul3A_79 : i32
    %mul3A_81 = arith.constant 625 : i32
    %mul3A_82 = arith.muli %arg1, %mul3A_81 : i32
    "tpu.region"() ({
      %run_scoped3A_87 = tpu.sem_alloc : memref<!tpu.dma_semaphore, #tpu.memory_space<semaphore_mem>>
      %dma_start3A_88 = arith.constant 0 : i32
      %dma_start3A_89 = tpu.memref_slice %arg7[%arg0, %mul3A_82, %dma_start3A_88] : memref<2x10000x32xf32, #tpu.memory_space<hbm>> -> memref<1x625x32xf32, #tpu.memory_space<hbm>>
      %dma_start3A_90 = tpu.memref_squeeze %dma_start3A_89 : memref<1x625x32xf32, #tpu.memory_space<hbm>> -> memref<625x32xf32, #tpu.memory_space<hbm>>
      %dma_start3A_91 = arith.constant 0 : i32
      %dma_start3A_92 = tpu.memref_slice %arg18[%mul3A_80, %dma_start3A_91] : memref<10000x32xf32, #tpu.memory_space<vmem_shared>> -> memref<625x32xf32, #tpu.memory_space<vmem_shared>>
      tpu.enqueue_dma source(%dma_start3A_92 : memref<625x32xf32, #tpu.memory_space<vmem_shared>>) target(%dma_start3A_90 : memref<625x32xf32, #tpu.memory_space<hbm>>) target_semaphore(%run_scoped3A_87 : memref<!tpu.dma_semaphore, #tpu.memory_space<semaphore_mem>>)
      %dma_wait3A_93 = arith.constant 0 : i32
      %dma_wait3A_94 = tpu.memref_slice %arg7[%arg0, %mul3A_82, %dma_wait3A_93] : memref<2x10000x32xf32, #tpu.memory_space<hbm>> -> memref<1x625x32xf32, #tpu.memory_space<hbm>>
      %dma_wait3A_95 = tpu.memref_squeeze %dma_wait3A_94 : memref<1x625x32xf32, #tpu.memory_space<hbm>> -> memref<625x32xf32, #tpu.memory_space<hbm>>
      %dma_wait3A_96 = arith.constant 0 : i32
      %dma_wait3A_97 = tpu.memref_slice %arg18[%mul3A_80, %dma_wait3A_96] : memref<10000x32xf32, #tpu.memory_space<vmem_shared>> -> memref<625x32xf32, #tpu.memory_space<vmem_shared>>
      tpu.wait_dma2 semaphore(%run_scoped3A_87 : memref<!tpu.dma_semaphore, #tpu.memory_space<semaphore_mem>>) src(%dma_wait3A_97 : memref<625x32xf32, #tpu.memory_space<vmem_shared>>) dst(%dma_wait3A_95 : memref<625x32xf32, #tpu.memory_space<hbm>>)
      tpu.yield
    }) : () -> ()
    %mul3A_83 = arith.constant 640 : i32
    %mul3A_84 = arith.muli %arg1, %mul3A_83 : i32
    %mul3A_85 = arith.constant 640 : i32
    %mul3A_86 = arith.muli %arg1, %mul3A_85 : i32
    "tpu.region"() ({
      %run_scoped3A_87 = tpu.sem_alloc : memref<!tpu.dma_semaphore, #tpu.memory_space<semaphore_mem>>
      %dma_start3A_88 = tpu.memref_slice %arg8[%arg0, %mul3A_86] : memref<2x10240xf32, #tpu.memory_space<hbm>> -> memref<1x640xf32, #tpu.memory_space<hbm>>
      %dma_start3A_89 = tpu.memref_squeeze %dma_start3A_88 : memref<1x640xf32, #tpu.memory_space<hbm>> -> memref<640xf32, #tpu.memory_space<hbm>>
      %dma_start3A_90 = tpu.memref_slice %arg19[%mul3A_84] : memref<10240xf32, #tpu.memory_space<vmem_shared>> -> memref<640xf32, #tpu.memory_space<vmem_shared>>
      tpu.enqueue_dma source(%dma_start3A_90 : memref<640xf32, #tpu.memory_space<vmem_shared>>) target(%dma_start3A_89 : memref<640xf32, #tpu.memory_space<hbm>>) target_semaphore(%run_scoped3A_87 : memref<!tpu.dma_semaphore, #tpu.memory_space<semaphore_mem>>)
      %dma_wait3A_91 = tpu.memref_slice %arg8[%arg0, %mul3A_86] : memref<2x10240xf32, #tpu.memory_space<hbm>> -> memref<1x640xf32, #tpu.memory_space<hbm>>
      %dma_wait3A_92 = tpu.memref_squeeze %dma_wait3A_91 : memref<1x640xf32, #tpu.memory_space<hbm>> -> memref<640xf32, #tpu.memory_space<hbm>>
      %dma_wait3A_93 = tpu.memref_slice %arg19[%mul3A_84] : memref<10240xf32, #tpu.memory_space<vmem_shared>> -> memref<640xf32, #tpu.memory_space<vmem_shared>>
      tpu.wait_dma2 semaphore(%run_scoped3A_87 : memref<!tpu.dma_semaphore, #tpu.memory_space<semaphore_mem>>) src(%dma_wait3A_93 : memref<640xf32, #tpu.memory_space<vmem_shared>>) dst(%dma_wait3A_92 : memref<640xf32, #tpu.memory_space<hbm>>)
      tpu.yield
    }) : () -> ()
    return
  }
}

module attributes {stable_mosaic.version = 14 : i64} {
  func.func @body(%arg0: memref<10000x128xf32, #tpu.memory_space<vmem>>, %arg1: memref<128x64xf32, #tpu.memory_space<vmem>>, %arg2: memref<64x1xf32, #tpu.memory_space<vmem>>, %arg3: memref<64x1xf32, #tpu.memory_space<vmem>>, %arg4: memref<2x10000x32xf32, #tpu.memory_space<vmem>>, %arg5: memref<10000x1xf32, #tpu.memory_space<vmem>>, %arg6: memref<10000x1xf32, #tpu.memory_space<vmem>>) attributes {dimension_semantics = [], scalar_prefetch = 0 : i64, scratch_operands = 0 : i64, tpu.core_type = #tpu.core_type<tc>} {
    %get3A = arith.constant 0 : index
    %get3A_0 = arith.constant 0 : index
    %get3A_1 = vector.load %arg0[%get3A, %get3A_0] : memref<10000x128xf32, #tpu.memory_space<vmem>>, vector<10000x128xf32>
    %get3A_2 = arith.constant 0 : index
    %get3A_3 = arith.constant 0 : index
    %get3A_4 = vector.load %arg1[%get3A_2, %get3A_3] : memref<128x64xf32, #tpu.memory_space<vmem>>, vector<128x64xf32>
    %dot_general3A = arith.constant dense<0.000000e+00> : vector<10000x64xf32>
    %dot_general3A_5 = tpu.matmul %get3A_1, %get3A_4, %dot_general3A {dimension_numbers = #tpu.dot_dimension_numbers<[1], [0], [0], [1], [0, 0, 1, 1], [], []>, transpose_lhs_hint = false} : vector<10000x128xf32>, vector<128x64xf32>, vector<10000x64xf32> -> vector<10000x64xf32>
    %slice3A = vector.extract_strided_slice %dot_general3A_5 {offsets = [0, 0], sizes = [10000, 32], strides = [1, 1]} : vector<10000x64xf32> to vector<10000x32xf32>
    %swap3A = arith.constant 0 : index
    %swap3A_6 = arith.constant 0 : index
    %swap3A_7 = arith.constant 0 : index
    %swap3A_8 = vector.load %arg4[%swap3A, %swap3A_6, %swap3A_7] : memref<2x10000x32xf32, #tpu.memory_space<vmem>>, vector<1x10000x32xf32>
    %swap3A_9 = vector.shape_cast %swap3A_8 : vector<1x10000x32xf32> to vector<10000x32xf32>
    %swap3A_10 = vector.shape_cast %slice3A : vector<10000x32xf32> to vector<1x10000x32xf32>
    tpu.vector_store %arg4[%swap3A, %swap3A_6, %swap3A_7], %swap3A_10 {strides = array<i32>} : memref<2x10000x32xf32, #tpu.memory_space<vmem>>, vector<1x10000x32xf32>,
    %slice3A_11 = vector.extract_strided_slice %dot_general3A_5 {offsets = [0, 32], sizes = [10000, 32], strides = [1, 1]} : vector<10000x64xf32> to vector<10000x32xf32>
    %swap3A_12 = arith.constant 1 : index
    %swap3A_13 = arith.constant 0 : index
    %swap3A_14 = arith.constant 0 : index
    %swap3A_15 = vector.load %arg4[%swap3A_12, %swap3A_13, %swap3A_14] : memref<2x10000x32xf32, #tpu.memory_space<vmem>>, vector<1x10000x32xf32>
    %swap3A_16 = vector.shape_cast %swap3A_15 : vector<1x10000x32xf32> to vector<10000x32xf32>
    %swap3A_17 = vector.shape_cast %slice3A_11 : vector<10000x32xf32> to vector<1x10000x32xf32>
    tpu.vector_store %arg4[%swap3A_12, %swap3A_13, %swap3A_14], %swap3A_17 {strides = array<i32>} : memref<2x10000x32xf32, #tpu.memory_space<vmem>>, vector<1x10000x32xf32>,
    %get3A_18 = arith.constant 0 : index
    %get3A_19 = arith.constant 0 : index
    %get3A_20 = vector.load %arg2[%get3A_18, %get3A_19] : memref<64x1xf32, #tpu.memory_space<vmem>>, vector<64x1xf32>
    %dot_general3A_21 = arith.constant dense<0.000000e+00> : vector<10000x1xf32>
    %dot_general3A_22 = tpu.matmul %dot_general3A_5, %get3A_20, %dot_general3A_21 {dimension_numbers = #tpu.dot_dimension_numbers<[1], [0], [0], [1], [0, 0, 1, 1], [], []>, transpose_lhs_hint = false} : vector<10000x64xf32>, vector<64x1xf32>, vector<10000x1xf32> -> vector<10000x1xf32>
    %swap3A_23 = arith.constant 0 : index
    %swap3A_24 = arith.constant 0 : index
    %swap3A_25 = vector.load %arg5[%swap3A_23, %swap3A_24] : memref<10000x1xf32, #tpu.memory_space<vmem>>, vector<10000x1xf32>
    tpu.vector_store %arg5[%swap3A_23, %swap3A_24], %dot_general3A_22 {strides = array<i32>} : memref<10000x1xf32, #tpu.memory_space<vmem>>, vector<10000x1xf32>,
    %get3A_26 = arith.constant 0 : index
    %get3A_27 = arith.constant 0 : index
    %get3A_28 = vector.load %arg3[%get3A_26, %get3A_27] : memref<64x1xf32, #tpu.memory_space<vmem>>, vector<64x1xf32>
    %dot_general3A_29 = arith.constant dense<0.000000e+00> : vector<10000x1xf32>
    %dot_general3A_30 = tpu.matmul %dot_general3A_5, %get3A_28, %dot_general3A_29 {dimension_numbers = #tpu.dot_dimension_numbers<[1], [0], [0], [1], [0, 0, 1, 1], [], []>, transpose_lhs_hint = false} : vector<10000x64xf32>, vector<64x1xf32>, vector<10000x1xf32> -> vector<10000x1xf32>
    %swap3A_31 = arith.constant 0 : index
    %swap3A_32 = arith.constant 0 : index
    %swap3A_33 = vector.load %arg6[%swap3A_31, %swap3A_32] : memref<10000x1xf32, #tpu.memory_space<vmem>>, vector<10000x1xf32>
    tpu.vector_store %arg6[%swap3A_31, %swap3A_32], %dot_general3A_30 {strides = array<i32>} : memref<10000x1xf32, #tpu.memory_space<vmem>>, vector<10000x1xf32>,
    return
  }
}

module attributes {stable_mosaic.version = 14 : i64} {
  func.func @body(%arg0: i32, %arg1: memref<2x2000x32xf32, #tpu.memory_space<vmem>>, %arg2: memref<2x2000x1xf32, #tpu.memory_space<vmem>>, %arg3: memref<2000x1xf32, #tpu.memory_space<vmem>>, %arg4: memref<2000x1xf32, #tpu.memory_space<vmem>>, %arg5: memref<2x2000x32xf32, #tpu.memory_space<vmem>>, %arg6: memref<1x64xf32, #tpu.memory_space<vmem>>, %arg7: memref<64x64xf32, #tpu.memory_space<vmem>>, %arg8: memref<64x1xf32, #tpu.memory_space<vmem>>, %arg9: memref<64x1xf32, #tpu.memory_space<vmem>>, %arg10: memref<2x2000x32xf32, #tpu.memory_space<vmem>>, %arg11: memref<2000x1xf32, #tpu.memory_space<vmem>>, %arg12: memref<2000x1xf32, #tpu.memory_space<vmem>>) attributes {dimension_semantics = [#tpu.dimension_semantics<arbitrary>], iteration_bounds = array<i64: 5>, scalar_prefetch = 0 : i64, scratch_operands = 0 : i64, tpu.core_type = #tpu.core_type<tc>, window_params = [{transform_indices = @transform_0, window_bounds = array<i64: 2, 2000, 32>}, {transform_indices = @transform_1, window_bounds = array<i64: 2, 2000, 1>}, {transform_indices = @transform_2, window_bounds = array<i64: 2000, 1>}, {transform_indices = @transform_3, window_bounds = array<i64: 2000, 1>}, {transform_indices = @transform_4, window_bounds = array<i64: 2, 2000, 32>}, {pipeline_mode = #tpu.pipeline_mode<synchronous>, transform_indices = @transform_5, window_bounds = array<i64: 1, 64>}, {pipeline_mode = #tpu.pipeline_mode<synchronous>, transform_indices = @transform_6, window_bounds = array<i64: 64, 64>}, {pipeline_mode = #tpu.pipeline_mode<synchronous>, transform_indices = @transform_7, window_bounds = array<i64: 64, 1>}, {pipeline_mode = #tpu.pipeline_mode<synchronous>, transform_indices = @transform_8, window_bounds = array<i64: 64, 1>}, {transform_indices = @transform_9, window_bounds = array<i64: 2, 2000, 32>}, {transform_indices = @transform_10, window_bounds = array<i64: 2000, 1>}, {transform_indices = @transform_11, window_bounds = array<i64: 2000, 1>}]} {
    %get3A = arith.constant 0 : index
    %get3A_0 = arith.constant 0 : index
    %get3A_1 = vector.load %arg3[%get3A, %get3A_0] : memref<2000x1xf32, #tpu.memory_space<vmem>>, vector<2000x1xf32>
    %get3A_2 = arith.constant 0 : index
    %get3A_3 = arith.constant 0 : index
    %get3A_4 = vector.load %arg4[%get3A_2, %get3A_3] : memref<2000x1xf32, #tpu.memory_space<vmem>>, vector<2000x1xf32>
    %add3A = arith.addf %get3A_1, %get3A_4 : vector<2000x1xf32>
    %mul3A = arith.constant 2.000000e-01 : f32
    %mul3A_5 = vector.broadcast %mul3A : f32 to vector<2000x1xf32>
    %mul3A_6 = arith.mulf %add3A, %mul3A_5 : vector<2000x1xf32>
    %max3A = arith.maximumf %add3A, %mul3A_6 : vector<2000x1xf32>
    %exp3A = math.exp %max3A : vector<2000x1xf32>
    %get3A_7 = arith.constant 0 : index
    %get3A_8 = arith.constant 0 : index
    %get3A_9 = arith.constant 0 : index
    %get3A_10 = vector.load %arg2[%get3A_7, %get3A_8, %get3A_9] : memref<2x2000x1xf32, #tpu.memory_space<vmem>>, vector<1x2000x1xf32>
    %get3A_11 = vector.shape_cast %get3A_10 : vector<1x2000x1xf32> to vector<2000x1xf32>
    %get3A_12 = arith.constant 1 : index
    %get3A_13 = arith.constant 0 : index
    %get3A_14 = arith.constant 0 : index
    %get3A_15 = vector.load %arg2[%get3A_12, %get3A_13, %get3A_14] : memref<2x2000x1xf32, #tpu.memory_space<vmem>>, vector<1x2000x1xf32>
    %get3A_16 = vector.shape_cast %get3A_15 : vector<1x2000x1xf32> to vector<2000x1xf32>
    %add3A_17 = arith.addf %get3A_11, %get3A_16 : vector<2000x1xf32>
    %add3A_18 = arith.addf %add3A_17, %exp3A : vector<2000x1xf32>
    %add3A_19 = arith.constant 1.000000e-16 : f32
    %add3A_20 = vector.broadcast %add3A_19 : f32 to vector<2000x1xf32>
    %add3A_21 = arith.addf %add3A_18, %add3A_20 : vector<2000x1xf32>
    %get3A_22 = arith.constant 0 : index
    %get3A_23 = arith.constant 0 : index
    %get3A_24 = arith.constant 0 : index
    %get3A_25 = vector.load %arg1[%get3A_22, %get3A_23, %get3A_24] : memref<2x2000x32xf32, #tpu.memory_space<vmem>>, vector<1x2000x32xf32>
    %get3A_26 = vector.shape_cast %get3A_25 : vector<1x2000x32xf32> to vector<2000x32xf32>
    %get3A_27 = arith.constant 0 : index
    %get3A_28 = arith.constant 0 : index
    %get3A_29 = arith.constant 0 : index
    %get3A_30 = vector.load %arg5[%get3A_27, %get3A_28, %get3A_29] : memref<2x2000x32xf32, #tpu.memory_space<vmem>>, vector<1x2000x32xf32>
    %get3A_31 = vector.shape_cast %get3A_30 : vector<1x2000x32xf32> to vector<2000x32xf32>
    %mul3A_32 = vector.broadcast %exp3A : vector<2000x1xf32> to vector<2000x32xf32>
    %mul3A_33 = arith.mulf %mul3A_32, %get3A_31 : vector<2000x32xf32>
    %add3A_34 = arith.addf %get3A_26, %mul3A_33 : vector<2000x32xf32>
    %div3A = vector.broadcast %add3A_21 : vector<2000x1xf32> to vector<2000x32xf32>
    %div3A_35 = arith.divf %add3A_34, %div3A : vector<2000x32xf32>
    %get3A_36 = arith.constant 0 : index
    %get3A_37 = arith.constant 0 : index
    %get3A_38 = vector.load %arg6[%get3A_36, %get3A_37] : memref<1x64xf32, #tpu.memory_space<vmem>>, vector<1x32xf32>
    %add3A_39 = vector.broadcast %get3A_38 : vector<1x32xf32> to vector<2000x32xf32>
    %add3A_40 = arith.addf %div3A_35, %add3A_39 : vector<2000x32xf32>
    %max3A_41 = arith.constant 0.000000e+00 : f32
    %max3A_42 = vector.broadcast %max3A_41 : f32 to vector<2000x32xf32>
    %max3A_43 = arith.maximumf %add3A_40, %max3A_42 : vector<2000x32xf32>
    %get3A_44 = arith.constant 1 : index
    %get3A_45 = arith.constant 0 : index
    %get3A_46 = arith.constant 0 : index
    %get3A_47 = vector.load %arg1[%get3A_44, %get3A_45, %get3A_46] : memref<2x2000x32xf32, #tpu.memory_space<vmem>>, vector<1x2000x32xf32>
    %get3A_48 = vector.shape_cast %get3A_47 : vector<1x2000x32xf32> to vector<2000x32xf32>
    %get3A_49 = arith.constant 1 : index
    %get3A_50 = arith.constant 0 : index
    %get3A_51 = arith.constant 0 : index
    %get3A_52 = vector.load %arg5[%get3A_49, %get3A_50, %get3A_51] : memref<2x2000x32xf32, #tpu.memory_space<vmem>>, vector<1x2000x32xf32>
    %get3A_53 = vector.shape_cast %get3A_52 : vector<1x2000x32xf32> to vector<2000x32xf32>
    %mul3A_54 = vector.broadcast %exp3A : vector<2000x1xf32> to vector<2000x32xf32>
    %mul3A_55 = arith.mulf %mul3A_54, %get3A_53 : vector<2000x32xf32>
    %add3A_56 = arith.addf %get3A_48, %mul3A_55 : vector<2000x32xf32>
    %div3A_57 = vector.broadcast %add3A_21 : vector<2000x1xf32> to vector<2000x32xf32>
    %div3A_58 = arith.divf %add3A_56, %div3A_57 : vector<2000x32xf32>
    %get3A_59 = arith.constant 0 : index
    %get3A_60 = arith.constant 32 : index
    %get3A_61 = vector.load %arg6[%get3A_59, %get3A_60] : memref<1x64xf32, #tpu.memory_space<vmem>>, vector<1x32xf32>
    %add3A_62 = vector.broadcast %get3A_61 : vector<1x32xf32> to vector<2000x32xf32>
    %add3A_63 = arith.addf %div3A_58, %add3A_62 : vector<2000x32xf32>
    %max3A_64 = arith.constant 0.000000e+00 : f32
    %max3A_65 = vector.broadcast %max3A_64 : f32 to vector<2000x32xf32>
    %max3A_66 = arith.maximumf %add3A_63, %max3A_65 : vector<2000x32xf32>
    %get3A_67 = arith.constant 0 : index
    %get3A_68 = arith.constant 0 : index
    %get3A_69 = vector.load %arg7[%get3A_67, %get3A_68] : memref<64x64xf32, #tpu.memory_space<vmem>>, vector<32x64xf32>
    %dot_general3A = arith.constant dense<0.000000e+00> : vector<2000x64xf32>
    %dot_general3A_70 = tpu.matmul %max3A_43, %get3A_69, %dot_general3A {dimension_numbers = #tpu.dot_dimension_numbers<[1], [0], [0], [1], [0, 0, 1, 1], [], []>, transpose_lhs_hint = false} : vector<2000x32xf32>, vector<32x64xf32>, vector<2000x64xf32> -> vector<2000x64xf32>
    %get3A_71 = arith.constant 32 : index
    %get3A_72 = arith.constant 0 : index
    %get3A_73 = vector.load %arg7[%get3A_71, %get3A_72] : memref<64x64xf32, #tpu.memory_space<vmem>>, vector<32x64xf32>
    %dot_general3A_74 = arith.constant dense<0.000000e+00> : vector<2000x64xf32>
    %dot_general3A_75 = tpu.matmul %max3A_66, %get3A_73, %dot_general3A_74 {dimension_numbers = #tpu.dot_dimension_numbers<[1], [0], [0], [1], [0, 0, 1, 1], [], []>, transpose_lhs_hint = false} : vector<2000x32xf32>, vector<32x64xf32>, vector<2000x64xf32> -> vector<2000x64xf32>
    %add3A_76 = arith.addf %dot_general3A_70, %dot_general3A_75 : vector<2000x64xf32>
    %slice3A = vector.extract_strided_slice %add3A_76 {offsets = [0, 0], sizes = [2000, 32], strides = [1, 1]} : vector<2000x64xf32> to vector<2000x32xf32>
    %swap3A = arith.constant 0 : index
    %swap3A_77 = arith.constant 0 : index
    %swap3A_78 = arith.constant 0 : index
    %swap3A_79 = vector.load %arg10[%swap3A, %swap3A_77, %swap3A_78] : memref<2x2000x32xf32, #tpu.memory_space<vmem>>, vector<1x2000x32xf32>
    %swap3A_80 = vector.shape_cast %swap3A_79 : vector<1x2000x32xf32> to vector<2000x32xf32>
    %swap3A_81 = vector.shape_cast %slice3A : vector<2000x32xf32> to vector<1x2000x32xf32>
    tpu.vector_store %arg10[%swap3A, %swap3A_77, %swap3A_78], %swap3A_81 {strides = array<i32>} : memref<2x2000x32xf32, #tpu.memory_space<vmem>>, vector<1x2000x32xf32>,
    %slice3A_82 = vector.extract_strided_slice %add3A_76 {offsets = [0, 32], sizes = [2000, 32], strides = [1, 1]} : vector<2000x64xf32> to vector<2000x32xf32>
    %swap3A_83 = arith.constant 1 : index
    %swap3A_84 = arith.constant 0 : index
    %swap3A_85 = arith.constant 0 : index
    %swap3A_86 = vector.load %arg10[%swap3A_83, %swap3A_84, %swap3A_85] : memref<2x2000x32xf32, #tpu.memory_space<vmem>>, vector<1x2000x32xf32>
    %swap3A_87 = vector.shape_cast %swap3A_86 : vector<1x2000x32xf32> to vector<2000x32xf32>
    %swap3A_88 = vector.shape_cast %slice3A_82 : vector<2000x32xf32> to vector<1x2000x32xf32>
    tpu.vector_store %arg10[%swap3A_83, %swap3A_84, %swap3A_85], %swap3A_88 {strides = array<i32>} : memref<2x2000x32xf32, #tpu.memory_space<vmem>>, vector<1x2000x32xf32>,
    %get3A_89 = arith.constant 0 : index
    %get3A_90 = arith.constant 0 : index
    %get3A_91 = vector.load %arg8[%get3A_89, %get3A_90] : memref<64x1xf32, #tpu.memory_space<vmem>>, vector<64x1xf32>
    %dot_general3A_92 = arith.constant dense<0.000000e+00> : vector<2000x1xf32>
    %dot_general3A_93 = tpu.matmul %add3A_76, %get3A_91, %dot_general3A_92 {dimension_numbers = #tpu.dot_dimension_numbers<[1], [0], [0], [1], [0, 0, 1, 1], [], []>, transpose_lhs_hint = false} : vector<2000x64xf32>, vector<64x1xf32>, vector<2000x1xf32> -> vector<2000x1xf32>
    %swap3A_94 = arith.constant 0 : index
    %swap3A_95 = arith.constant 0 : index
    %swap3A_96 = vector.load %arg11[%swap3A_94, %swap3A_95] : memref<2000x1xf32, #tpu.memory_space<vmem>>, vector<2000x1xf32>
    tpu.vector_store %arg11[%swap3A_94, %swap3A_95], %dot_general3A_93 {strides = array<i32>} : memref<2000x1xf32, #tpu.memory_space<vmem>>, vector<2000x1xf32>,
    %get3A_97 = arith.constant 0 : index
    %get3A_98 = arith.constant 0 : index
    %get3A_99 = vector.load %arg9[%get3A_97, %get3A_98] : memref<64x1xf32, #tpu.memory_space<vmem>>, vector<64x1xf32>
    %dot_general3A_100 = arith.constant dense<0.000000e+00> : vector<2000x1xf32>
    %dot_general3A_101 = tpu.matmul %add3A_76, %get3A_99, %dot_general3A_100 {dimension_numbers = #tpu.dot_dimension_numbers<[1], [0], [0], [1], [0, 0, 1, 1], [], []>, transpose_lhs_hint = false} : vector<2000x64xf32>, vector<64x1xf32>, vector<2000x1xf32> -> vector<2000x1xf32>
    %swap3A_102 = arith.constant 0 : index
    %swap3A_103 = arith.constant 0 : index
    %swap3A_104 = vector.load %arg12[%swap3A_102, %swap3A_103] : memref<2000x1xf32, #tpu.memory_space<vmem>>, vector<2000x1xf32>
    tpu.vector_store %arg12[%swap3A_102, %swap3A_103], %dot_general3A_101 {strides = array<i32>} : memref<2000x1xf32, #tpu.memory_space<vmem>>, vector<2000x1xf32>,
    return
  }
  func.func @transform_0(%arg0: i32) -> (i32, i32, i32) {
    %c0_i32 = arith.constant 0 : i32
    %c0_i32_0 = arith.constant 0 : i32
    %c0_i32_1 = arith.constant 0 : i32
    return %c0_i32, %arg0, %c0_i32_0 : i32, i32, i32
  }
  func.func @transform_1(%arg0: i32) -> (i32, i32, i32) {
    %c0_i32 = arith.constant 0 : i32
    %c0_i32_0 = arith.constant 0 : i32
    %c0_i32_1 = arith.constant 0 : i32
    return %c0_i32, %arg0, %c0_i32_0 : i32, i32, i32
  }
  func.func @transform_2(%arg0: i32) -> (i32, i32) {
    %c0_i32 = arith.constant 0 : i32
    %c0_i32_0 = arith.constant 0 : i32
    return %arg0, %c0_i32 : i32, i32
  }
  func.func @transform_3(%arg0: i32) -> (i32, i32) {
    %c0_i32 = arith.constant 0 : i32
    %c0_i32_0 = arith.constant 0 : i32
    return %arg0, %c0_i32 : i32, i32
  }
  func.func @transform_4(%arg0: i32) -> (i32, i32, i32) {
    %c0_i32 = arith.constant 0 : i32
    %c0_i32_0 = arith.constant 0 : i32
    %c0_i32_1 = arith.constant 0 : i32
    return %c0_i32, %arg0, %c0_i32_0 : i32, i32, i32
  }
  func.func @transform_5(%arg0: i32) -> (i32, i32) {
    %c0_i32 = arith.constant 0 : i32
    %c0_i32_0 = arith.constant 0 : i32
    %c0_i32_1 = arith.constant 0 : i32
    return %c0_i32, %c0_i32_0 : i32, i32
  }
  func.func @transform_6(%arg0: i32) -> (i32, i32) {
    %c0_i32 = arith.constant 0 : i32
    %c0_i32_0 = arith.constant 0 : i32
    %c0_i32_1 = arith.constant 0 : i32
    return %c0_i32, %c0_i32_0 : i32, i32
  }
  func.func @transform_7(%arg0: i32) -> (i32, i32) {
    %c0_i32 = arith.constant 0 : i32
    %c0_i32_0 = arith.constant 0 : i32
    %c0_i32_1 = arith.constant 0 : i32
    return %c0_i32, %c0_i32_0 : i32, i32
  }
  func.func @transform_8(%arg0: i32) -> (i32, i32) {
    %c0_i32 = arith.constant 0 : i32
    %c0_i32_0 = arith.constant 0 : i32
    %c0_i32_1 = arith.constant 0 : i32
    return %c0_i32, %c0_i32_0 : i32, i32
  }
  func.func @transform_9(%arg0: i32) -> (i32, i32, i32) {
    %c0_i32 = arith.constant 0 : i32
    %c0_i32_0 = arith.constant 0 : i32
    %c0_i32_1 = arith.constant 0 : i32
    return %c0_i32, %arg0, %c0_i32_0 : i32, i32, i32
  }
  func.func @transform_10(%arg0: i32) -> (i32, i32) {
    %c0_i32 = arith.constant 0 : i32
    %c0_i32_0 = arith.constant 0 : i32
    return %arg0, %c0_i32 : i32, i32
  }
  func.func @transform_11(%arg0: i32) -> (i32, i32) {
    %c0_i32 = arith.constant 0 : i32
    %c0_i32_0 = arith.constant 0 : i32
    return %arg0, %c0_i32 : i32, i32
  }
}

module attributes {stable_mosaic.version = 14 : i64} {
  func.func @body(%arg0: i32, %arg1: memref<2x2000x32xf32, #tpu.memory_space<vmem>>, %arg2: memref<2x2000x1xf32, #tpu.memory_space<vmem>>, %arg3: memref<2000x1xf32, #tpu.memory_space<vmem>>, %arg4: memref<2000x1xf32, #tpu.memory_space<vmem>>, %arg5: memref<2x2000x32xf32, #tpu.memory_space<vmem>>, %arg6: memref<1x64xf32, #tpu.memory_space<vmem>>, %arg7: memref<64x1xf32, #tpu.memory_space<vmem>>, %arg8: memref<1x1xf32, #tpu.memory_space<vmem>>, %arg9: memref<2000x2xf32, #tpu.memory_space<vmem>>, %arg10: memref<1x2xf32, #tpu.memory_space<vmem>>, %arg11: memref<1x2xf32, #tpu.memory_space<vmem>>) attributes {dimension_semantics = [#tpu.dimension_semantics<arbitrary>], iteration_bounds = array<i64: 5>, scalar_prefetch = 0 : i64, scratch_operands = 0 : i64, tpu.core_type = #tpu.core_type<tc>, window_params = [{transform_indices = @transform_0, window_bounds = array<i64: 2, 2000, 32>}, {transform_indices = @transform_1, window_bounds = array<i64: 2, 2000, 1>}, {transform_indices = @transform_2, window_bounds = array<i64: 2000, 1>}, {transform_indices = @transform_3, window_bounds = array<i64: 2000, 1>}, {transform_indices = @transform_4, window_bounds = array<i64: 2, 2000, 32>}, {pipeline_mode = #tpu.pipeline_mode<synchronous>, transform_indices = @transform_5, window_bounds = array<i64: 1, 64>}, {pipeline_mode = #tpu.pipeline_mode<synchronous>, transform_indices = @transform_6, window_bounds = array<i64: 64, 1>}, {pipeline_mode = #tpu.pipeline_mode<synchronous>, transform_indices = @transform_7, window_bounds = array<i64: 1, 1>}, {transform_indices = @transform_8, window_bounds = array<i64: 2000, 2>}, {pipeline_mode = #tpu.pipeline_mode<synchronous>, transform_indices = @transform_9, window_bounds = array<i64: 1, 2>}, {pipeline_mode = #tpu.pipeline_mode<synchronous>, transform_indices = @transform_10, window_bounds = array<i64: 1, 2>}]} {
    %get3A = arith.constant 0 : index
    %get3A_0 = arith.constant 0 : index
    %get3A_1 = vector.load %arg3[%get3A, %get3A_0] : memref<2000x1xf32, #tpu.memory_space<vmem>>, vector<2000x1xf32>
    %get3A_2 = arith.constant 0 : index
    %get3A_3 = arith.constant 0 : index
    %get3A_4 = vector.load %arg4[%get3A_2, %get3A_3] : memref<2000x1xf32, #tpu.memory_space<vmem>>, vector<2000x1xf32>
    %add3A = arith.addf %get3A_1, %get3A_4 : vector<2000x1xf32>
    %mul3A = arith.constant 2.000000e-01 : f32
    %mul3A_5 = vector.broadcast %mul3A : f32 to vector<2000x1xf32>
    %mul3A_6 = arith.mulf %add3A, %mul3A_5 : vector<2000x1xf32>
    %max3A = arith.maximumf %add3A, %mul3A_6 : vector<2000x1xf32>
    %exp3A = math.exp %max3A : vector<2000x1xf32>
    %get3A_7 = arith.constant 0 : index
    %get3A_8 = arith.constant 0 : index
    %get3A_9 = arith.constant 0 : index
    %get3A_10 = vector.load %arg2[%get3A_7, %get3A_8, %get3A_9] : memref<2x2000x1xf32, #tpu.memory_space<vmem>>, vector<1x2000x1xf32>
    %get3A_11 = vector.shape_cast %get3A_10 : vector<1x2000x1xf32> to vector<2000x1xf32>
    %get3A_12 = arith.constant 1 : index
    %get3A_13 = arith.constant 0 : index
    %get3A_14 = arith.constant 0 : index
    %get3A_15 = vector.load %arg2[%get3A_12, %get3A_13, %get3A_14] : memref<2x2000x1xf32, #tpu.memory_space<vmem>>, vector<1x2000x1xf32>
    %get3A_16 = vector.shape_cast %get3A_15 : vector<1x2000x1xf32> to vector<2000x1xf32>
    %add3A_17 = arith.addf %get3A_11, %get3A_16 : vector<2000x1xf32>
    %add3A_18 = arith.addf %add3A_17, %exp3A : vector<2000x1xf32>
    %add3A_19 = arith.constant 1.000000e-16 : f32
    %add3A_20 = vector.broadcast %add3A_19 : f32 to vector<2000x1xf32>
    %add3A_21 = arith.addf %add3A_18, %add3A_20 : vector<2000x1xf32>
    %get3A_22 = arith.constant 0 : index
    %get3A_23 = arith.constant 0 : index
    %get3A_24 = arith.constant 0 : index
    %get3A_25 = vector.load %arg1[%get3A_22, %get3A_23, %get3A_24] : memref<2x2000x32xf32, #tpu.memory_space<vmem>>, vector<1x2000x32xf32>
    %get3A_26 = vector.shape_cast %get3A_25 : vector<1x2000x32xf32> to vector<2000x32xf32>
    %get3A_27 = arith.constant 0 : index
    %get3A_28 = arith.constant 0 : index
    %get3A_29 = arith.constant 0 : index
    %get3A_30 = vector.load %arg5[%get3A_27, %get3A_28, %get3A_29] : memref<2x2000x32xf32, #tpu.memory_space<vmem>>, vector<1x2000x32xf32>
    %get3A_31 = vector.shape_cast %get3A_30 : vector<1x2000x32xf32> to vector<2000x32xf32>
    %mul3A_32 = vector.broadcast %exp3A : vector<2000x1xf32> to vector<2000x32xf32>
    %mul3A_33 = arith.mulf %mul3A_32, %get3A_31 : vector<2000x32xf32>
    %add3A_34 = arith.addf %get3A_26, %mul3A_33 : vector<2000x32xf32>
    %div3A = vector.broadcast %add3A_21 : vector<2000x1xf32> to vector<2000x32xf32>
    %div3A_35 = arith.divf %add3A_34, %div3A : vector<2000x32xf32>
    %get3A_36 = arith.constant 0 : index
    %get3A_37 = arith.constant 0 : index
    %get3A_38 = vector.load %arg6[%get3A_36, %get3A_37] : memref<1x64xf32, #tpu.memory_space<vmem>>, vector<1x32xf32>
    %add3A_39 = vector.broadcast %get3A_38 : vector<1x32xf32> to vector<2000x32xf32>
    %add3A_40 = arith.addf %div3A_35, %add3A_39 : vector<2000x32xf32>
    %max3A_41 = arith.constant 0.000000e+00 : f32
    %max3A_42 = vector.broadcast %max3A_41 : f32 to vector<2000x32xf32>
    %max3A_43 = arith.maximumf %add3A_40, %max3A_42 : vector<2000x32xf32>
    %get3A_44 = arith.constant 1 : index
    %get3A_45 = arith.constant 0 : index
    %get3A_46 = arith.constant 0 : index
    %get3A_47 = vector.load %arg1[%get3A_44, %get3A_45, %get3A_46] : memref<2x2000x32xf32, #tpu.memory_space<vmem>>, vector<1x2000x32xf32>
    %get3A_48 = vector.shape_cast %get3A_47 : vector<1x2000x32xf32> to vector<2000x32xf32>
    %get3A_49 = arith.constant 1 : index
    %get3A_50 = arith.constant 0 : index
    %get3A_51 = arith.constant 0 : index
    %get3A_52 = vector.load %arg5[%get3A_49, %get3A_50, %get3A_51] : memref<2x2000x32xf32, #tpu.memory_space<vmem>>, vector<1x2000x32xf32>
    %get3A_53 = vector.shape_cast %get3A_52 : vector<1x2000x32xf32> to vector<2000x32xf32>
    %mul3A_54 = vector.broadcast %exp3A : vector<2000x1xf32> to vector<2000x32xf32>
    %mul3A_55 = arith.mulf %mul3A_54, %get3A_53 : vector<2000x32xf32>
    %add3A_56 = arith.addf %get3A_48, %mul3A_55 : vector<2000x32xf32>
    %div3A_57 = vector.broadcast %add3A_21 : vector<2000x1xf32> to vector<2000x32xf32>
    %div3A_58 = arith.divf %add3A_56, %div3A_57 : vector<2000x32xf32>
    %get3A_59 = arith.constant 0 : index
    %get3A_60 = arith.constant 32 : index
    %get3A_61 = vector.load %arg6[%get3A_59, %get3A_60] : memref<1x64xf32, #tpu.memory_space<vmem>>, vector<1x32xf32>
    %add3A_62 = vector.broadcast %get3A_61 : vector<1x32xf32> to vector<2000x32xf32>
    %add3A_63 = arith.addf %div3A_58, %add3A_62 : vector<2000x32xf32>
    %max3A_64 = arith.constant 0.000000e+00 : f32
    %max3A_65 = vector.broadcast %max3A_64 : f32 to vector<2000x32xf32>
    %max3A_66 = arith.maximumf %add3A_63, %max3A_65 : vector<2000x32xf32>
    %get3A_67 = arith.constant 0 : index
    %get3A_68 = arith.constant 0 : index
    %get3A_69 = vector.load %arg7[%get3A_67, %get3A_68] : memref<64x1xf32, #tpu.memory_space<vmem>>, vector<32x1xf32>
    %dot_general3A = arith.constant dense<0.000000e+00> : vector<2000x1xf32>
    %dot_general3A_70 = tpu.matmul %max3A_43, %get3A_69, %dot_general3A {dimension_numbers = #tpu.dot_dimension_numbers<[1], [0], [0], [1], [0, 0, 1, 1], [], []>, transpose_lhs_hint = false} : vector<2000x32xf32>, vector<32x1xf32>, vector<2000x1xf32> -> vector<2000x1xf32>
    %get3A_71 = arith.constant 32 : index
    %get3A_72 = arith.constant 0 : index
    %get3A_73 = vector.load %arg7[%get3A_71, %get3A_72] : memref<64x1xf32, #tpu.memory_space<vmem>>, vector<32x1xf32>
    %dot_general3A_74 = arith.constant dense<0.000000e+00> : vector<2000x1xf32>
    %dot_general3A_75 = tpu.matmul %max3A_66, %get3A_73, %dot_general3A_74 {dimension_numbers = #tpu.dot_dimension_numbers<[1], [0], [0], [1], [0, 0, 1, 1], [], []>, transpose_lhs_hint = false} : vector<2000x32xf32>, vector<32x1xf32>, vector<2000x1xf32> -> vector<2000x1xf32>
    %add3A_76 = arith.addf %dot_general3A_70, %dot_general3A_75 : vector<2000x1xf32>
    %get3A_77 = arith.constant 0 : index
    %get3A_78 = arith.constant 0 : index
    %get3A_79 = vector.load %arg8[%get3A_77, %get3A_78] : memref<1x1xf32, #tpu.memory_space<vmem>>, vector<1x1xf32>
    %add3A_80 = vector.broadcast %get3A_79 : vector<1x1xf32> to vector<2000x1xf32>
    %add3A_81 = arith.addf %add3A_76, %add3A_80 : vector<2000x1xf32>
    %get3A_82 = arith.constant 0 : index
    %get3A_83 = arith.constant 0 : index
    %get3A_84 = vector.load %arg9[%get3A_82, %get3A_83] : memref<2000x2xf32, #tpu.memory_space<vmem>>, vector<2000x2xf32>
    %mul3A_85 = vector.broadcast %add3A_81 : vector<2000x1xf32> to vector<2000x2xf32>
    %mul3A_86 = arith.mulf %mul3A_85, %get3A_84 : vector<2000x2xf32>
    %reduce_sum3A = arith.constant dense<0.000000e+00> : vector<2xf32>
    %reduce_sum3A_87 = vector.multi_reduction <add>, %mul3A_86, %reduce_sum3A [0] : vector<2000x2xf32> to vector<2xf32>
    %broadcast_in_dim3A = vector.shape_cast %reduce_sum3A_87 : vector<2xf32> to vector<1x2xf32>
    %eq3A = arith.constant 0 : i32
    %eq3A_88 = arith.cmpi eq, %arg0, %eq3A : i32
    %convert_element_type3A = arith.extui %eq3A_88 : i1 to i32
    %cond3A = arith.constant 0 : i32
    %cond3A_89 = arith.cmpi ne, %convert_element_type3A, %cond3A : i32
    scf.if %cond3A_89 {
      %get3A_94 = arith.constant 0 : index
      %get3A_95 = arith.constant 0 : index
      %get3A_96 = vector.load %arg10[%get3A_94, %get3A_95] : memref<1x2xf32, #tpu.memory_space<vmem>>, vector<1x2xf32>
      %add3A_97 = arith.addf %broadcast_in_dim3A, %get3A_96 : vector<1x2xf32>
      %swap3A = arith.constant 0 : index
      %swap3A_98 = arith.constant 0 : index
      %swap3A_99 = vector.load %arg11[%swap3A, %swap3A_98] : memref<1x2xf32, #tpu.memory_space<vmem>>, vector<1x2xf32>
      tpu.vector_store %arg11[%swap3A, %swap3A_98], %add3A_97 {strides = array<i32>} : memref<1x2xf32, #tpu.memory_space<vmem>>, vector<1x2xf32>,
    } else {
    }
    %gt3A = arith.constant 0 : i32
    %gt3A_90 = arith.cmpi sgt, %arg0, %gt3A : i32
    %convert_element_type3A_91 = arith.extui %gt3A_90 : i1 to i32
    %cond3A_92 = arith.constant 0 : i32
    %cond3A_93 = arith.cmpi ne, %convert_element_type3A_91, %cond3A_92 : i32
    scf.if %cond3A_93 {
      %get3A_94 = arith.constant 0 : index
      %get3A_95 = arith.constant 0 : index
      %get3A_96 = vector.load %arg11[%get3A_94, %get3A_95] : memref<1x2xf32, #tpu.memory_space<vmem>>, vector<1x2xf32>
      %add3A_97 = arith.addf %get3A_96, %broadcast_in_dim3A : vector<1x2xf32>
      %swap3A = arith.constant 0 : index
      %swap3A_98 = arith.constant 0 : index
      %swap3A_99 = vector.load %arg11[%swap3A, %swap3A_98] : memref<1x2xf32, #tpu.memory_space<vmem>>, vector<1x2xf32>
      tpu.vector_store %arg11[%swap3A, %swap3A_98], %add3A_97 {strides = array<i32>} : memref<1x2xf32, #tpu.memory_space<vmem>>, vector<1x2xf32>,
    } else {
    }
    return
  }
  func.func @transform_0(%arg0: i32) -> (i32, i32, i32) {
    %c0_i32 = arith.constant 0 : i32
    %c0_i32_0 = arith.constant 0 : i32
    %c0_i32_1 = arith.constant 0 : i32
    return %c0_i32, %arg0, %c0_i32_0 : i32, i32, i32
  }
  func.func @transform_1(%arg0: i32) -> (i32, i32, i32) {
    %c0_i32 = arith.constant 0 : i32
    %c0_i32_0 = arith.constant 0 : i32
    %c0_i32_1 = arith.constant 0 : i32
    return %c0_i32, %arg0, %c0_i32_0 : i32, i32, i32
  }
  func.func @transform_2(%arg0: i32) -> (i32, i32) {
    %c0_i32 = arith.constant 0 : i32
    %c0_i32_0 = arith.constant 0 : i32
    return %arg0, %c0_i32 : i32, i32
  }
  func.func @transform_3(%arg0: i32) -> (i32, i32) {
    %c0_i32 = arith.constant 0 : i32
    %c0_i32_0 = arith.constant 0 : i32
    return %arg0, %c0_i32 : i32, i32
  }
  func.func @transform_4(%arg0: i32) -> (i32, i32, i32) {
    %c0_i32 = arith.constant 0 : i32
    %c0_i32_0 = arith.constant 0 : i32
    %c0_i32_1 = arith.constant 0 : i32
    return %c0_i32, %arg0, %c0_i32_0 : i32, i32, i32
  }
  func.func @transform_5(%arg0: i32) -> (i32, i32) {
    %c0_i32 = arith.constant 0 : i32
    %c0_i32_0 = arith.constant 0 : i32
    %c0_i32_1 = arith.constant 0 : i32
    return %c0_i32, %c0_i32_0 : i32, i32
  }
  func.func @transform_6(%arg0: i32) -> (i32, i32) {
    %c0_i32 = arith.constant 0 : i32
    %c0_i32_0 = arith.constant 0 : i32
    %c0_i32_1 = arith.constant 0 : i32
    return %c0_i32, %c0_i32_0 : i32, i32
  }
  func.func @transform_7(%arg0: i32) -> (i32, i32) {
    %c0_i32 = arith.constant 0 : i32
    %c0_i32_0 = arith.constant 0 : i32
    %c0_i32_1 = arith.constant 0 : i32
    return %c0_i32, %c0_i32_0 : i32, i32
  }
  func.func @transform_8(%arg0: i32) -> (i32, i32) {
    %c0_i32 = arith.constant 0 : i32
    %c0_i32_0 = arith.constant 0 : i32
    return %arg0, %c0_i32 : i32, i32
  }
  func.func @transform_9(%arg0: i32) -> (i32, i32) {
    %c0_i32 = arith.constant 0 : i32
    %c0_i32_0 = arith.constant 0 : i32
    %c0_i32_1 = arith.constant 0 : i32
    return %c0_i32, %c0_i32_0 : i32, i32
  }
  func.func @transform_10(%arg0: i32) -> (i32, i32) {
    %c0_i32 = arith.constant 0 : i32
    %c0_i32_0 = arith.constant 0 : i32
    %c0_i32_1 = arith.constant 0 : i32
    return %c0_i32, %c0_i32_0 : i32, i32
  }
}

</mosaic_0001>

<sc_bundles>
// kernel: kernel.10.cloned.1.call-start
scs
__scs_entry_jumppad:
0x0: {  	(pc) =	sbr.rel $0x88, $3  }
0x1: {  	(tag) =	ssettag $0x0;
	lr =	simm.s32 $0x1  }
0x2: {  	[smem:$0x3F93] =	sst lr;
	_ =	strace $0xD0000000  }
0x3: {  	_ = 	snop  }
0x4: {  	_ = 	snop  }
0x5: {  	_ = 	snop  }
0x6: {  	_ = 	snop  }
0x7: {  	_ = 	snop  }
__scs_overlays_trampoline_lowered:
0x8: {  	[smem:$0x3FA2] =	sst s0  }
0x9: {  	[smem:$0x3FA3] =	sst s1  }
0xa: {  	[smem:$0x3FA4] =	sst s2  }
0xb: {  	[smem:$0x3FA5] =	sst s3  }
0xc: {  	[smem:$0x3FA6] =	sst s4  }
0xd: {  	[smem:$0x3FA7] =	sst s5  }
0xe: {  	[smem:$0x3FA8] =	sst s6  }
0xf: {  	[smem:$0x3FA9] =	sst s7  }
0x10: {  	[smem:$0x3FAA] =	sst s8  }
0x11: {  	[smem:$0x3FAB] =	sst s9;
	s0 =	simm.s32 @!p0 $0x0  }
0x12: {  	s1 =	sld [smem:$0x3F91];
	s0 =	simm.s32 @p0 $0x1  }
0x13: {  	[smem:$0x3FAC] =	sst s0;
	s0 =	simm.s32 @!p1 $0x0  }
0x14: {  	s2 =	sld [smem:$0x3F90];
	s0 =	simm.s32 @p1 $0x1  }
0x15: {  	[smem:$0x3FAD] =	sst s0;
	s0 =	simm.s32 @!p2 $0x0  }
0x16: {  	s3 =	sld [smem:$0x3FDB];
	s0 =	simm.s32 @p2 $0x1  }
0x17: {  	s4 =	simm.s32 $0x1BF5;
	[smem:$0x3FAF] =	sst s0  }
0x18: {  	s0 =	sld [smem:$0x3F92];
	_ =	swait.ge [sflag:s4], $0x0  }
0x19: {  	s7 =	sld [smem:$0x3F93]  }
0x1a: {  	s8 =	sadd.s32 $0xFFFFE003, lr  }
0x1b: {  	s9 =	sadd.s32 $0xFFFFFEF7, lr;
	s5 =	simm.s32 $0xFFFFFFFF;
	p2 =	slt.u32 s8, $0xFFFFF086  }
0x1c: {  	p1 =	slt.u32 s9, $0xF7A;
	s5 =	simm.s32 @!p2 $0x0  }
0x1d: {  	s5 =	simm.s32 @p1 $0x1;
	p0 =	seq.s32 s7, s2  }
0x1e: {  	s7 =	smul.u32 @!p0 $0xF7A, s2;
	p2 =	seq.s32 @!p0 s5, $0x0  }
0x1f: {  	s9 =	smul.u32 $0xF7A, s1;
	s8 =	simm.s32 @!p0 $0x1BF5;
	p2 =	por !p2, p0  }
0x20: {  	[sflag:s8] =	ssyncset.s32 @!p0 $0xFFFFF086;
	s6 =	sadd.s32 @!p0 s3, s7;
	s7 =	simm.s32 @!p0 $0x108  }
0x21: {  	s3 =	sadd.s32 s3, s9;
	s6 =	sadd.s32 @!p0 $0x88, s6;
	s7 =	simm.s32 @p2 $0x1082  }
0x22: {  	[simem:s7], [sflag:s8] =	dma.local @!p0 [hbm:s6], $0xF7A  }
0x23: {  	s9 =	sor.u32 $0xD0000000, s2;
	s6 =	simm.s32 $0x108;
	_ =	swait.ge @!p0 [sflag:s8], $0x0  }
0x24: {  	s3 =	sadd.s32 $0x88, s3;
	s6 =	simm.s32 @!p1 $0x1082;
	[sflag:s4] =	ssyncset.s32 $0xFFFFF086  }
0x25: {  	[simem:s6], [sflag:s4] =	dma.local [hbm:s3], $0xF7A  }
0x26: {  	[smem:$0x3F93] =	sst s1;
	(tag) =	ssettag s2;
	_ =	strace s9  }
0x27: {  	s1 =	sld [smem:$0x3FA3]  }
0x28: {  	s2 =	sld [smem:$0x3FA4]  }
0x29: {  	s4 =	sld [smem:$0x3FA6]  }
0x2a: {  	p0 =	seq.s32 s5, $0x0;
	s5 =	sld [smem:$0x3FA7]  }
0x2b: {  	s6 =	sld [smem:$0x3FA8]  }
0x2c: {  	s7 =	sld [smem:$0x3FA9]  }
0x2d: {  	s3 =	simm.s32 $0x108;
	s8 =	sld [smem:$0x3FAA]  }
0x2e: {  	s3 =	simm.s32 @!p0 $0x1082;
	s9 =	sld [smem:$0x3FAB]  }
0x2f: {  	lr =	sadd.s32 s0, s3;
	s0 =	sld [smem:$0x3FA2]  }
0x30: {  	s3 =	sld [smem:$0x3FA5]  }
0x31: {  	[smem:$0x3FAE] =	sst s10  }
0x32: {  	s10 =	sld [smem:$0x3FAC];
	_ =	sdelay $0x3  }
0x33: {  	p0 =	seq.s32 s10, $0x1;
	s10 =	sld [smem:$0x3FAE];
	_ =	sdelay $0x3  }
0x34: {  	[smem:$0x3FAE] =	sst s10  }
0x35: {  	s10 =	sld [smem:$0x3FAD];
	_ =	sdelay $0x3  }
0x36: {  	p1 =	seq.s32 s10, $0x1;
	s10 =	sld [smem:$0x3FAE];
	_ =	sdelay $0x3  }
0x37: {  	[smem:$0x3FAE] =	sst s10  }
0x38: {  	s10 =	sld [smem:$0x3FAF]  }
0x39: {  	_ = 	snop;
	(pc) =	sbr.ind lr, $3  }
0x3a: {  	_ = 	snop  }
0x3b: {  	_ = 	snop  }
0x3c: {  	p2 =	seq.s32 s10, $0x1;
	s10 =	sld [smem:$0x3FAE]  }
0x3d: {  	_ =	shalt  }
0x3e: {  	_ =	shalt  }
0x3f: {  	_ =	shalt  }
0x40: {  	_ =	shalt  }
0x41: {  	_ =	shalt  }
0x42: {  	_ =	shalt  }
0x43: {  	_ =	shalt  }
0x44: {  	_ =	shalt  }
0x45: {  	_ =	shalt  }
0x46: {  	_ =	shalt  }
0x47: {  	_ =	shalt  }
0x48: {  	_ =	shalt  }
0x49: {  	_ =	shalt  }
0x4a: {  	_ =	shalt  }
0x4b: {  	_ =	shalt  }
0x4c: {  	_ =	shalt  }
0x4d: {  	_ =	shalt  }
0x4e: {  	_ =	shalt  }
0x4f: {  	_ =	shalt  }
0x50: {  	_ =	shalt  }
0x51: {  	_ =	shalt  }
0x52: {  	_ =	shalt  }
0x53: {  	_ =	shalt  }
0x54: {  	_ =	shalt  }
0x55: {  	_ =	shalt  }
0x56: {  	_ =	shalt  }
0x57: {  	_ =	shalt  }
0x58: {  	_ =	shalt  }
0x59: {  	_ =	shalt  }
0x5a: {  	_ =	shalt  }
0x5b: {  	_ =	shalt  }
0x5c: {  	_ =	shalt  }
0x5d: {  	_ =	shalt  }
0x5e: {  	_ =	shalt  }
0x5f: {  	_ =	shalt  }
0x60: {  	_ =	shalt  }
0x61: {  	_ =	shalt  }
0x62: {  	_ =	shalt  }
0x63: {  	_ =	shalt  }
0x64: {  	_ =	shalt  }
0x65: {  	_ =	shalt  }
0x66: {  	_ =	shalt  }
0x67: {  	_ =	shalt  }
0x68: {  	_ =	shalt  }
0x69: {  	_ =	shalt  }
0x6a: {  	_ =	shalt  }
0x6b: {  	_ =	shalt  }
0x6c: {  	_ =	shalt  }
0x6d: {  	_ =	shalt  }
0x6e: {  	_ =	shalt  }
0x6f: {  	_ =	shalt  }
0x70: {  	_ =	shalt  }
0x71: {  	_ =	shalt  }
0x72: {  	_ =	shalt  }
0x73: {  	_ =	shalt  }
0x74: {  	_ =	shalt  }
0x75: {  	_ =	shalt  }
0x76: {  	_ =	shalt  }
0x77: {  	_ =	shalt  }
0x78: {  	_ =	shalt  }
0x79: {  	_ =	shalt  }
0x7a: {  	_ =	shalt  }
0x7b: {  	_ =	shalt  }
0x7c: {  	_ =	shalt  }
0x7d: {  	_ =	shalt  }
0x7e: {  	_ =	shalt  }
0x7f: {  	_ =	shalt  }
0x80: {  	_ =	shalt  }
0x81: {  	_ =	shalt  }
0x82: {  	_ =	shalt  }
0x83: {  	_ =	shalt  }
0x84: {  	_ =	shalt  }
0x85: {  	_ =	shalt  }
0x86: {  	_ =	shalt  }
0x87: {  	_ =	shalt  }
.Lfunc_end0:
.L_simem_size_0:
called_computation.1_lowered:
.L_overlay_start_0:
0x88: {  	s2 =	sld [smem:$0x3FD9]  }
0x89: {  	s3 =	sld [smem:$0x3FFE];
	_ =	sdelay $0x1  }
0x8a: {  	s1 =	srdreg.scid  }
0x8b: {  	s0 =	sand.u32 $0x1, s1  }
0x8c: {  	s16 =	sshll.u32 s0, $0xA;
	s2 =	sadd.s32 s3, s2  }
0x8d: {  	s2 =	sadd.s32 s2, s16  }
0x8e: {  	[smem:$0x3FBA] =	sst s2  }
0x8f: {  	_ = 	snop  }
0x90: {  	(tm) =	ssettm $0x1  }
0x91: {  	s17 =	sld [smem:$0x3FFB];
	_ =	sdelay $0x3  }
0x92: {  	_ =	strace s17  }
0x93: {  	s2 =	sld [smem:$0x3FFC];
	_ =	sdelay $0x3  }
0x94: {  	_ =	strace s2  }
0x95: {  	s2 =	sld [smem:$0x3FFD];
	_ =	sdelay $0x3  }
0x96: {  	_ =	strace s2  }
0x97: {  	_ =	strace $0x8FFFFFFF  }
0x98: {  	s18 =	sld [smem:$0x3FDB];
	_ =	sdelay $0x1  }
0x99: {  	s19 =	simm.s32 $_scs_section_size  }
0x9a: {  	s4 =	simm.s32 $_size__tile_overlayer_lowered;
	s5 =	simm.s32 $_tile_overlayer_lowered  }
0x9b: {  	s22 =	simm.s32 $0x1BFF;
	s21 =	sshll.u32 s5, $0x1;
	s2 =	sadd.s32 s19, s18  }
0x9c: {  	s6 =	simm.s32 $0x0;
	s20 =	sshll.u32 s4, $0x1;
	s4 =	sadd.s32 s21, s2  }
0x9d: {  	[timem:s6], [sflag:s22] =	dma.local [hbm:s4], s20  }
0x9e: {  	_ =	swait.ge [sflag:s22], s20  }
0x9f: {  	s3 =	ssub.s32 $0x0, s20;
	[sflag:s22] =	ssyncset.done $0x0  }
0xa0: {  	[sflag:s22] =	ssyncadd.s32 s3;
	_ =	sdelay $0x1  }
0xa1: {  	s23 =	simm.s32 $0x1B8B  }
0xa2: {  	_ =	swait.ge [sflag:s23], $0x1  }
0xa3: {  	[sflag:s23] =	ssyncset.done $0x0  }
0xa4: {  	s25 =	simm.s32 $0x1B8E;
	s24 =	sld [smem:$0x3FFE];
	[sflag:s23] =	ssyncadd.s32 $0xFFFFFFFF  }
0xa5: {  	s26 =	simm.s32 $execute0_lowered;
	[smem:$0x3FD2] =	sst s25  }
0xa6: {  	s4 =	sshll.u32 s26, $0x1;
	_ =	strace $0x80000049;
	[dreg:$0x1] =	wrdreg $0xFFFFFFFF  }
0xa7: {  	s28 =	simm.s32 $_size_execute0_lowered;
	s2 =	sadd.s32 s2, s4;
	[dreg:$0x0] =	wrdreg $0x0  }
0xa8: {  	s4 =	sshll.u32 s28, $0x1;
	[dreg:$0x2] =	wrdreg s2  }
0xa9: {  	[dreg:$0x3] =	wrdreg s4  }
0xaa: {  	[dreg:$0x4] =	wrdreg $0xC0  }
0xab: {  	_ =	task [dreg:s6], $0x5FFFF  }
0xac: {  	[dreg:$0x1] =	wrdreg $0xFFFFFFFF  }
0xad: {  	[dreg:$0x0] =	wrdreg $0x60  }
0xae: {  	[dreg:$0x2] =	wrdreg s24  }
0xaf: {  	[dreg:$0x3] =	wrdreg $0x170A00  }
0xb0: {  	[dreg:$0x4] =	wrdreg $0x197B00  }
0xb1: {  	[dreg:$0x5] =	wrdreg $0x1E5D00  }
0xb2: {  	[dreg:$0x6] =	wrdreg $0x9  }
0xb3: {  	_ =	task.clear_ibuf [dreg:s6], $0x7FFFF;
	_ =	strace $0x90000049  }
0xb4: {  	s29 =	simm.s32 $0x9;
	_ =	strace $0x8000004B  }
0xb5: {  	_ =	swait.ge [sflag:s29], $0x1  }
0xb6: {  	[sflag:s29] =	ssyncadd.s32 $0xFFFFFFFF  }
0xb7: {  	_ =	strace $0x9000004B  }
0xb8: {  	_ =	sfence  }
0xb9: {  	s30 =	sld [smem:$0x0];
	_ =	sdelay $0x2  }
0xba: {  	s31 =	sshll.u32 s1, $0xD;
	s1 =	sshrl.u32 s1, $0x2  }
0xbb: {  	s3 =	sand.u32 $0x4000, s31;
	s1 =	sadd.s32 s1, s30  }
0xbc: {  	s0 =	sor.u32 s3, s0;
	s1 =	sshll.u32 s1, $0x11  }
0xbd: {  	s0 =	sor.u32 s1, s0  }
0xbe: {  	s0 =	sadd.s32 $0x8F2B, s0  }
0xbf: {  	[sflag:s0] =	ssyncadd.remote.s32 $0x1  }
0xc0: {  	_ =	sfence.sel $0xFFFF  }
0xc1: {  	[dreg:$0x0] =	wrdreg $0xFFFFFFFF;
	(pc) =	sbr.abs _section_cstart, $3  }
0xc2: {  	[dreg:$0x1] =	wrdreg $0xFFFFFFFF  }
0xc3: {  	_ =	task.clear_ibuf [dreg:s6], $0x2FFFF;
	_ =	strace $0x9FFFFFFF  }
0xc4: {  	(tm) =	ssettm $0x7FFFFFFF  }
0xc5: {  	_ =	shalt  }
tec
execute0_lowered:
.L_overlay_start_1:
0x0: {  	(tag) =	ssettag $0x1  }
0x1: {  	s0 =	rddreg [dreg:$0x0]  }
0x2: {  	s2 =	rddreg [dreg:$0x1]  }
0x3: {  	s1 =	srdreg.scid;
	s3 =	rddreg [dreg:$0x2]  }
0x4: {  	s15 =	stileid.u32;
	s4 =	rddreg [dreg:$0x3]  }
0x5: {  	s5 =	simm.s32 $0x0;
	s29 =	simm.s32 $0x80;
	s31 =	simm.s32 $0x1  }
0x6: {  	s28 =	simm.s32 $0x3;
	s30 =	simm.s32 $0x0;
	s7 =	smul.u32 $0x4E20, s15  }
0x7: {  	s1 =	sand.u32 $0x1, s1;
	[smem:$0x7FF] =	sst s5;
	s10 =	smul.u32 $0x280, s15  }
0x8: {  	s11 =	sadd.s32 $0xCA00, s0;
	s13 =	sadd.s32 $0xC400, s0;
	s6 =	smul.u32 $0x4E200, s1  }
0x9: {  	_ =	strace $0x8000004A;
	[dreg:$0x5] =	wrdreg s11;
	s12 =	smul.u32 $0x2800, s1  }
0xa: {  	[dreg:$0x6] =	wrdreg s13;
	s20 =	ssub.s32 $0x2, s1;
	p0 =	seq.s32 s1, $0x0  }
0xb: {  	s1 =	simm.s32 $0xEE20;
	s14 =	sshrl.u32 s20, $0x1;
	s22 =	sshrl.u32 s7, $0x1  }
0xc: {  	s17 =	sadd.s32 s10, s4;
	s8 =	sadd.s32 s7, s6;
	s6 =	smul.u32 $0x5000, s15  }
0xd: {  	s12 =	sadd.s32 s10, s12;
	s15 =	smul.u32 $0x13880, s15;
	s13 =	ssub.s32 s20, s14  }
0xe: {  	s9 =	sshrl.u32 s8, $0x4;
	s8 =	sshrl.u32 s8, $0x3;
	s12 =	sshrl.u32 s12, $0x3  }
0xf: {  	s20 =	smax.u32 s13, $0x1;
	s9 =	sadd.s32 s9, s0;
	s19 =	sshrl.u32 s6, $0x3  }
0x10: {  	s8 =	sadd.s32 s8, s0;
	s23 =	sshrl.u32 s15, $0x2;
	s11 =	sadd.s32 s19, s0  }
0x11: {  	s0 =	sadd.s32 s12, s0;
	s9 =	sadd.s32 $0x2600, s9;
	s24 =	sadd.s32 s23, s3  }
0x12: {  	s12 =	sadd.s32 s7, s3;
	s18 =	sadd.s32 $0xDA00, s8;
	s23 =	simm.s32 $0xA000  }
0x13: {  	s21 =	sadd.s32 $0xB3A00, s11;
	s11 =	sadd.s32 $0xA9A00, s11;
	[dreg:$0x9] =	wrdreg s9  }
0x14: {  	s25 =	sadd.s32 $0xFA0, s24;
	s26 =	sadd.s32 $0x1F40, s24;
	[dreg:$0x7] =	wrdreg s21  }
0x15: {  	s15 =	sadd.s32 $0x2EE0, s24;
	s16 =	sadd.s32 $0x3E80, s24;
	[dreg:$0x8] =	wrdreg s11  }
0x16: {  	s19 =	sadd.s32 $0xD000, s0;
	s24 =	simm.s32 $0xC710;
	[dreg:$0xa] =	wrdreg s25  }
0x17: {  	s11 =	sadd.s32 s22, s2;
	[dreg:$0xb] =	wrdreg s26;
	s21 =	simm.s32 $0x4  }
0x18: {  	v0 =	vimm.f32 $0.0e+00;
	s26 =	simm.s32 $0x14E20;
	s22 =	simm.s32 $0x2;
	s25 =	sshrl.u32 s11, $0x3  }
.LBB2_1:
0x19: {  	s0 =	rddreg [dreg:$0x7]  }
0x1a: {  	[tilespmem:s5], [sflag:$0x4] =	stream.linear.gather [hbm4b:s0+s5], $0x5000, $0x38;
	[tilespmem:$0x1E850] =	vst v63  }
0x1b: {  	_ =	swait.ge [sflag:s21], $0x5000  }
0x1c: {  	[sflag:s21] =	ssyncset.done $0x0  }
0x1d: {  	s7 =	simm.s32 $0x5000;
	s9 =	rddreg [dreg:$0x8];
	[sflag:s21] =	ssyncadd.s32 $0xFFFFB000  }
0x1e: {  	[tilespmem:s7], [sflag:$0x4] =	stream.linear.gather [hbm4b:s9+s5], $0x5000, $0x38;
	[tilespmem:$0x1E850] =	vst v63  }
0x1f: {  	_ =	swait.ge [sflag:s21], $0x5000  }
0x20: {  	[sflag:s21] =	ssyncset.done $0x0  }
0x21: {  	s10 =	rddreg [dreg:$0x5];
	[sflag:s21] =	ssyncadd.s32 $0xFFFFB000  }
0x22: {  	[tilespmem:s23], [sflag:$0x4] =	stream.linear.gather [hbm4b:s10+s5], $0x2710, $0x38;
	[tilespmem:$0x1E850] =	vst v63  }
0x23: {  	_ =	swait.ge [sflag:s21], $0x2710  }
0x24: {  	[sflag:s21] =	ssyncset.done $0x0  }
0x25: {  	s11 =	rddreg [dreg:$0x6];
	[sflag:s21] =	ssyncadd.s32 $0xFFFFD8F0  }
0x26: {  	[tilespmem:s24], [sflag:$0x4] =	stream.linear.gather [hbm4b:s11+s5], $0x2710, $0x38;
	[tilespmem:$0x1E850] =	vst v63  }
0x27: {  	s13 =	stileid.u32;
	_ =	swait.ge [sflag:s21], $0x2710  }
0x28: {  	s0 =	sshll.u32 s13, $0x6;
	[sflag:s21] =	ssyncset.done $0x0  }
0x29: {  	s0 =	sor.u32 $0x1C04, s0;
	s14 =	rddreg [dreg:$0x9];
	[sflag:s21] =	ssyncadd.s32 $0xFFFFD8F0  }
0x2a: {  	[spmem:s25], [sflag:s0] =	dma.local [hbm:s14], $0x4E2  }
0x2b: {  	_ =	swait.ge [sflag:s21], $0x4E2  }
0x2c: {  	[sflag:s21] =	ssyncset.done $0x0  }
0x2d: {  	s8 =	simm.s32 $0x0;
	s7 =	simm.s32 $0x80;
	[sflag:s21] =	ssyncadd.s32 $0xFFFFFB1E  }
.LBB2_2:
0x2e: {  	p1 =	sne.s32 s7, $0x3F80;
	[tilespmem:s8+$0x14E20] =	vst v0;
	s9 =	smov.u32 s7;
	s7 =	sadd.s32 $0x80, s7  }
.Ltmp0:
0x2f: {  	[tilespmem:s8+$0x14E30] =	vst v0;
	(pc) =	sbr.rel @p1 .LBB2_2-.Ltmp0, $2  }
0x30: {  	_ =	sdelay $0x2  }
0x31: {  	s8 =	sshra.s32 s9, $0x2  }
0x32: {  	[tilespmem:s8+$0x14E20] =	vst v0  }
0x33: {  	[tilespmem:s8+$0x14E30] =	vst v0  }
0x34: {  	[spmem:s12] =	stream.linear.scatter [tilespmem:s26], [sflag:$0x4], $0xFA0, $0x38;
	[tilespmem:$0x1E850] =	vst v63  }
0x35: {  	_ =	swait.ge [sflag:s21], $0xFA0  }
0x36: {  	[sflag:s21] =	ssyncset.done $0x0  }
0x37: {  	s7 =	rddreg [dreg:$0xa];
	[sflag:s21] =	ssyncadd.s32 $0xFFFFF060  }
0x38: {  	[spmem:s7] =	stream.linear.scatter [tilespmem:s26], [sflag:$0x4], $0xFA0, $0x38;
	[tilespmem:$0x1E850] =	vst v63  }
0x39: {  	_ =	swait.ge [sflag:s21], $0xFA0  }
0x3a: {  	[sflag:s21] =	ssyncset.done $0x0  }
0x3b: {  	s11 =	rddreg [dreg:$0xb];
	[sflag:s21] =	ssyncadd.s32 $0xFFFFF060  }
0x3c: {  	[spmem:s11] =	stream.linear.scatter [tilespmem:s26], [sflag:$0x4], $0xFA0, $0x38;
	[tilespmem:$0x1E850] =	vst v63  }
0x3d: {  	_ =	swait.ge [sflag:s21], $0xFA0  }
0x3e: {  	[sflag:s21] =	ssyncset.done $0x0  }
0x3f: {  	[sflag:s21] =	ssyncadd.s32 $0xFFFFF060  }
0x40: {  	[spmem:s15] =	stream.linear.scatter [tilespmem:s26], [sflag:$0x4], $0xFA0, $0x38;
	[tilespmem:$0x1E850] =	vst v63  }
0x41: {  	_ =	swait.ge [sflag:s21], $0xFA0  }
0x42: {  	[sflag:s21] =	ssyncset.done $0x0  }
0x43: {  	[sflag:s21] =	ssyncadd.s32 $0xFFFFF060  }
0x44: {  	[spmem:s16] =	stream.linear.scatter [tilespmem:s26], [sflag:$0x4], $0xFA0, $0x38;
	[tilespmem:$0x1E850] =	vst v63  }
0x45: {  	_ =	swait.ge [sflag:s21], $0xFA0  }
0x46: {  	[sflag:s21] =	ssyncset.done $0x0  }
0x47: {  	[sflag:s21] =	ssyncadd.s32 $0xFFFFF060  }
0x48: {  	[tilespmem:$0x16E20] =	vst v0  }
0x49: {  	[tilespmem:$0x16E30] =	vst v0  }
0x4a: {  	[tilespmem:$0x16E40] =	vst v0  }
0x4b: {  	[tilespmem:$0x16E50] =	vst v0  }
0x4c: {  	[tilespmem:$0x16E60] =	vst v0  }
0x4d: {  	[tilespmem:$0x16E70] =	vst v0  }
0x4e: {  	[tilespmem:$0x16E80] =	vst v0  }
0x4f: {  	[tilespmem:$0x16E90] =	vst v0  }
0x50: {  	[tilespmem:$0x16EA0] =	vst v0  }
0x51: {  	[tilespmem:$0x16EB0] =	vst v0  }
0x52: {  	[tilespmem:$0x16EC0] =	vst v0  }
0x53: {  	[tilespmem:$0x16ED0] =	vst v0  }
0x54: {  	[tilespmem:$0x16EE0] =	vst v0  }
0x55: {  	[tilespmem:$0x16EF0] =	vst v0  }
0x56: {  	[tilespmem:$0x16F00] =	vst v0  }
0x57: {  	[tilespmem:$0x16F10] =	vst v0  }
0x58: {  	[tilespmem:$0x16F20] =	vst v0  }
0x59: {  	[tilespmem:$0x16F30] =	vst v0  }
0x5a: {  	[tilespmem:$0x16F40] =	vst v0  }
0x5b: {  	[tilespmem:$0x16F50] =	vst v0  }
0x5c: {  	[tilespmem:$0x16F60] =	vst v0  }
0x5d: {  	[tilespmem:$0x16F70] =	vst v0  }
0x5e: {  	[tilespmem:$0x16F80] =	vst v0  }
0x5f: {  	[tilespmem:$0x16F90] =	vst v0  }
0x60: {  	[tilespmem:$0x16FA0] =	vst v0  }
0x61: {  	[tilespmem:$0x16FB0] =	vst v0  }
0x62: {  	[tilespmem:$0x16FC0] =	vst v0  }
0x63: {  	[tilespmem:$0x16FD0] =	vst v0  }
0x64: {  	[tilespmem:$0x16FE0] =	vst v0  }
0x65: {  	[tilespmem:$0x16FF0] =	vst v0  }
0x66: {  	[tilespmem:$0x17000] =	vst v0  }
0x67: {  	[tilespmem:$0x17010] =	vst v0  }
0x68: {  	[tilespmem:$0x17020] =	vst v0  }
0x69: {  	[tilespmem:$0x17030] =	vst v0  }
0x6a: {  	[tilespmem:$0x17040] =	vst v0  }
0x6b: {  	[tilespmem:$0x17050] =	vst v0  }
0x6c: {  	[tilespmem:$0x17060] =	vst v0  }
0x6d: {  	[tilespmem:$0x17070] =	vst v0  }
0x6e: {  	[tilespmem:$0x17080] =	vst v0  }
0x6f: {  	s13 =	simm.s32 $0x16E20;
	[tilespmem:$0x17090] =	vst v0  }
0x70: {  	[spmem:s17] =	stream.linear.scatter [tilespmem:s13], [sflag:$0x4], $0x280, $0x38;
	[tilespmem:$0x1E850] =	vst v63  }
0x71: {  	_ =	swait.ge [sflag:s21], $0x280  }
0x72: {  	[sflag:s21] =	ssyncset.done $0x0  }
0x73: {  	s14 =	simm.s32 $0x13E20;
	[sflag:s21] =	ssyncadd.s32 $0xFFFFFD80  }
0x74: {  	p1 =	por $0x0, $0x0;
	s7 =	simm.s32 $0x0;
	[bflag:$0x0] =	sbarrier.arrive $0xFFFF  }
0x75: {  	[tilespmem:s14], [sflag:$0x1] =	stream.indirect.gather [spmem:s2], $0x10, s7, s29, $0xb8;
	[tilespmem:$0x1E850] =	vst v63  }
.LBB2_4:
0x76: {  	s8 =	sshll.u32 s7, $0x7  }
0x77: {  	v1 =	vld [tilespmem:s8+$0x0]  }
0x78: {  	v2 =	vld [tilespmem:s8+$0x5000];
	_ =	sdelay $0x6  }
0x79: {  	v1 =	vld.idx.msk [tilespmem:v1+s23+$0x0], $0xffff  }
0x7a: {  	v2 =	vld.idx.msk [tilespmem:v2+s24+$0x0], $0xffff;
	_ =	sdelay $0x4  }
0x7b: {  	v1 =	vadd.f32 v2, v1;
	_ =	sdelay $0x1  }
0x7c: {  	v2 =	vmul.f32 $2.000000030e-01, v1;
	_ =	sdelay $0x1  }
0x7d: {  	v1 =	vmax.f32 v1, v2  }
0x7e: {  	v1 =	vmul.f32 $1.442695020e+00, v1;
	_ =	sdelay $0x1  }
0x7f: {  	(erf) = vpow2.f32 v1;
	_ =	sdelay $0x3  }
0x80: {  	v1 =	vld [tilespmem:s8+$0x10]  }
0x81: {  	v2 =	vld [tilespmem:s8+$0x5010];
	_ =	sdelay $0x2  }
0x82: {  	s9 =	sadd.s32 s6, s8  }
0x83: {  	p2 =	slt.u32 s9, $0x4E200;
	v3 =	vpop (erf)  }
0x84: {  	v3 =	vpsel !p2, $0x0, v3  }
0x85: {  	[tilespmem:s8+$0xEE20] =	vst v3  }
0x86: {  	v1 =	vld.idx.msk [tilespmem:v1+s23+$0x0], $0xffff  }
0x87: {  	v2 =	vld.idx.msk [tilespmem:v2+s24+$0x0], $0xffff;
	_ =	sdelay $0x4  }
0x88: {  	v1 =	vadd.f32 v2, v1;
	_ =	sdelay $0x1  }
0x89: {  	v2 =	vmul.f32 $2.000000030e-01, v1;
	_ =	sdelay $0x1  }
0x8a: {  	v1 =	vmax.f32 v1, v2  }
0x8b: {  	v1 =	vmul.f32 $1.442695020e+00, v1;
	_ =	sdelay $0x1  }
0x8c: {  	(erf) = vpow2.f32 v1;
	_ =	sdelay $0x3  }
0x8d: {  	v1 =	vld [tilespmem:s8+$0x20]  }
0x8e: {  	v2 =	vld [tilespmem:s8+$0x5020];
	_ =	sdelay $0x2  }
0x8f: {  	s10 =	sor.u32 $0x10, s9  }
0x90: {  	p4 =	slt.u32 s10, $0x4E200;
	v3 =	vpop (erf)  }
0x91: {  	v3 =	vpsel !p4, $0x0, v3  }
0x92: {  	[tilespmem:s8+$0xEE30] =	vst v3  }
0x93: {  	v1 =	vld.idx.msk [tilespmem:v1+s23+$0x0], $0xffff  }
0x94: {  	v2 =	vld.idx.msk [tilespmem:v2+s24+$0x0], $0xffff;
	_ =	sdelay $0x4  }
0x95: {  	v1 =	vadd.f32 v2, v1;
	_ =	sdelay $0x1  }
0x96: {  	v2 =	vmul.f32 $2.000000030e-01, v1;
	_ =	sdelay $0x1  }
0x97: {  	v1 =	vmax.f32 v1, v2  }
0x98: {  	v1 =	vmul.f32 $1.442695020e+00, v1;
	_ =	sdelay $0x1  }
0x99: {  	(erf) = vpow2.f32 v1;
	_ =	sdelay $0x3  }
0x9a: {  	v1 =	vld [tilespmem:s8+$0x30]  }
0x9b: {  	v2 =	vld [tilespmem:s8+$0x5030];
	_ =	sdelay $0x2  }
0x9c: {  	s14 =	sor.u32 $0x20, s9  }
0x9d: {  	p5 =	slt.u32 s14, $0x4E200;
	v3 =	vpop (erf)  }
0x9e: {  	v3 =	vpsel !p5, $0x0, v3  }
0x9f: {  	[tilespmem:s8+$0xEE40] =	vst v3  }
0xa0: {  	v1 =	vld.idx.msk [tilespmem:v1+s23+$0x0], $0xffff  }
0xa1: {  	v2 =	vld.idx.msk [tilespmem:v2+s24+$0x0], $0xffff;
	_ =	sdelay $0x4  }
0xa2: {  	v1 =	vadd.f32 v2, v1;
	_ =	sdelay $0x1  }
0xa3: {  	v2 =	vmul.f32 $2.000000030e-01, v1;
	_ =	sdelay $0x1  }
0xa4: {  	v1 =	vmax.f32 v1, v2  }
0xa5: {  	v1 =	vmul.f32 $1.442695020e+00, v1;
	_ =	sdelay $0x1  }
0xa6: {  	(erf) = vpow2.f32 v1;
	_ =	sdelay $0x3  }
0xa7: {  	v1 =	vld [tilespmem:s8+$0x40]  }
0xa8: {  	v2 =	vld [tilespmem:s8+$0x5040];
	_ =	sdelay $0x2  }
0xa9: {  	s11 =	sor.u32 $0x30, s9  }
0xaa: {  	p6 =	slt.u32 s11, $0x4E200;
	v3 =	vpop (erf)  }
0xab: {  	v3 =	vpsel !p6, $0x0, v3  }
0xac: {  	[tilespmem:s8+$0xEE50] =	vst v3  }
0xad: {  	v1 =	vld.idx.msk [tilespmem:v1+s23+$0x0], $0xffff  }
0xae: {  	v2 =	vld.idx.msk [tilespmem:v2+s24+$0x0], $0xffff;
	_ =	sdelay $0x4  }
0xaf: {  	v1 =	vadd.f32 v2, v1;
	_ =	sdelay $0x1  }
0xb0: {  	v2 =	vmul.f32 $2.000000030e-01, v1;
	_ =	sdelay $0x1  }
0xb1: {  	v1 =	vmax.f32 v1, v2  }
0xb2: {  	v1 =	vmul.f32 $1.442695020e+00, v1;
	_ =	sdelay $0x1  }
0xb3: {  	(erf) = vpow2.f32 v1;
	_ =	sdelay $0x3  }
0xb4: {  	v1 =	vld [tilespmem:s8+$0x50]  }
0xb5: {  	v2 =	vld [tilespmem:s8+$0x5050];
	_ =	sdelay $0x2  }
0xb6: {  	s13 =	sor.u32 $0x40, s9  }
0xb7: {  	p3 =	slt.u32 s13, $0x4E200;
	v3 =	vpop (erf)  }
0xb8: {  	v3 =	vpsel !p3, $0x0, v3  }
0xb9: {  	[tilespmem:s8+$0xEE60] =	vst v3  }
0xba: {  	v1 =	vld.idx.msk [tilespmem:v1+s23+$0x0], $0xffff  }
0xbb: {  	v2 =	vld.idx.msk [tilespmem:v2+s24+$0x0], $0xffff;
	_ =	sdelay $0x4  }
0xbc: {  	v1 =	vadd.f32 v2, v1;
	_ =	sdelay $0x1  }
0xbd: {  	v2 =	vmul.f32 $2.000000030e-01, v1;
	_ =	sdelay $0x1  }
0xbe: {  	v1 =	vmax.f32 v1, v2  }
0xbf: {  	v1 =	vmul.f32 $1.442695020e+00, v1;
	_ =	sdelay $0x1  }
0xc0: {  	(erf) = vpow2.f32 v1;
	_ =	sdelay $0x3  }
0xc1: {  	v1 =	vld [tilespmem:s8+$0x60]  }
0xc2: {  	v2 =	vld [tilespmem:s8+$0x5060];
	_ =	sdelay $0x2  }
0xc3: {  	s14 =	sor.u32 $0x50, s9  }
0xc4: {  	p4 =	slt.u32 s14, $0x4E200;
	v3 =	vpop (erf)  }
0xc5: {  	v3 =	vpsel !p4, $0x0, v3  }
0xc6: {  	[tilespmem:s8+$0xEE70] =	vst v3  }
0xc7: {  	v1 =	vld.idx.msk [tilespmem:v1+s23+$0x0], $0xffff  }
0xc8: {  	v2 =	vld.idx.msk [tilespmem:v2+s24+$0x0], $0xffff;
	_ =	sdelay $0x4  }
0xc9: {  	v1 =	vadd.f32 v2, v1;
	_ =	sdelay $0x1  }
0xca: {  	v2 =	vmul.f32 $2.000000030e-01, v1;
	_ =	sdelay $0x1  }
0xcb: {  	v1 =	vmax.f32 v1, v2  }
0xcc: {  	v1 =	vmul.f32 $1.442695020e+00, v1;
	_ =	sdelay $0x1  }
0xcd: {  	(erf) = vpow2.f32 v1;
	_ =	sdelay $0x3  }
0xce: {  	v1 =	vld [tilespmem:s8+$0x70]  }
0xcf: {  	v2 =	vld [tilespmem:s8+$0x5070];
	_ =	sdelay $0x2  }
0xd0: {  	s11 =	sor.u32 $0x60, s9  }
0xd1: {  	p5 =	slt.u32 s11, $0x4E200;
	v3 =	vpop (erf)  }
0xd2: {  	v3 =	vpsel !p5, $0x0, v3  }
0xd3: {  	[tilespmem:s8+$0xEE80] =	vst v3  }
0xd4: {  	v1 =	vld.idx.msk [tilespmem:v1+s23+$0x0], $0xffff  }
0xd5: {  	v2 =	vld.idx.msk [tilespmem:v2+s24+$0x0], $0xffff;
	_ =	sdelay $0x4  }
0xd6: {  	v1 =	vadd.f32 v2, v1;
	_ =	sdelay $0x1  }
0xd7: {  	v2 =	vmul.f32 $2.000000030e-01, v1;
	_ =	sdelay $0x1  }
0xd8: {  	v1 =	vmax.f32 v1, v2  }
0xd9: {  	v1 =	vmul.f32 $1.442695020e+00, v1;
	_ =	sdelay $0x1  }
0xda: {  	(erf) = vpow2.f32 v1;
	_ =	sdelay $0x7  }
0xdb: {  	s9 =	sor.u32 $0x70, s9  }
0xdc: {  	p6 =	slt.u32 s9, $0x4E200;
	v1 =	vpop (erf)  }
0xdd: {  	v1 =	vpsel !p6, $0x0, v1  }
0xde: {  	[tilespmem:s8+$0xEE90] =	vst v1  }
0xdf: {  	_ =	swait.ge [sflag:s31], $0x800  }
0xe0: {  	p2 =	seq.s32 s7, $0x0;
	[sflag:s31] =	ssyncset.done $0x0  }
0xe1: {  	s9 =	simm.s32 @!p2 $0x2;
	[sflag:s31] =	ssyncadd.s32 $0xFFFFF800  }
0xe2: {  	p3 =	seq.s32 @!p2 s7, $0x9F;
	_ =	swait.ge @!p2 [sflag:s9], $0x1000  }
0xe3: {  	p3 =	por p2, !p3;
	[sflag:s9] =	ssyncset.done @!p2 $0x0  }
0xe4: {  	s13 =	simm.s32 $0x0;
	[sflag:s9] =	ssyncadd.s32 @!p2 $0xFFFFF000;
	s9 =	sadd.s32 @p3 $0x1, s7  }
0xe5: {  	v2 =	vmov s13;
	s10 =	sshll.u32 @p3 s9, $0xB  }
0xe6: {  	v2 =	vand.u32 $0x7F, v2;
	v1 =	vmov s8;
	s9 =	sshll.u32 @p3 s9, $0x7;
	s10 =	sand.u32 @p3 $0x800, s10  }
0xe7: {  	v2 =	vor.u32 v1, v2;
	s9 =	sand.u32 @p3 $0x3FFFFF80, s9;
	s10 =	sadd.s32 @p3 $0x13E20, s10  }
0xe8: {  	v2 =	vbroadcast v2, $0x0;
	[tilespmem:s10], [sflag:$0x1] =	stream.indirect.gather @p3 [spmem:s2], $0x10, s9, s29, $0xb8;
	[tilespmem:$0x1E850] =	vst v63  }
0xe9: {  	s9 =	simm.s32 $0x1  }
0xea: {  	s9 =	simm.s32 @!p1 $0x0  }
0xeb: {  	s14 =	sshll.u32 s9, $0xB  }
0xec: {  	s10 =	sadd.s32 $0x13E20, s14  }
0xed: {  	v3 =	vld [tilespmem:s10+$0x0]  }
0xee: {  	v2 =	vld.idx.msk [tilespmem:v2+s1+$0x0], $0xffff  }
0xef: {  	s11 =	simm.s32 $0x1  }
0xf0: {  	v4 =	vmov s11  }
0xf1: {  	v4 =	vand.u32 $0x7F, v4  }
0xf2: {  	v4 =	vor.u32 v1, v4;
	v5 =	vand.u32 $0xFFFF0000, v3  }
0xf3: {  	v4 =	vbroadcast v4, $0x0;
	s9 =	sshll.u32 s9, $0xC;
	v3 =	vshll.u32 v3, $0x10;
	v5 =	vmul.f32 v5, v2  }
0xf4: {  	s11 =	sor.u32 $0x14E30, s9;
	v2 =	vmul.f32 v3, v2  }
0xf5: {  	[tilespmem:s11+$0x0] =	vst v5  }
0xf6: {  	s13 =	sadd.s32 $0x10, s10;
	[tilespmem:s11+$0xFFFFFFF0] =	vst v2  }
0xf7: {  	v2 =	vld [tilespmem:s13+$0x0];
	_ =	sdelay $0x1  }
0xf8: {  	s14 =	simm.s32 $0x2;
	s9 =	sadd.s32 $0x5000, s8;
	v3 =	vld.idx.msk [tilespmem:v4+s1+$0x0], $0xffff  }
0xf9: {  	s8 =	sadd.s32 $0xEE20, s8;
	s10 =	sand.u32 $0x1, s7;
	v4 =	vmov s14;
	s14 =	simm.s32 $0x3  }
.LBB2_5:
0xfa: {  	p2 =	sne.s32 s14, $0x7F;
	v4 =	vand.u32 $0x7F, v4  }
0xfb: {  	v4 =	vor.u32 v1, v4;
	v5 =	vshll.u32 v2, $0x10  }
0xfc: {  	v2 =	vand.u32 $0xFFFF0000, v2;
	v4 =	vbroadcast v4, $0x0  }
0xfd: {  	v5 =	vmul.f32 v5, v3;
	v2 =	vmul.f32 v2, v3  }
0xfe: {  	s11 =	sadd.s32 $0x20, s11  }
0xff: {  	[tilespmem:s11+$0x0] =	vst v2  }
.Ltmp1:
0x100: {  	s13 =	sadd.s32 $0x10, s13;
	[tilespmem:s11+$0xFFFFFFF0] =	vst v5;
	(pc) =	sbr.rel @p2 .LBB2_5-.Ltmp1, $3  }
0x101: {  	v2 =	vld [tilespmem:s13+$0x0]  }
0x102: {  	v3 =	vld.idx.msk [tilespmem:v4+s1+$0x0], $0xffff;
	_ =	sdelay $0x1  }
0x103: {  	v4 =	vmov s14;
	s14 =	sadd.s32 $0x1, s14  }
0x104: {  	v4 =	vand.u32 $0x7F, v4  }
0x105: {  	v1 =	vor.u32 v1, v4  }
0x106: {  	v63 =	vand.u32 $0xFFFF0000, v2;
	v1 =	vbroadcast v1, $0x0  }
0x107: {  	v2 =	vshll.u32 v2, $0x10;
	v4 =	vmul.f32 v63, v3  }
0x108: {  	s11 =	sadd.s32 $0x20, s11;
	v2 =	vmul.f32 v2, v3  }
0x109: {  	[tilespmem:s11+$0x0] =	vst v4  }
0x10a: {  	s13 =	sadd.s32 $0x10, s13;
	[tilespmem:s11+$0xFFFFFFF0] =	vst v2  }
0x10b: {  	v2 =	vld [tilespmem:s13+$0x0]  }
0x10c: {  	v1 =	vld.idx.msk [tilespmem:v1+s1+$0x0], $0xffff;
	_ =	sdelay $0x3  }
0x10d: {  	v3 =	vand.u32 $0xFFFF0000, v2  }
0x10e: {  	v2 =	vshll.u32 v2, $0x10;
	v3 =	vmul.f32 v3, v1  }
0x10f: {  	s11 =	sadd.s32 $0x20, s11;
	v1 =	vmul.f32 v2, v1  }
0x110: {  	s10 =	sshll.u32 s10, $0xC;
	[tilespmem:s11+$0x0] =	vst v3  }
0x111: {  	s10 =	sor.u32 $0x14E20, s10;
	[tilespmem:s11+$0xFFFFFFF0] =	vst v1  }
0x112: {  	[spmem:s3] =	stream.indirect.scatter.add.f32 [tilespmem:s10], [sflag:$0x2], $0x20, s9, s29, $0xb8;
	[tilespmem:$0x1E850] =	vst v63  }
0x113: {  	p2 =	sgt.u32 s7, $0x4F;
	s11 =	simm.s32 $0x1;
	s10 =	simm.s32 $0x1  }
0x114: {  	s11 =	simm.s32 @!p0 $0x0;
	s10 =	simm.s32 @!p2 $0x0  }
0x115: {  	p2 =	seq.s32 s11, s10  }
0x116: {  	s7 =	sadd.s32 $0x1, s7;
	s10 =	simm.s32 @!p2 $0x80  }
0x117: {  	[spmem:s4] =	stream.indirect.scatter.add.f32 @!p2 [tilespmem:s8], [sflag:$0x3], $0x1, s9, s10, $0xb8;
	[tilespmem:$0x1E850] =	vst v63  }
0x118: {  	p2 =	sne.s32 s7, $0xA0  }
.Ltmp2:
0x119: {  	_ = 	snop;
	(pc) =	sbr.rel @p2 .LBB2_4-.Ltmp2, $2  }
0x11a: {  	_ =	sdelay $0x2  }
0x11b: {  	p1 =	por !p1, !p1  }
0x11c: {  	_ =	swait.ge [sflag:s22], $0x1000  }
0x11d: {  	[sflag:s22] =	ssyncset.done $0x0  }
0x11e: {  	[sflag:s22] =	ssyncadd.s32 $0xFFFFF000  }
0x11f: {  	_ =	swait.ge [sflag:s28], $0x80  }
0x120: {  	s7 =	simm.s32 $0x4F;
	[sflag:s28] =	ssyncset.done $0x0  }
.LBB2_8:
0x121: {  	p1 =	sne.s32 s7, $0x1;
	s7 =	sadd.s32 $0xFFFFFFFF, s7;
	[sflag:s28] =	ssyncadd.s32 $0xFFFFFF80  }
.Ltmp3:
0x122: {  	(pc) =	sbr.rel @p1 .LBB2_8-.Ltmp3, $3  }
0x123: {  	_ =	sdelay $0x1  }
0x124: {  	_ =	swait.ge [sflag:s28], $0x80  }
0x125: {  	[sflag:s28] =	ssyncset.done $0x0  }
0x126: {  	[sflag:s28] =	ssyncadd.s32 $0xFFFFFF80  }
0x127: {  	s7 =	sshrl.u32 s12, $0x3;
	[bflag:$0x0] =	sbarrier.arrive $0xFFFF  }
0x128: {  	[hbm:s18], [sflag:s0] =	dma.local [spmem:s7], $0x9C4  }
0x129: {  	s30 =	sadd.s32 $0x1, s30;
	_ =	swait.ge [sflag:s21], $0x9C4  }
0x12a: {  	p1 =	sne.s32 s30, s20;
	[sflag:s21] =	ssyncset.done $0x0  }
.Ltmp4:
0x12b: {  	s14 =	sshrl.u32 s17, $0x3;
	[sflag:s21] =	ssyncadd.s32 $0xFFFFF63C;
	(pc) =	sbr.rel @p1 .LBB2_1-.Ltmp4, $4  }
0x12c: {  	[hbm:s19], [sflag:s0] =	dma.local [spmem:s14], $0x50  }
0x12d: {  	_ =	swait.ge [sflag:s21], $0x50  }
0x12e: {  	[sflag:s21] =	ssyncset.done $0x0  }
0x12f: {  	[sflag:s21] =	ssyncadd.s32 $0xFFFFFFB0  }
0x130: {  	_ =	sfence.sel $0x180000  }
0x131: {  	[bflag:$0x0] =	sbarrier.arrive $0xFFFF  }
0x132: {  	_ =	strace $0x9000004A  }
0x133: {  	s0 =	stileid.u32;
	[bflag:$0x2] =	sbarrier.arrive $0xFFFF  }
0x134: {  	p0 =	sne.s32 s0, $0x0;
	s0 =	rddreg [dreg:$0x4]  }
0x135: {  	s0 =	sadd.s32 @!p0 $0x100000, s0  }
0x136: {  	[sflag:s0] =	ssyncadd.tile.s32 @!p0 $0x1;
	_ =	shalt  }
.Lfunc_end2:
_tile_overlayer_lowered:
.L_overlay_start_2:
0x137: {  	(tag) =	ssettag $0x2  }
0x138: {  	s0 =	rddreg [dreg:$0x0];
	s2 =	stileid.u32  }
0x139: {  	s1 =	rddreg [dreg:$0x1];
	p0 =	sne.s32 s2, $0x0  }
0x13a: {  	s3 =	rddreg [dreg:$0x2];
	[bflag:$0x3] =	sbarrier.arrive $0xFFFF;
	s2 =	simm.s32 @!p0 $0x1C04  }
0x13b: {  	[timem:s3], [sflag:s2] =	dma.local @!p0 [hbm:s0], s1  }
0x13c: {  	s0 =	simm.s32 @!p0 $0x4  }
0x13d: {  	_ =	swait.ge @!p0 [sflag:s0], s1  }
0x13e: {  	s1 =	ssub.s32 @!p0 $0x0, s1;
	[sflag:s0] =	ssyncset.done @!p0 $0x0  }
0x13f: {  	[sflag:s0] =	ssyncadd.s32 @!p0 s1  }
0x140: {  	[bflag:$0x3] =	sbarrier.arrive $0xFFFF  }
0x141: {  	_ =	shalt  }

// kernel: kernel.7.cloned.1.call-start
scs
__scs_entry_jumppad:
0x0: {  	(pc) =	sbr.rel $0x88, $3  }
0x1: {  	(tag) =	ssettag $0x0;
	lr =	simm.s32 $0x1  }
0x2: {  	[smem:$0x3F93] =	sst lr;
	_ =	strace $0xD0000000  }
0x3: {  	_ = 	snop  }
0x4: {  	_ = 	snop  }
0x5: {  	_ = 	snop  }
0x6: {  	_ = 	snop  }
0x7: {  	_ = 	snop  }
__scs_overlays_trampoline_lowered:
0x8: {  	[smem:$0x3FA2] =	sst s0  }
0x9: {  	[smem:$0x3FA3] =	sst s1  }
0xa: {  	[smem:$0x3FA4] =	sst s2  }
0xb: {  	[smem:$0x3FA5] =	sst s3  }
0xc: {  	[smem:$0x3FA6] =	sst s4  }
0xd: {  	[smem:$0x3FA7] =	sst s5  }
0xe: {  	[smem:$0x3FA8] =	sst s6  }
0xf: {  	[smem:$0x3FA9] =	sst s7  }
0x10: {  	[smem:$0x3FAA] =	sst s8  }
0x11: {  	[smem:$0x3FAB] =	sst s9;
	s0 =	simm.s32 @!p0 $0x0  }
0x12: {  	s1 =	sld [smem:$0x3F91];
	s0 =	simm.s32 @p0 $0x1  }
0x13: {  	[smem:$0x3FAC] =	sst s0;
	s0 =	simm.s32 @!p1 $0x0  }
0x14: {  	s2 =	sld [smem:$0x3F90];
	s0 =	simm.s32 @p1 $0x1  }
0x15: {  	[smem:$0x3FAD] =	sst s0;
	s0 =	simm.s32 @!p2 $0x0  }
0x16: {  	s3 =	sld [smem:$0x3FDB];
	s0 =	simm.s32 @p2 $0x1  }
0x17: {  	s4 =	simm.s32 $0x1BF5;
	[smem:$0x3FAF] =	sst s0  }
0x18: {  	s0 =	sld [smem:$0x3F92];
	_ =	swait.ge [sflag:s4], $0x0  }
0x19: {  	s7 =	sld [smem:$0x3F93]  }
0x1a: {  	s8 =	sadd.s32 $0xFFFFE003, lr  }
0x1b: {  	s9 =	sadd.s32 $0xFFFFFEF7, lr;
	s5 =	simm.s32 $0xFFFFFFFF;
	p2 =	slt.u32 s8, $0xFFFFF086  }
0x1c: {  	p1 =	slt.u32 s9, $0xF7A;
	s5 =	simm.s32 @!p2 $0x0  }
0x1d: {  	s5 =	simm.s32 @p1 $0x1;
	p0 =	seq.s32 s7, s2  }
0x1e: {  	s7 =	smul.u32 @!p0 $0xF7A, s2;
	p2 =	seq.s32 @!p0 s5, $0x0  }
0x1f: {  	s9 =	smul.u32 $0xF7A, s1;
	s8 =	simm.s32 @!p0 $0x1BF5;
	p2 =	por !p2, p0  }
0x20: {  	[sflag:s8] =	ssyncset.s32 @!p0 $0xFFFFF086;
	s6 =	sadd.s32 @!p0 s3, s7;
	s7 =	simm.s32 @!p0 $0x108  }
0x21: {  	s3 =	sadd.s32 s3, s9;
	s6 =	sadd.s32 @!p0 $0x88, s6;
	s7 =	simm.s32 @p2 $0x1082  }
0x22: {  	[simem:s7], [sflag:s8] =	dma.local @!p0 [hbm:s6], $0xF7A  }
0x23: {  	s9 =	sor.u32 $0xD0000000, s2;
	s6 =	simm.s32 $0x108;
	_ =	swait.ge @!p0 [sflag:s8], $0x0  }
0x24: {  	s3 =	sadd.s32 $0x88, s3;
	s6 =	simm.s32 @!p1 $0x1082;
	[sflag:s4] =	ssyncset.s32 $0xFFFFF086  }
0x25: {  	[simem:s6], [sflag:s4] =	dma.local [hbm:s3], $0xF7A  }
0x26: {  	[smem:$0x3F93] =	sst s1;
	(tag) =	ssettag s2;
	_ =	strace s9  }
0x27: {  	s1 =	sld [smem:$0x3FA3]  }
0x28: {  	s2 =	sld [smem:$0x3FA4]  }
0x29: {  	s4 =	sld [smem:$0x3FA6]  }
0x2a: {  	p0 =	seq.s32 s5, $0x0;
	s5 =	sld [smem:$0x3FA7]  }
0x2b: {  	s6 =	sld [smem:$0x3FA8]  }
0x2c: {  	s7 =	sld [smem:$0x3FA9]  }
0x2d: {  	s3 =	simm.s32 $0x108;
	s8 =	sld [smem:$0x3FAA]  }
0x2e: {  	s3 =	simm.s32 @!p0 $0x1082;
	s9 =	sld [smem:$0x3FAB]  }
0x2f: {  	lr =	sadd.s32 s0, s3;
	s0 =	sld [smem:$0x3FA2]  }
0x30: {  	s3 =	sld [smem:$0x3FA5]  }
0x31: {  	[smem:$0x3FAE] =	sst s10  }
0x32: {  	s10 =	sld [smem:$0x3FAC];
	_ =	sdelay $0x3  }
0x33: {  	p0 =	seq.s32 s10, $0x1;
	s10 =	sld [smem:$0x3FAE];
	_ =	sdelay $0x3  }
0x34: {  	[smem:$0x3FAE] =	sst s10  }
0x35: {  	s10 =	sld [smem:$0x3FAD];
	_ =	sdelay $0x3  }
0x36: {  	p1 =	seq.s32 s10, $0x1;
	s10 =	sld [smem:$0x3FAE];
	_ =	sdelay $0x3  }
0x37: {  	[smem:$0x3FAE] =	sst s10  }
0x38: {  	s10 =	sld [smem:$0x3FAF]  }
0x39: {  	_ = 	snop;
	(pc) =	sbr.ind lr, $3  }
0x3a: {  	_ = 	snop  }
0x3b: {  	_ = 	snop  }
0x3c: {  	p2 =	seq.s32 s10, $0x1;
	s10 =	sld [smem:$0x3FAE]  }
0x3d: {  	_ =	shalt  }
0x3e: {  	_ =	shalt  }
0x3f: {  	_ =	shalt  }
0x40: {  	_ =	shalt  }
0x41: {  	_ =	shalt  }
0x42: {  	_ =	shalt  }
0x43: {  	_ =	shalt  }
0x44: {  	_ =	shalt  }
0x45: {  	_ =	shalt  }
0x46: {  	_ =	shalt  }
0x47: {  	_ =	shalt  }
0x48: {  	_ =	shalt  }
0x49: {  	_ =	shalt  }
0x4a: {  	_ =	shalt  }
0x4b: {  	_ =	shalt  }
0x4c: {  	_ =	shalt  }
0x4d: {  	_ =	shalt  }
0x4e: {  	_ =	shalt  }
0x4f: {  	_ =	shalt  }
0x50: {  	_ =	shalt  }
0x51: {  	_ =	shalt  }
0x52: {  	_ =	shalt  }
0x53: {  	_ =	shalt  }
0x54: {  	_ =	shalt  }
0x55: {  	_ =	shalt  }
0x56: {  	_ =	shalt  }
0x57: {  	_ =	shalt  }
0x58: {  	_ =	shalt  }
0x59: {  	_ =	shalt  }
0x5a: {  	_ =	shalt  }
0x5b: {  	_ =	shalt  }
0x5c: {  	_ =	shalt  }
0x5d: {  	_ =	shalt  }
0x5e: {  	_ =	shalt  }
0x5f: {  	_ =	shalt  }
0x60: {  	_ =	shalt  }
0x61: {  	_ =	shalt  }
0x62: {  	_ =	shalt  }
0x63: {  	_ =	shalt  }
0x64: {  	_ =	shalt  }
0x65: {  	_ =	shalt  }
0x66: {  	_ =	shalt  }
0x67: {  	_ =	shalt  }
0x68: {  	_ =	shalt  }
0x69: {  	_ =	shalt  }
0x6a: {  	_ =	shalt  }
0x6b: {  	_ =	shalt  }
0x6c: {  	_ =	shalt  }
0x6d: {  	_ =	shalt  }
0x6e: {  	_ =	shalt  }
0x6f: {  	_ =	shalt  }
0x70: {  	_ =	shalt  }
0x71: {  	_ =	shalt  }
0x72: {  	_ =	shalt  }
0x73: {  	_ =	shalt  }
0x74: {  	_ =	shalt  }
0x75: {  	_ =	shalt  }
0x76: {  	_ =	shalt  }
0x77: {  	_ =	shalt  }
0x78: {  	_ =	shalt  }
0x79: {  	_ =	shalt  }
0x7a: {  	_ =	shalt  }
0x7b: {  	_ =	shalt  }
0x7c: {  	_ =	shalt  }
0x7d: {  	_ =	shalt  }
0x7e: {  	_ =	shalt  }
0x7f: {  	_ =	shalt  }
0x80: {  	_ =	shalt  }
0x81: {  	_ =	shalt  }
0x82: {  	_ =	shalt  }
0x83: {  	_ =	shalt  }
0x84: {  	_ =	shalt  }
0x85: {  	_ =	shalt  }
0x86: {  	_ =	shalt  }
0x87: {  	_ =	shalt  }
.Lfunc_end0:
.L_simem_size_0:
called_computation_lowered:
.L_overlay_start_0:
0x88: {  	s2 =	sld [smem:$0x3FD9]  }
0x89: {  	s3 =	sld [smem:$0x3FFE];
	_ =	sdelay $0x1  }
0x8a: {  	s1 =	srdreg.scid  }
0x8b: {  	s0 =	sand.u32 $0x1, s1  }
0x8c: {  	s16 =	sshll.u32 s0, $0xA;
	s2 =	sadd.s32 s3, s2  }
0x8d: {  	s2 =	sadd.s32 s2, s16  }
0x8e: {  	[smem:$0x3FBA] =	sst s2  }
0x8f: {  	_ = 	snop  }
0x90: {  	(tm) =	ssettm $0x1  }
0x91: {  	s17 =	sld [smem:$0x3FFB];
	_ =	sdelay $0x3  }
0x92: {  	_ =	strace s17  }
0x93: {  	s2 =	sld [smem:$0x3FFC];
	_ =	sdelay $0x3  }
0x94: {  	_ =	strace s2  }
0x95: {  	s2 =	sld [smem:$0x3FFD];
	_ =	sdelay $0x3  }
0x96: {  	_ =	strace s2  }
0x97: {  	_ =	strace $0x8FFFFFFF  }
0x98: {  	s18 =	sld [smem:$0x3FDB];
	_ =	sdelay $0x1  }
0x99: {  	s19 =	simm.s32 $_scs_section_size  }
0x9a: {  	s4 =	simm.s32 $_size__tile_overlayer_lowered;
	s5 =	simm.s32 $_tile_overlayer_lowered  }
0x9b: {  	s22 =	simm.s32 $0x1BFF;
	s21 =	sshll.u32 s5, $0x1;
	s2 =	sadd.s32 s19, s18  }
0x9c: {  	s6 =	simm.s32 $0x0;
	s20 =	sshll.u32 s4, $0x1;
	s4 =	sadd.s32 s21, s2  }
0x9d: {  	[timem:s6], [sflag:s22] =	dma.local [hbm:s4], s20  }
0x9e: {  	_ =	swait.ge [sflag:s22], s20  }
0x9f: {  	s3 =	ssub.s32 $0x0, s20;
	[sflag:s22] =	ssyncset.done $0x0  }
0xa0: {  	[sflag:s22] =	ssyncadd.s32 s3;
	_ =	sdelay $0x1  }
0xa1: {  	s23 =	simm.s32 $0x1B8B  }
0xa2: {  	_ =	swait.ge [sflag:s23], $0x1  }
0xa3: {  	[sflag:s23] =	ssyncset.done $0x0  }
0xa4: {  	s25 =	simm.s32 $0x1B8E;
	s24 =	sld [smem:$0x3FFE];
	[sflag:s23] =	ssyncadd.s32 $0xFFFFFFFF  }
0xa5: {  	s26 =	simm.s32 $execute0_lowered;
	[smem:$0x3FD2] =	sst s25  }
0xa6: {  	s4 =	sshll.u32 s26, $0x1;
	_ =	strace $0x80000046;
	[dreg:$0x1] =	wrdreg $0xFFFFFFFF  }
0xa7: {  	s28 =	simm.s32 $_size_execute0_lowered;
	s2 =	sadd.s32 s2, s4;
	[dreg:$0x0] =	wrdreg $0x0  }
0xa8: {  	s4 =	sshll.u32 s28, $0x1;
	[dreg:$0x2] =	wrdreg s2  }
0xa9: {  	[dreg:$0x3] =	wrdreg s4  }
0xaa: {  	[dreg:$0x4] =	wrdreg $0xC0  }
0xab: {  	_ =	task [dreg:s6], $0x5FFFF  }
0xac: {  	[dreg:$0x1] =	wrdreg $0xFFFFFFFF  }
0xad: {  	[dreg:$0x0] =	wrdreg $0x60  }
0xae: {  	[dreg:$0x2] =	wrdreg s24  }
0xaf: {  	[dreg:$0x3] =	wrdreg $0x170A00  }
0xb0: {  	[dreg:$0x4] =	wrdreg $0x197B00  }
0xb1: {  	[dreg:$0x5] =	wrdreg $0x1E5D00  }
0xb2: {  	[dreg:$0x6] =	wrdreg $0x9  }
0xb3: {  	_ =	task.clear_ibuf [dreg:s6], $0x7FFFF;
	_ =	strace $0x90000046  }
0xb4: {  	s29 =	simm.s32 $0x9;
	_ =	strace $0x80000048  }
0xb5: {  	_ =	swait.ge [sflag:s29], $0x1  }
0xb6: {  	[sflag:s29] =	ssyncadd.s32 $0xFFFFFFFF  }
0xb7: {  	_ =	strace $0x90000048  }
0xb8: {  	_ =	sfence  }
0xb9: {  	s30 =	sld [smem:$0x0];
	_ =	sdelay $0x2  }
0xba: {  	s31 =	sshll.u32 s1, $0xD;
	s1 =	sshrl.u32 s1, $0x2  }
0xbb: {  	s3 =	sand.u32 $0x4000, s31;
	s1 =	sadd.s32 s1, s30  }
0xbc: {  	s0 =	sor.u32 s3, s0;
	s1 =	sshll.u32 s1, $0x11  }
0xbd: {  	s0 =	sor.u32 s1, s0  }
0xbe: {  	s0 =	sadd.s32 $0x8F2B, s0  }
0xbf: {  	[sflag:s0] =	ssyncadd.remote.s32 $0x1  }
0xc0: {  	_ =	sfence.sel $0xFFFF  }
0xc1: {  	[dreg:$0x0] =	wrdreg $0xFFFFFFFF;
	(pc) =	sbr.abs _section_cstart, $3  }
0xc2: {  	[dreg:$0x1] =	wrdreg $0xFFFFFFFF  }
0xc3: {  	_ =	task.clear_ibuf [dreg:s6], $0x2FFFF;
	_ =	strace $0x9FFFFFFF  }
0xc4: {  	(tm) =	ssettm $0x7FFFFFFF  }
0xc5: {  	_ =	shalt  }
tec
execute0_lowered:
.L_overlay_start_1:
0x0: {  	(tag) =	ssettag $0x1  }
0x1: {  	s0 =	rddreg [dreg:$0x0]  }
0x2: {  	s2 =	rddreg [dreg:$0x1]  }
0x3: {  	s1 =	srdreg.scid;
	s3 =	rddreg [dreg:$0x2]  }
0x4: {  	s15 =	stileid.u32;
	s4 =	rddreg [dreg:$0x3]  }
0x5: {  	s5 =	simm.s32 $0x0;
	s29 =	simm.s32 $0x80;
	s31 =	simm.s32 $0x1  }
0x6: {  	s28 =	simm.s32 $0x3;
	s30 =	simm.s32 $0x0;
	s7 =	smul.u32 $0x4E20, s15  }
0x7: {  	s1 =	sand.u32 $0x1, s1;
	[smem:$0x7FF] =	sst s5;
	s10 =	smul.u32 $0x280, s15  }
0x8: {  	s11 =	sadd.s32 $0x2E00, s0;
	s13 =	sadd.s32 $0x2800, s0;
	s6 =	smul.u32 $0x4E200, s1  }
0x9: {  	_ =	strace $0x80000047;
	[dreg:$0x5] =	wrdreg s11;
	s12 =	smul.u32 $0x2800, s1  }
0xa: {  	[dreg:$0x6] =	wrdreg s13;
	s20 =	ssub.s32 $0x2, s1;
	p0 =	seq.s32 s1, $0x0  }
0xb: {  	s1 =	simm.s32 $0xEE20;
	s14 =	sshrl.u32 s20, $0x1;
	s22 =	sshrl.u32 s7, $0x1  }
0xc: {  	s17 =	sadd.s32 s10, s4;
	s8 =	sadd.s32 s7, s6;
	s6 =	smul.u32 $0x5000, s15  }
0xd: {  	s12 =	sadd.s32 s10, s12;
	s15 =	smul.u32 $0x13880, s15;
	s13 =	ssub.s32 s20, s14  }
0xe: {  	s9 =	sshrl.u32 s8, $0x4;
	s8 =	sshrl.u32 s8, $0x3;
	s12 =	sshrl.u32 s12, $0x3  }
0xf: {  	s20 =	smax.u32 s13, $0x1;
	s9 =	sadd.s32 s9, s0;
	s19 =	sshrl.u32 s6, $0x3  }
0x10: {  	s8 =	sadd.s32 s8, s0;
	s23 =	sshrl.u32 s15, $0x2;
	s11 =	sadd.s32 s19, s0  }
0x11: {  	s0 =	sadd.s32 s12, s0;
	s9 =	sadd.s32 $0x9FC00, s9;
	s24 =	sadd.s32 s23, s3  }
0x12: {  	s12 =	sadd.s32 s7, s3;
	s18 =	sadd.s32 $0xBE400, s8;
	s23 =	simm.s32 $0xA000  }
0x13: {  	s21 =	sadd.s32 $0xB3A00, s11;
	s11 =	sadd.s32 $0xA9A00, s11;
	[dreg:$0x9] =	wrdreg s9  }
0x14: {  	s25 =	sadd.s32 $0xFA0, s24;
	s26 =	sadd.s32 $0x1F40, s24;
	[dreg:$0x7] =	wrdreg s21  }
0x15: {  	s15 =	sadd.s32 $0x2EE0, s24;
	s16 =	sadd.s32 $0x3E80, s24;
	[dreg:$0x8] =	wrdreg s11  }
0x16: {  	s19 =	sadd.s32 $0xBDA00, s0;
	s24 =	simm.s32 $0xC710;
	[dreg:$0xa] =	wrdreg s25  }
0x17: {  	s11 =	sadd.s32 s22, s2;
	[dreg:$0xb] =	wrdreg s26;
	s21 =	simm.s32 $0x4  }
0x18: {  	v0 =	vimm.f32 $0.0e+00;
	s26 =	simm.s32 $0x14E20;
	s22 =	simm.s32 $0x2;
	s25 =	sshrl.u32 s11, $0x3  }
.LBB2_1:
0x19: {  	s0 =	rddreg [dreg:$0x7]  }
0x1a: {  	[tilespmem:s5], [sflag:$0x4] =	stream.linear.gather [hbm4b:s0+s5], $0x5000, $0x38;
	[tilespmem:$0x1E850] =	vst v63  }
0x1b: {  	_ =	swait.ge [sflag:s21], $0x5000  }
0x1c: {  	[sflag:s21] =	ssyncset.done $0x0  }
0x1d: {  	s7 =	simm.s32 $0x5000;
	s9 =	rddreg [dreg:$0x8];
	[sflag:s21] =	ssyncadd.s32 $0xFFFFB000  }
0x1e: {  	[tilespmem:s7], [sflag:$0x4] =	stream.linear.gather [hbm4b:s9+s5], $0x5000, $0x38;
	[tilespmem:$0x1E850] =	vst v63  }
0x1f: {  	_ =	swait.ge [sflag:s21], $0x5000  }
0x20: {  	[sflag:s21] =	ssyncset.done $0x0  }
0x21: {  	s10 =	rddreg [dreg:$0x5];
	[sflag:s21] =	ssyncadd.s32 $0xFFFFB000  }
0x22: {  	[tilespmem:s23], [sflag:$0x4] =	stream.linear.gather [hbm4b:s10+s5], $0x2710, $0x38;
	[tilespmem:$0x1E850] =	vst v63  }
0x23: {  	_ =	swait.ge [sflag:s21], $0x2710  }
0x24: {  	[sflag:s21] =	ssyncset.done $0x0  }
0x25: {  	s11 =	rddreg [dreg:$0x6];
	[sflag:s21] =	ssyncadd.s32 $0xFFFFD8F0  }
0x26: {  	[tilespmem:s24], [sflag:$0x4] =	stream.linear.gather [hbm4b:s11+s5], $0x2710, $0x38;
	[tilespmem:$0x1E850] =	vst v63  }
0x27: {  	s13 =	stileid.u32;
	_ =	swait.ge [sflag:s21], $0x2710  }
0x28: {  	s0 =	sshll.u32 s13, $0x6;
	[sflag:s21] =	ssyncset.done $0x0  }
0x29: {  	s0 =	sor.u32 $0x1C04, s0;
	s14 =	rddreg [dreg:$0x9];
	[sflag:s21] =	ssyncadd.s32 $0xFFFFD8F0  }
0x2a: {  	[spmem:s25], [sflag:s0] =	dma.local [hbm:s14], $0x4E2  }
0x2b: {  	_ =	swait.ge [sflag:s21], $0x4E2  }
0x2c: {  	[sflag:s21] =	ssyncset.done $0x0  }
0x2d: {  	s8 =	simm.s32 $0x0;
	s7 =	simm.s32 $0x80;
	[sflag:s21] =	ssyncadd.s32 $0xFFFFFB1E  }
.LBB2_2:
0x2e: {  	p1 =	sne.s32 s7, $0x3F80;
	[tilespmem:s8+$0x14E20] =	vst v0;
	s9 =	smov.u32 s7;
	s7 =	sadd.s32 $0x80, s7  }
.Ltmp0:
0x2f: {  	[tilespmem:s8+$0x14E30] =	vst v0;
	(pc) =	sbr.rel @p1 .LBB2_2-.Ltmp0, $2  }
0x30: {  	_ =	sdelay $0x2  }
0x31: {  	s8 =	sshra.s32 s9, $0x2  }
0x32: {  	[tilespmem:s8+$0x14E20] =	vst v0  }
0x33: {  	[tilespmem:s8+$0x14E30] =	vst v0  }
0x34: {  	[spmem:s12] =	stream.linear.scatter [tilespmem:s26], [sflag:$0x4], $0xFA0, $0x38;
	[tilespmem:$0x1E850] =	vst v63  }
0x35: {  	_ =	swait.ge [sflag:s21], $0xFA0  }
0x36: {  	[sflag:s21] =	ssyncset.done $0x0  }
0x37: {  	s7 =	rddreg [dreg:$0xa];
	[sflag:s21] =	ssyncadd.s32 $0xFFFFF060  }
0x38: {  	[spmem:s7] =	stream.linear.scatter [tilespmem:s26], [sflag:$0x4], $0xFA0, $0x38;
	[tilespmem:$0x1E850] =	vst v63  }
0x39: {  	_ =	swait.ge [sflag:s21], $0xFA0  }
0x3a: {  	[sflag:s21] =	ssyncset.done $0x0  }
0x3b: {  	s11 =	rddreg [dreg:$0xb];
	[sflag:s21] =	ssyncadd.s32 $0xFFFFF060  }
0x3c: {  	[spmem:s11] =	stream.linear.scatter [tilespmem:s26], [sflag:$0x4], $0xFA0, $0x38;
	[tilespmem:$0x1E850] =	vst v63  }
0x3d: {  	_ =	swait.ge [sflag:s21], $0xFA0  }
0x3e: {  	[sflag:s21] =	ssyncset.done $0x0  }
0x3f: {  	[sflag:s21] =	ssyncadd.s32 $0xFFFFF060  }
0x40: {  	[spmem:s15] =	stream.linear.scatter [tilespmem:s26], [sflag:$0x4], $0xFA0, $0x38;
	[tilespmem:$0x1E850] =	vst v63  }
0x41: {  	_ =	swait.ge [sflag:s21], $0xFA0  }
0x42: {  	[sflag:s21] =	ssyncset.done $0x0  }
0x43: {  	[sflag:s21] =	ssyncadd.s32 $0xFFFFF060  }
0x44: {  	[spmem:s16] =	stream.linear.scatter [tilespmem:s26], [sflag:$0x4], $0xFA0, $0x38;
	[tilespmem:$0x1E850] =	vst v63  }
0x45: {  	_ =	swait.ge [sflag:s21], $0xFA0  }
0x46: {  	[sflag:s21] =	ssyncset.done $0x0  }
0x47: {  	[sflag:s21] =	ssyncadd.s32 $0xFFFFF060  }
0x48: {  	[tilespmem:$0x16E20] =	vst v0  }
0x49: {  	[tilespmem:$0x16E30] =	vst v0  }
0x4a: {  	[tilespmem:$0x16E40] =	vst v0  }
0x4b: {  	[tilespmem:$0x16E50] =	vst v0  }
0x4c: {  	[tilespmem:$0x16E60] =	vst v0  }
0x4d: {  	[tilespmem:$0x16E70] =	vst v0  }
0x4e: {  	[tilespmem:$0x16E80] =	vst v0  }
0x4f: {  	[tilespmem:$0x16E90] =	vst v0  }
0x50: {  	[tilespmem:$0x16EA0] =	vst v0  }
0x51: {  	[tilespmem:$0x16EB0] =	vst v0  }
0x52: {  	[tilespmem:$0x16EC0] =	vst v0  }
0x53: {  	[tilespmem:$0x16ED0] =	vst v0  }
0x54: {  	[tilespmem:$0x16EE0] =	vst v0  }
0x55: {  	[tilespmem:$0x16EF0] =	vst v0  }
0x56: {  	[tilespmem:$0x16F00] =	vst v0  }
0x57: {  	[tilespmem:$0x16F10] =	vst v0  }
0x58: {  	[tilespmem:$0x16F20] =	vst v0  }
0x59: {  	[tilespmem:$0x16F30] =	vst v0  }
0x5a: {  	[tilespmem:$0x16F40] =	vst v0  }
0x5b: {  	[tilespmem:$0x16F50] =	vst v0  }
0x5c: {  	[tilespmem:$0x16F60] =	vst v0  }
0x5d: {  	[tilespmem:$0x16F70] =	vst v0  }
0x5e: {  	[tilespmem:$0x16F80] =	vst v0  }
0x5f: {  	[tilespmem:$0x16F90] =	vst v0  }
0x60: {  	[tilespmem:$0x16FA0] =	vst v0  }
0x61: {  	[tilespmem:$0x16FB0] =	vst v0  }
0x62: {  	[tilespmem:$0x16FC0] =	vst v0  }
0x63: {  	[tilespmem:$0x16FD0] =	vst v0  }
0x64: {  	[tilespmem:$0x16FE0] =	vst v0  }
0x65: {  	[tilespmem:$0x16FF0] =	vst v0  }
0x66: {  	[tilespmem:$0x17000] =	vst v0  }
0x67: {  	[tilespmem:$0x17010] =	vst v0  }
0x68: {  	[tilespmem:$0x17020] =	vst v0  }
0x69: {  	[tilespmem:$0x17030] =	vst v0  }
0x6a: {  	[tilespmem:$0x17040] =	vst v0  }
0x6b: {  	[tilespmem:$0x17050] =	vst v0  }
0x6c: {  	[tilespmem:$0x17060] =	vst v0  }
0x6d: {  	[tilespmem:$0x17070] =	vst v0  }
0x6e: {  	[tilespmem:$0x17080] =	vst v0  }
0x6f: {  	s13 =	simm.s32 $0x16E20;
	[tilespmem:$0x17090] =	vst v0  }
0x70: {  	[spmem:s17] =	stream.linear.scatter [tilespmem:s13], [sflag:$0x4], $0x280, $0x38;
	[tilespmem:$0x1E850] =	vst v63  }
0x71: {  	_ =	swait.ge [sflag:s21], $0x280  }
0x72: {  	[sflag:s21] =	ssyncset.done $0x0  }
0x73: {  	s14 =	simm.s32 $0x13E20;
	[sflag:s21] =	ssyncadd.s32 $0xFFFFFD80  }
0x74: {  	p1 =	por $0x0, $0x0;
	s7 =	simm.s32 $0x0;
	[bflag:$0x0] =	sbarrier.arrive $0xFFFF  }
0x75: {  	[tilespmem:s14], [sflag:$0x1] =	stream.indirect.gather [spmem:s2], $0x10, s7, s29, $0xb8;
	[tilespmem:$0x1E850] =	vst v63  }
.LBB2_4:
0x76: {  	s8 =	sshll.u32 s7, $0x7  }
0x77: {  	v1 =	vld [tilespmem:s8+$0x0]  }
0x78: {  	v2 =	vld [tilespmem:s8+$0x5000];
	_ =	sdelay $0x6  }
0x79: {  	v1 =	vld.idx.msk [tilespmem:v1+s23+$0x0], $0xffff  }
0x7a: {  	v2 =	vld.idx.msk [tilespmem:v2+s24+$0x0], $0xffff;
	_ =	sdelay $0x4  }
0x7b: {  	v1 =	vadd.f32 v2, v1;
	_ =	sdelay $0x1  }
0x7c: {  	v2 =	vmul.f32 $2.000000030e-01, v1;
	_ =	sdelay $0x1  }
0x7d: {  	v1 =	vmax.f32 v1, v2  }
0x7e: {  	v1 =	vmul.f32 $1.442695020e+00, v1;
	_ =	sdelay $0x1  }
0x7f: {  	(erf) = vpow2.f32 v1;
	_ =	sdelay $0x3  }
0x80: {  	v1 =	vld [tilespmem:s8+$0x10]  }
0x81: {  	v2 =	vld [tilespmem:s8+$0x5010];
	_ =	sdelay $0x2  }
0x82: {  	s9 =	sadd.s32 s6, s8  }
0x83: {  	p2 =	slt.u32 s9, $0x4E200;
	v3 =	vpop (erf)  }
0x84: {  	v3 =	vpsel !p2, $0x0, v3  }
0x85: {  	[tilespmem:s8+$0xEE20] =	vst v3  }
0x86: {  	v1 =	vld.idx.msk [tilespmem:v1+s23+$0x0], $0xffff  }
0x87: {  	v2 =	vld.idx.msk [tilespmem:v2+s24+$0x0], $0xffff;
	_ =	sdelay $0x4  }
0x88: {  	v1 =	vadd.f32 v2, v1;
	_ =	sdelay $0x1  }
0x89: {  	v2 =	vmul.f32 $2.000000030e-01, v1;
	_ =	sdelay $0x1  }
0x8a: {  	v1 =	vmax.f32 v1, v2  }
0x8b: {  	v1 =	vmul.f32 $1.442695020e+00, v1;
	_ =	sdelay $0x1  }
0x8c: {  	(erf) = vpow2.f32 v1;
	_ =	sdelay $0x3  }
0x8d: {  	v1 =	vld [tilespmem:s8+$0x20]  }
0x8e: {  	v2 =	vld [tilespmem:s8+$0x5020];
	_ =	sdelay $0x2  }
0x8f: {  	s10 =	sor.u32 $0x10, s9  }
0x90: {  	p4 =	slt.u32 s10, $0x4E200;
	v3 =	vpop (erf)  }
0x91: {  	v3 =	vpsel !p4, $0x0, v3  }
0x92: {  	[tilespmem:s8+$0xEE30] =	vst v3  }
0x93: {  	v1 =	vld.idx.msk [tilespmem:v1+s23+$0x0], $0xffff  }
0x94: {  	v2 =	vld.idx.msk [tilespmem:v2+s24+$0x0], $0xffff;
	_ =	sdelay $0x4  }
0x95: {  	v1 =	vadd.f32 v2, v1;
	_ =	sdelay $0x1  }
0x96: {  	v2 =	vmul.f32 $2.000000030e-01, v1;
	_ =	sdelay $0x1  }
0x97: {  	v1 =	vmax.f32 v1, v2  }
0x98: {  	v1 =	vmul.f32 $1.442695020e+00, v1;
	_ =	sdelay $0x1  }
0x99: {  	(erf) = vpow2.f32 v1;
	_ =	sdelay $0x3  }
0x9a: {  	v1 =	vld [tilespmem:s8+$0x30]  }
0x9b: {  	v2 =	vld [tilespmem:s8+$0x5030];
	_ =	sdelay $0x2  }
0x9c: {  	s14 =	sor.u32 $0x20, s9  }
0x9d: {  	p5 =	slt.u32 s14, $0x4E200;
	v3 =	vpop (erf)  }
0x9e: {  	v3 =	vpsel !p5, $0x0, v3  }
0x9f: {  	[tilespmem:s8+$0xEE40] =	vst v3  }
0xa0: {  	v1 =	vld.idx.msk [tilespmem:v1+s23+$0x0], $0xffff  }
0xa1: {  	v2 =	vld.idx.msk [tilespmem:v2+s24+$0x0], $0xffff;
	_ =	sdelay $0x4  }
0xa2: {  	v1 =	vadd.f32 v2, v1;
	_ =	sdelay $0x1  }
0xa3: {  	v2 =	vmul.f32 $2.000000030e-01, v1;
	_ =	sdelay $0x1  }
0xa4: {  	v1 =	vmax.f32 v1, v2  }
0xa5: {  	v1 =	vmul.f32 $1.442695020e+00, v1;
	_ =	sdelay $0x1  }
0xa6: {  	(erf) = vpow2.f32 v1;
	_ =	sdelay $0x3  }
0xa7: {  	v1 =	vld [tilespmem:s8+$0x40]  }
0xa8: {  	v2 =	vld [tilespmem:s8+$0x5040];
	_ =	sdelay $0x2  }
0xa9: {  	s11 =	sor.u32 $0x30, s9  }
0xaa: {  	p6 =	slt.u32 s11, $0x4E200;
	v3 =	vpop (erf)  }
0xab: {  	v3 =	vpsel !p6, $0x0, v3  }
0xac: {  	[tilespmem:s8+$0xEE50] =	vst v3  }
0xad: {  	v1 =	vld.idx.msk [tilespmem:v1+s23+$0x0], $0xffff  }
0xae: {  	v2 =	vld.idx.msk [tilespmem:v2+s24+$0x0], $0xffff;
	_ =	sdelay $0x4  }
0xaf: {  	v1 =	vadd.f32 v2, v1;
	_ =	sdelay $0x1  }
0xb0: {  	v2 =	vmul.f32 $2.000000030e-01, v1;
	_ =	sdelay $0x1  }
0xb1: {  	v1 =	vmax.f32 v1, v2  }
0xb2: {  	v1 =	vmul.f32 $1.442695020e+00, v1;
	_ =	sdelay $0x1  }
0xb3: {  	(erf) = vpow2.f32 v1;
	_ =	sdelay $0x3  }
0xb4: {  	v1 =	vld [tilespmem:s8+$0x50]  }
0xb5: {  	v2 =	vld [tilespmem:s8+$0x5050];
	_ =	sdelay $0x2  }
0xb6: {  	s13 =	sor.u32 $0x40, s9  }
0xb7: {  	p3 =	slt.u32 s13, $0x4E200;
	v3 =	vpop (erf)  }
0xb8: {  	v3 =	vpsel !p3, $0x0, v3  }
0xb9: {  	[tilespmem:s8+$0xEE60] =	vst v3  }
0xba: {  	v1 =	vld.idx.msk [tilespmem:v1+s23+$0x0], $0xffff  }
0xbb: {  	v2 =	vld.idx.msk [tilespmem:v2+s24+$0x0], $0xffff;
	_ =	sdelay $0x4  }
0xbc: {  	v1 =	vadd.f32 v2, v1;
	_ =	sdelay $0x1  }
0xbd: {  	v2 =	vmul.f32 $2.000000030e-01, v1;
	_ =	sdelay $0x1  }
0xbe: {  	v1 =	vmax.f32 v1, v2  }
0xbf: {  	v1 =	vmul.f32 $1.442695020e+00, v1;
	_ =	sdelay $0x1  }
0xc0: {  	(erf) = vpow2.f32 v1;
	_ =	sdelay $0x3  }
0xc1: {  	v1 =	vld [tilespmem:s8+$0x60]  }
0xc2: {  	v2 =	vld [tilespmem:s8+$0x5060];
	_ =	sdelay $0x2  }
0xc3: {  	s14 =	sor.u32 $0x50, s9  }
0xc4: {  	p4 =	slt.u32 s14, $0x4E200;
	v3 =	vpop (erf)  }
0xc5: {  	v3 =	vpsel !p4, $0x0, v3  }
0xc6: {  	[tilespmem:s8+$0xEE70] =	vst v3  }
0xc7: {  	v1 =	vld.idx.msk [tilespmem:v1+s23+$0x0], $0xffff  }
0xc8: {  	v2 =	vld.idx.msk [tilespmem:v2+s24+$0x0], $0xffff;
	_ =	sdelay $0x4  }
0xc9: {  	v1 =	vadd.f32 v2, v1;
	_ =	sdelay $0x1  }
0xca: {  	v2 =	vmul.f32 $2.000000030e-01, v1;
	_ =	sdelay $0x1  }
0xcb: {  	v1 =	vmax.f32 v1, v2  }
0xcc: {  	v1 =	vmul.f32 $1.442695020e+00, v1;
	_ =	sdelay $0x1  }
0xcd: {  	(erf) = vpow2.f32 v1;
	_ =	sdelay $0x3  }
0xce: {  	v1 =	vld [tilespmem:s8+$0x70]  }
0xcf: {  	v2 =	vld [tilespmem:s8+$0x5070];
	_ =	sdelay $0x2  }
0xd0: {  	s11 =	sor.u32 $0x60, s9  }
0xd1: {  	p5 =	slt.u32 s11, $0x4E200;
	v3 =	vpop (erf)  }
0xd2: {  	v3 =	vpsel !p5, $0x0, v3  }
0xd3: {  	[tilespmem:s8+$0xEE80] =	vst v3  }
0xd4: {  	v1 =	vld.idx.msk [tilespmem:v1+s23+$0x0], $0xffff  }
0xd5: {  	v2 =	vld.idx.msk [tilespmem:v2+s24+$0x0], $0xffff;
	_ =	sdelay $0x4  }
0xd6: {  	v1 =	vadd.f32 v2, v1;
	_ =	sdelay $0x1  }
0xd7: {  	v2 =	vmul.f32 $2.000000030e-01, v1;
	_ =	sdelay $0x1  }
0xd8: {  	v1 =	vmax.f32 v1, v2  }
0xd9: {  	v1 =	vmul.f32 $1.442695020e+00, v1;
	_ =	sdelay $0x1  }
0xda: {  	(erf) = vpow2.f32 v1;
	_ =	sdelay $0x7  }
0xdb: {  	s9 =	sor.u32 $0x70, s9  }
0xdc: {  	p6 =	slt.u32 s9, $0x4E200;
	v1 =	vpop (erf)  }
0xdd: {  	v1 =	vpsel !p6, $0x0, v1  }
0xde: {  	[tilespmem:s8+$0xEE90] =	vst v1  }
0xdf: {  	_ =	swait.ge [sflag:s31], $0x800  }
0xe0: {  	p2 =	seq.s32 s7, $0x0;
	[sflag:s31] =	ssyncset.done $0x0  }
0xe1: {  	s9 =	simm.s32 @!p2 $0x2;
	[sflag:s31] =	ssyncadd.s32 $0xFFFFF800  }
0xe2: {  	p3 =	seq.s32 @!p2 s7, $0x9F;
	_ =	swait.ge @!p2 [sflag:s9], $0x1000  }
0xe3: {  	p3 =	por p2, !p3;
	[sflag:s9] =	ssyncset.done @!p2 $0x0  }
0xe4: {  	s13 =	simm.s32 $0x0;
	[sflag:s9] =	ssyncadd.s32 @!p2 $0xFFFFF000;
	s9 =	sadd.s32 @p3 $0x1, s7  }
0xe5: {  	v2 =	vmov s13;
	s10 =	sshll.u32 @p3 s9, $0xB  }
0xe6: {  	v2 =	vand.u32 $0x7F, v2;
	v1 =	vmov s8;
	s9 =	sshll.u32 @p3 s9, $0x7;
	s10 =	sand.u32 @p3 $0x800, s10  }
0xe7: {  	v2 =	vor.u32 v1, v2;
	s9 =	sand.u32 @p3 $0x3FFFFF80, s9;
	s10 =	sadd.s32 @p3 $0x13E20, s10  }
0xe8: {  	v2 =	vbroadcast v2, $0x0;
	[tilespmem:s10], [sflag:$0x1] =	stream.indirect.gather @p3 [spmem:s2], $0x10, s9, s29, $0xb8;
	[tilespmem:$0x1E850] =	vst v63  }
0xe9: {  	s9 =	simm.s32 $0x1  }
0xea: {  	s9 =	simm.s32 @!p1 $0x0  }
0xeb: {  	s14 =	sshll.u32 s9, $0xB  }
0xec: {  	s10 =	sadd.s32 $0x13E20, s14  }
0xed: {  	v3 =	vld [tilespmem:s10+$0x0]  }
0xee: {  	v2 =	vld.idx.msk [tilespmem:v2+s1+$0x0], $0xffff  }
0xef: {  	s11 =	simm.s32 $0x1  }
0xf0: {  	v4 =	vmov s11  }
0xf1: {  	v4 =	vand.u32 $0x7F, v4  }
0xf2: {  	v4 =	vor.u32 v1, v4;
	v5 =	vand.u32 $0xFFFF0000, v3  }
0xf3: {  	v4 =	vbroadcast v4, $0x0;
	s9 =	sshll.u32 s9, $0xC;
	v3 =	vshll.u32 v3, $0x10;
	v5 =	vmul.f32 v5, v2  }
0xf4: {  	s11 =	sor.u32 $0x14E30, s9;
	v2 =	vmul.f32 v3, v2  }
0xf5: {  	[tilespmem:s11+$0x0] =	vst v5  }
0xf6: {  	s13 =	sadd.s32 $0x10, s10;
	[tilespmem:s11+$0xFFFFFFF0] =	vst v2  }
0xf7: {  	v2 =	vld [tilespmem:s13+$0x0];
	_ =	sdelay $0x1  }
0xf8: {  	s14 =	simm.s32 $0x2;
	s9 =	sadd.s32 $0x5000, s8;
	v3 =	vld.idx.msk [tilespmem:v4+s1+$0x0], $0xffff  }
0xf9: {  	s8 =	sadd.s32 $0xEE20, s8;
	s10 =	sand.u32 $0x1, s7;
	v4 =	vmov s14;
	s14 =	simm.s32 $0x3  }
.LBB2_5:
0xfa: {  	p2 =	sne.s32 s14, $0x7F;
	v4 =	vand.u32 $0x7F, v4  }
0xfb: {  	v4 =	vor.u32 v1, v4;
	v5 =	vshll.u32 v2, $0x10  }
0xfc: {  	v2 =	vand.u32 $0xFFFF0000, v2;
	v4 =	vbroadcast v4, $0x0  }
0xfd: {  	v5 =	vmul.f32 v5, v3;
	v2 =	vmul.f32 v2, v3  }
0xfe: {  	s11 =	sadd.s32 $0x20, s11  }
0xff: {  	[tilespmem:s11+$0x0] =	vst v2  }
.Ltmp1:
0x100: {  	s13 =	sadd.s32 $0x10, s13;
	[tilespmem:s11+$0xFFFFFFF0] =	vst v5;
	(pc) =	sbr.rel @p2 .LBB2_5-.Ltmp1, $3  }
0x101: {  	v2 =	vld [tilespmem:s13+$0x0]  }
0x102: {  	v3 =	vld.idx.msk [tilespmem:v4+s1+$0x0], $0xffff;
	_ =	sdelay $0x1  }
0x103: {  	v4 =	vmov s14;
	s14 =	sadd.s32 $0x1, s14  }
0x104: {  	v4 =	vand.u32 $0x7F, v4  }
0x105: {  	v1 =	vor.u32 v1, v4  }
0x106: {  	v63 =	vand.u32 $0xFFFF0000, v2;
	v1 =	vbroadcast v1, $0x0  }
0x107: {  	v2 =	vshll.u32 v2, $0x10;
	v4 =	vmul.f32 v63, v3  }
0x108: {  	s11 =	sadd.s32 $0x20, s11;
	v2 =	vmul.f32 v2, v3  }
0x109: {  	[tilespmem:s11+$0x0] =	vst v4  }
0x10a: {  	s13 =	sadd.s32 $0x10, s13;
	[tilespmem:s11+$0xFFFFFFF0] =	vst v2  }
0x10b: {  	v2 =	vld [tilespmem:s13+$0x0]  }
0x10c: {  	v1 =	vld.idx.msk [tilespmem:v1+s1+$0x0], $0xffff;
	_ =	sdelay $0x3  }
0x10d: {  	v3 =	vand.u32 $0xFFFF0000, v2  }
0x10e: {  	v2 =	vshll.u32 v2, $0x10;
	v3 =	vmul.f32 v3, v1  }
0x10f: {  	s11 =	sadd.s32 $0x20, s11;
	v1 =	vmul.f32 v2, v1  }
0x110: {  	s10 =	sshll.u32 s10, $0xC;
	[tilespmem:s11+$0x0] =	vst v3  }
0x111: {  	s10 =	sor.u32 $0x14E20, s10;
	[tilespmem:s11+$0xFFFFFFF0] =	vst v1  }
0x112: {  	[spmem:s3] =	stream.indirect.scatter.add.f32 [tilespmem:s10], [sflag:$0x2], $0x20, s9, s29, $0xb8;
	[tilespmem:$0x1E850] =	vst v63  }
0x113: {  	p2 =	sgt.u32 s7, $0x4F;
	s11 =	simm.s32 $0x1;
	s10 =	simm.s32 $0x1  }
0x114: {  	s11 =	simm.s32 @!p0 $0x0;
	s10 =	simm.s32 @!p2 $0x0  }
0x115: {  	p2 =	seq.s32 s11, s10  }
0x116: {  	s7 =	sadd.s32 $0x1, s7;
	s10 =	simm.s32 @!p2 $0x80  }
0x117: {  	[spmem:s4] =	stream.indirect.scatter.add.f32 @!p2 [tilespmem:s8], [sflag:$0x3], $0x1, s9, s10, $0xb8;
	[tilespmem:$0x1E850] =	vst v63  }
0x118: {  	p2 =	sne.s32 s7, $0xA0  }
.Ltmp2:
0x119: {  	_ = 	snop;
	(pc) =	sbr.rel @p2 .LBB2_4-.Ltmp2, $2  }
0x11a: {  	_ =	sdelay $0x2  }
0x11b: {  	p1 =	por !p1, !p1  }
0x11c: {  	_ =	swait.ge [sflag:s22], $0x1000  }
0x11d: {  	[sflag:s22] =	ssyncset.done $0x0  }
0x11e: {  	[sflag:s22] =	ssyncadd.s32 $0xFFFFF000  }
0x11f: {  	_ =	swait.ge [sflag:s28], $0x80  }
0x120: {  	s7 =	simm.s32 $0x4F;
	[sflag:s28] =	ssyncset.done $0x0  }
.LBB2_8:
0x121: {  	p1 =	sne.s32 s7, $0x1;
	s7 =	sadd.s32 $0xFFFFFFFF, s7;
	[sflag:s28] =	ssyncadd.s32 $0xFFFFFF80  }
.Ltmp3:
0x122: {  	(pc) =	sbr.rel @p1 .LBB2_8-.Ltmp3, $3  }
0x123: {  	_ =	sdelay $0x1  }
0x124: {  	_ =	swait.ge [sflag:s28], $0x80  }
0x125: {  	[sflag:s28] =	ssyncset.done $0x0  }
0x126: {  	[sflag:s28] =	ssyncadd.s32 $0xFFFFFF80  }
0x127: {  	s7 =	sshrl.u32 s12, $0x3;
	[bflag:$0x0] =	sbarrier.arrive $0xFFFF  }
0x128: {  	[hbm:s18], [sflag:s0] =	dma.local [spmem:s7], $0x9C4  }
0x129: {  	s30 =	sadd.s32 $0x1, s30;
	_ =	swait.ge [sflag:s21], $0x9C4  }
0x12a: {  	p1 =	sne.s32 s30, s20;
	[sflag:s21] =	ssyncset.done $0x0  }
.Ltmp4:
0x12b: {  	s14 =	sshrl.u32 s17, $0x3;
	[sflag:s21] =	ssyncadd.s32 $0xFFFFF63C;
	(pc) =	sbr.rel @p1 .LBB2_1-.Ltmp4, $4  }
0x12c: {  	[hbm:s19], [sflag:s0] =	dma.local [spmem:s14], $0x50  }
0x12d: {  	_ =	swait.ge [sflag:s21], $0x50  }
0x12e: {  	[sflag:s21] =	ssyncset.done $0x0  }
0x12f: {  	[sflag:s21] =	ssyncadd.s32 $0xFFFFFFB0  }
0x130: {  	_ =	sfence.sel $0x180000  }
0x131: {  	[bflag:$0x0] =	sbarrier.arrive $0xFFFF  }
0x132: {  	_ =	strace $0x90000047  }
0x133: {  	s0 =	stileid.u32;
	[bflag:$0x2] =	sbarrier.arrive $0xFFFF  }
0x134: {  	p0 =	sne.s32 s0, $0x0;
	s0 =	rddreg [dreg:$0x4]  }
0x135: {  	s0 =	sadd.s32 @!p0 $0x100000, s0  }
0x136: {  	[sflag:s0] =	ssyncadd.tile.s32 @!p0 $0x1;
	_ =	shalt  }
.Lfunc_end2:
_tile_overlayer_lowered:
.L_overlay_start_2:
0x137: {  	(tag) =	ssettag $0x2  }
0x138: {  	s0 =	rddreg [dreg:$0x0];
	s2 =	stileid.u32  }
0x139: {  	s1 =	rddreg [dreg:$0x1];
	p0 =	sne.s32 s2, $0x0  }
0x13a: {  	s3 =	rddreg [dreg:$0x2];
	[bflag:$0x3] =	sbarrier.arrive $0xFFFF;
	s2 =	simm.s32 @!p0 $0x1C04  }
0x13b: {  	[timem:s3], [sflag:s2] =	dma.local @!p0 [hbm:s0], s1  }
0x13c: {  	s0 =	simm.s32 @!p0 $0x4  }
0x13d: {  	_ =	swait.ge @!p0 [sflag:s0], s1  }
0x13e: {  	s1 =	ssub.s32 @!p0 $0x0, s1;
	[sflag:s0] =	ssyncset.done @!p0 $0x0  }
0x13f: {  	[sflag:s0] =	ssyncadd.s32 @!p0 s1  }
0x140: {  	[bflag:$0x3] =	sbarrier.arrive $0xFFFF  }
0x141: {  	_ =	shalt  }

</sc_bundles>
